<compile_context>
chip_gen: v7x
topology: tpu7x:2x2x1
jax: 0.10.2.dev20260603
libtpu: 0.0.44.dev20260713+nightly
codegen_flags: <defaults>
</compile_context>

<pallas_src>
import jax
import jax.numpy as jnp
from jax import lax
from jax.experimental import pallas as pl
from jax.experimental.pallas import tpu as pltpu
from jax.experimental.pallas import tpu_sc as plsc

N = 10000
E = 160000
IN_DIMS = 256
HID1 = 256
HID2 = 128
OUT = 64

NC = 2
NS = 16
G = 125
NCH_D = E // (NC * NS * G)
NP = 10240
RPT = NP // NS
W128 = 128

_MESH = plsc.VectorSubcoreMesh(core_axis_name="c", subcore_axis_name="s")


NBUF = 2


def _pipelined_scatter_gather(table, out, src_v, dst_v, bufs, gsems, ssems,
                              acc, ngroups, r0, init_ref, init_sem):
    init_cp = pltpu.async_copy(
        init_ref.at[pl.ds(r0, RPT)], acc.at[pl.ds(r0, RPT)], init_sem)
    init_cp.wait()
    plsc.subcore_barrier()

    def group(i, carry):
        gcps = []
        for b in range(NBUF):
            j = i * NBUF + b
            gcps.append(
                pltpu.async_copy(table.at[src_v.at[j]], bufs[b], gsems[b]))
        scps = []
        for b in range(NBUF):
            j = i * NBUF + b
            gcps[b].wait()
            scps.append(
                pltpu.async_copy(bufs[b], acc.at[dst_v.at[j]], ssems[b],
                                 add=True))
        for b in range(NBUF):
            scps[b].wait()
        return carry

    lax.fori_loop(0, ngroups, group, 0)
    plsc.subcore_barrier()
    pltpu.sync_copy(acc.at[pl.ds(r0, RPT)], out.at[pl.ds(r0, RPT)])


def _deg_body(dst_hbm, ones_hbm, zeros_hbm, d0_hbm, d1_hbm, dst_v, ones_v,
              acc, init_sem, *ssems):
    c = lax.axis_index("c")
    s = lax.axis_index("s")
    w = c * NS + s
    pltpu.sync_copy(dst_hbm.at[w], dst_v)
    pltpu.sync_copy(ones_hbm, ones_v)
    r0 = s * RPT
    init_cp = pltpu.async_copy(
        zeros_hbm.at[pl.ds(r0, RPT)], acc.at[pl.ds(r0, RPT)], init_sem)
    init_cp.wait()
    plsc.subcore_barrier()

    def group(i, carry):
        scps = []
        for b in range(NBUF):
            j = i * NBUF + b
            scps.append(
                pltpu.async_copy(ones_v, acc.at[dst_v.at[j]], ssems[b],
                                 add=True))
        for b in range(NBUF):
            scps[b].wait()
        return carry

    lax.fori_loop(0, NCH_D // NBUF, group, 0)
    plsc.subcore_barrier()

    def wout(out):
        pltpu.sync_copy(acc.at[pl.ds(r0, RPT)], out.at[pl.ds(r0, RPT)])

    pl.when(c == 0)(lambda: wout(d0_hbm))
    pl.when(c == 1)(lambda: wout(d1_hbm))


_deg_call = pl.kernel(
    _deg_body,
    out_type=[jax.ShapeDtypeStruct((NP, W128), jnp.float32)] * 2,
    mesh=_MESH,
    scratch_types=[
        pltpu.VMEM((NCH_D, G), jnp.int32),
        pltpu.VMEM((G, W128), jnp.float32),
        pltpu.VMEM_SHARED((NP, W128), jnp.float32),
        pltpu.SemaphoreType.DMA,
    ] + [pltpu.SemaphoreType.DMA] * NBUF,
)


def _pass_edge_body(hws, zeros_hbm, src_hbm, dst_hbm, out0, out1,
                    src_v, dst_v, b0, b1, acc, init_sem, *sems):
    c = lax.axis_index("c")
    s = lax.axis_index("s")
    w = c * NS + s
    pltpu.sync_copy(src_hbm.at[w], src_v)
    pltpu.sync_copy(dst_hbm.at[w], dst_v)
    r0 = s * RPT
    bufs = (b0, b1)
    gsems, ssems = sems[:NBUF], sems[NBUF:]

    def work(init_ref, out):
        _pipelined_scatter_gather(hws, out, src_v, dst_v, bufs, gsems,
                                  ssems, acc, NCH_D // NBUF, r0,
                                  init_ref, init_sem)

    pl.when(c == 0)(lambda: work(hws, out0))
    pl.when(c == 1)(lambda: work(zeros_hbm, out1))


_pass_edge_call = pl.kernel(
    _pass_edge_body,
    out_type=[jax.ShapeDtypeStruct((NP, W128), jnp.float32)] * 2,
    mesh=_MESH,
    scratch_types=[
        pltpu.VMEM((NCH_D, G), jnp.int32),
        pltpu.VMEM((NCH_D, G), jnp.int32),
    ] + [pltpu.VMEM((G, W128), jnp.float32)] * NBUF + [
        pltpu.VMEM_SHARED((NP, W128), jnp.float32),
        pltpu.SemaphoreType.DMA,
    ] + [pltpu.SemaphoreType.DMA] * (2 * NBUF),
)


def _pass_edge2_body(hA, hB, zeros_hbm, src_hbm, dst_hbm,
                     outA0, outA1, outB0, outB1,
                     src_v, dst_v, b0, b1, acc, init_sem, *sems):
    c = lax.axis_index("c")
    s = lax.axis_index("s")
    w = c * NS + s
    pltpu.sync_copy(src_hbm.at[w], src_v)
    pltpu.sync_copy(dst_hbm.at[w], dst_v)
    r0 = s * RPT
    bufs = (b0, b1)
    gsems, ssems = sems[:NBUF], sems[NBUF:]

    def work(table, init_ref, out):
        _pipelined_scatter_gather(table, out, src_v, dst_v, bufs, gsems,
                                  ssems, acc, NCH_D // NBUF, r0,
                                  init_ref, init_sem)

    pl.when(c == 0)(lambda: work(hA, hA, outA0))
    pl.when(c == 1)(lambda: work(hA, zeros_hbm, outA1))
    plsc.subcore_barrier()
    pl.when(c == 0)(lambda: work(hB, hB, outB0))
    pl.when(c == 1)(lambda: work(hB, zeros_hbm, outB1))


_pass_edge2_call = pl.kernel(
    _pass_edge2_body,
    out_type=[jax.ShapeDtypeStruct((NP, W128), jnp.float32)] * 4,
    mesh=_MESH,
    scratch_types=[
        pltpu.VMEM((NCH_D, G), jnp.int32),
        pltpu.VMEM((NCH_D, G), jnp.int32),
    ] + [pltpu.VMEM((G, W128), jnp.float32)] * NBUF + [
        pltpu.VMEM_SHARED((NP, W128), jnp.float32),
        pltpu.SemaphoreType.DMA,
    ] + [pltpu.SemaphoreType.DMA] * (2 * NBUF),
)


TM = 1000


def _dinv_of(d0, d1):
    deg = d0[:, 0:1] + d1[:, 0:1] + 1.0
    return lax.rsqrt(deg)


def _mm1_body(x_ref, w_ref, b_ref, d0_ref, d1_ref, o0_ref, o1_ref, dv_ref):
    dinv = _dinv_of(d0_ref[...], d1_ref[...])
    hw = jnp.dot(x_ref[...], w_ref[...], preferred_element_type=jnp.float32)
    hws = (hw + b_ref[...]) * dinv
    half = hws.shape[1] // 2
    o0_ref[...] = hws[:, :half]
    o1_ref[...] = hws[:, half:]
    dv_ref[...] = jnp.broadcast_to(dinv, (dinv.shape[0], 16))


def _mm_cat_body(a0_ref, a1_ref, a2_ref, a3_ref, w_ref, b_ref, dv_ref,
                 o_ref):
    dinv = dv_ref[:, 0:1]
    h = jnp.concatenate([a0_ref[...] + a1_ref[...],
                         a2_ref[...] + a3_ref[...]], axis=1) * dinv
    h = jnp.maximum(h, 0.0)
    hw = jnp.dot(h, w_ref[...], preferred_element_type=jnp.float32)
    o_ref[...] = (hw + b_ref[...]) * dinv


def _mm_add_body(a0_ref, a1_ref, w_ref, b_ref, dv_ref, o_ref):
    dinv = dv_ref[:, 0:1]
    h = (a0_ref[...] + a1_ref[...]) * dinv
    h = jnp.maximum(h, 0.0)
    hw = jnp.dot(h, w_ref[...], preferred_element_type=jnp.float32)
    o_ref[...] = (hw + b_ref[...]) * dinv


def _z_body(a0_ref, a1_ref, dv_ref, eps_ref, z_ref):
    dinv = dv_ref[:, 0:1]
    ml = (a0_ref[...] + a1_ref[...]) * dinv
    mu = ml[:, :OUT]
    logstd = jnp.minimum(ml[:, OUT:], 10.0)
    z_ref[...] = mu + eps_ref[...] * jnp.exp(logstd)


def _row_spec(cols):
    return pl.BlockSpec((TM, cols), lambda i: (i, 0))


def _full_spec(shape):
    return pl.BlockSpec(shape, lambda i: (0,) * len(shape))


def _mm1(x, W, b, d0, d1):
    dout = W.shape[1]
    return pl.pallas_call(
        _mm1_body,
        grid=(N // TM,),
        in_specs=[
            _row_spec(x.shape[1]),
            _full_spec(W.shape),
            _full_spec((1, dout)),
            _row_spec(W128),
            _row_spec(W128),
        ],
        out_specs=[_row_spec(dout // 2), _row_spec(dout // 2),
                   _row_spec(16)],
        out_shape=[jax.ShapeDtypeStruct((NP, dout // 2), jnp.float32)] * 2
        + [jax.ShapeDtypeStruct((NP, 16), jnp.float32)],
    )(x, W, b.reshape(1, -1), d0, d1)


def _mm2(body, aparts, W, b, dinv16):
    dout = W.shape[1]
    return pl.pallas_call(
        body,
        grid=(N // TM,),
        in_specs=[_row_spec(a.shape[1]) for a in aparts] + [
            _full_spec(W.shape),
            _full_spec((1, dout)),
            _row_spec(16),
        ],
        out_specs=_row_spec(dout),
        out_shape=jax.ShapeDtypeStruct((NP, dout), jnp.float32),
    )(*aparts, W, b.reshape(1, -1), dinv16)


def _zfin(a0, a1, dinv16, eps):
    return pl.pallas_call(
        _z_body,
        grid=(N // TM,),
        in_specs=[
            _row_spec(W128),
            _row_spec(W128),
            _row_spec(16),
            _row_spec(OUT),
        ],
        out_specs=_row_spec(OUT),
        out_shape=jax.ShapeDtypeStruct((N, OUT), jnp.float32),
    )(a0, a1, dinv16, eps)


def kernel(x, edge_index, W1, b1, W2, b2, Wmu, bmu, Wls, bls):
    src = edge_index[0].astype(jnp.int32)
    dst = edge_index[1].astype(jnp.int32)
    src32 = src.reshape(NC * NS, NCH_D, G)
    dst32 = dst.reshape(NC * NS, NCH_D, G)

    ones_g = jnp.ones((G, W128), jnp.float32)
    zeros_n = jnp.zeros((NP, W128), jnp.float32)

    d0, d1 = _deg_call(dst32, ones_g, zeros_n)

    h0, h1, dinv16 = _mm1(x, W1, b1, d0, d1)
    p0a, p0b, p1a, p1b = _pass_edge2_call(h0, h1, zeros_n, src32, dst32)

    hws2 = _mm2(_mm_cat_body, (p0a, p0b, p1a, p1b), W2, b2, dinv16)
    a0, a1 = _pass_edge_call(hws2, zeros_n, src32, dst32)

    Wml = jnp.concatenate([Wmu, Wls], axis=1)
    bml = jnp.concatenate([bmu, bls], axis=0)
    hws3 = _mm2(_mm_add_body, (a0, a1), Wml, bml, dinv16)
    a0, a1 = _pass_edge_call(hws3, zeros_n, src32, dst32)

    eps = jax.random.normal(jax.random.key(42), (N, OUT), dtype=jnp.float32)
    return _zfin(a0, a1, dinv16, eps)

# --- scband reference (transcript-rebuilt; emitter-appended) ---
"""Pipeline reference for scband-gvaebipartite-net-auto-encoder-82257213653400 (READ-ONLY COPY).

The authoritative reference and input builder live on the scoring server;
editing this copy changes nothing except your own understanding.
"""

import jax, jax.numpy as jnp
import numpy as np

N = 10000
E = 160000
IN_DIMS = 256
HID1 = 256
HID2 = 128
OUT = 64


def setup_inputs(seed: int = 0) -> dict:
    key = jax.random.key(seed)
    ks = jax.random.split(key, 10)
    x = jax.random.normal(ks[0], (N, IN_DIMS), dtype=jnp.float32)
    edge_index = jax.random.randint(ks[1], (2, E), 0, N)
    def lin(k, fin, fout):
        return jax.random.normal(k, (fin, fout), dtype=jnp.float32) / np.sqrt(fin)
    W1 = lin(ks[2], IN_DIMS, HID1)
    b1 = jnp.zeros((HID1,), dtype=jnp.float32)
    W2 = lin(ks[3], HID1, HID2)
    b2 = jnp.zeros((HID2,), dtype=jnp.float32)
    Wmu = lin(ks[4], HID2, OUT)
    bmu = jnp.zeros((OUT,), dtype=jnp.float32)
    Wls = lin(ks[5], HID2, OUT)
    bls = jnp.zeros((OUT,), dtype=jnp.float32)
    return {"x": x, "edge_index": edge_index, "W1": W1, "b1": b1, "W2": W2, "b2": b2, "Wmu": Wmu, "bmu": bmu, "Wls": Wls, "bls": bls}


def reference(x, edge_index, W1, b1, W2, b2, Wmu, bmu, Wls, bls):
    # GVAE forward: GCN encoder -> (mu, logstd) -> clamp -> reparametrize -> z
    n = x.shape[0]
    si = jnp.arange(n)
    src = jnp.concatenate([edge_index[0], si])
    dst = jnp.concatenate([edge_index[1], si])
    deg = jnp.zeros((n,), dtype=x.dtype).at[dst].add(1.0)
    dinv = 1.0 / jnp.sqrt(deg)
    norm = (dinv[src] * dinv[dst])[:, None]

    def gcn_conv(h, W, b):
        hw = h @ W + b
        msg = hw[src] * norm
        return jnp.zeros_like(hw).at[dst].add(msg)

    h1 = jax.nn.relu(gcn_conv(x, W1, b1))
    h2 = jax.nn.relu(gcn_conv(h1, W2, b2))
    mu = gcn_conv(h2, Wmu, bmu)
    logstd = jnp.minimum(gcn_conv(h2, Wls, bls), 10.0)  # clamp(max=MAX_LOGSTD)
    eps = jax.random.normal(jax.random.key(42), mu.shape, dtype=mu.dtype)
    z = mu + eps * jnp.exp(logstd)
    return z

if __name__ == "__main__":
    import jax
    _d = setup_inputs()
    print(jax.jit(kernel)(*tuple(_d.values())))

</pallas_src>

<mosaic_0001>
#map = affine_map<(d0, d1) -> (0, 0)>
#map1 = affine_map<(d0, d1) -> (0, 0, 0)>
module attributes {stable_mosaic.version = 14 : i64} {
  func.func @_pass_edge2_body(%arg0: i32, %arg1: i32, %arg2: memref<10240x128xf32, #tpu.memory_space<hbm>>, %arg3: memref<10240x128xf32, #tpu.memory_space<hbm>>, %arg4: memref<10240x128xf32, #tpu.memory_space<hbm>>, %arg5: memref<32x40x125xi32, #tpu.memory_space<hbm>>, %arg6: memref<32x40x125xi32, #tpu.memory_space<hbm>>, %arg7: memref<10240x128xf32, #tpu.memory_space<hbm>>, %arg8: memref<10240x128xf32, #tpu.memory_space<hbm>>, %arg9: memref<10240x128xf32, #tpu.memory_space<hbm>>, %arg10: memref<10240x128xf32, #tpu.memory_space<hbm>>, %arg11: memref<40x125xi32, #tpu.memory_space<vmem>>, %arg12: memref<40x125xi32, #tpu.memory_space<vmem>>, %arg13: memref<125x128xf32, #tpu.memory_space<vmem>>, %arg14: memref<125x128xf32, #tpu.memory_space<vmem>>, %arg15: memref<10240x128xf32, #tpu.memory_space<vmem_shared>>, %arg16: memref<!tpu.dma_semaphore, #tpu.memory_space<semaphore_mem>>, %arg17: memref<!tpu.dma_semaphore, #tpu.memory_space<semaphore_mem>>, %arg18: memref<!tpu.dma_semaphore, #tpu.memory_space<semaphore_mem>>, %arg19: memref<!tpu.dma_semaphore, #tpu.memory_space<semaphore_mem>>, %arg20: memref<!tpu.dma_semaphore, #tpu.memory_space<semaphore_mem>>) attributes {dimension_semantics = [#tpu.dimension_semantics<core_parallel>, #tpu.dimension_semantics<subcore_parallel>], iteration_bounds = array<i64: 2, 16>, scalar_prefetch = 0 : i64, scratch_operands = 10 : i64, tpu.core_type = #tpu.core_type<sc_vector_subcore>, window_params = [{transform_indices = #map}, {transform_indices = #map}, {transform_indices = #map}, {transform_indices = #map1}, {transform_indices = #map1}, {transform_indices = #map}, {transform_indices = #map}, {transform_indices = #map}, {transform_indices = #map}]} {
    %mul3A = arith.constant 16 : i32
    %mul3A_0 = arith.muli %arg0, %mul3A : i32
    %add3A = arith.addi %mul3A_0, %arg1 : i32
    "tpu.region"() ({
      %run_scoped3A = tpu.sem_alloc : memref<!tpu.dma_semaphore, #tpu.memory_space<semaphore_mem>>
      %dma_start3A = arith.constant 0 : i32
      %dma_start3A_20 = arith.constant 0 : i32
      %dma_start3A_21 = tpu.memref_slice %arg5[%add3A, %dma_start3A, %dma_start3A_20] : memref<32x40x125xi32, #tpu.memory_space<hbm>> -> memref<1x40x125xi32, #tpu.memory_space<hbm>>
      %dma_start3A_22 = tpu.memref_squeeze %dma_start3A_21 : memref<1x40x125xi32, #tpu.memory_space<hbm>> -> memref<40x125xi32, #tpu.memory_space<hbm>>
      %dma_start3A_23 = arith.constant 0 : i32
      %dma_start3A_24 = arith.constant 0 : i32
      %dma_start3A_25 = tpu.memref_slice %arg5[%add3A, %dma_start3A_23, %dma_start3A_24] : memref<32x40x125xi32, #tpu.memory_space<hbm>> -> memref<1x40x125xi32, #tpu.memory_space<hbm>>
      %dma_start3A_26 = tpu.memref_squeeze %dma_start3A_25 : memref<1x40x125xi32, #tpu.memory_space<hbm>> -> memref<40x125xi32, #tpu.memory_space<hbm>>
      tpu.enqueue_dma source(%dma_start3A_26 : memref<40x125xi32, #tpu.memory_space<hbm>>) target(%arg11 : memref<40x125xi32, #tpu.memory_space<vmem>>) target_semaphore(%run_scoped3A : memref<!tpu.dma_semaphore, #tpu.memory_space<semaphore_mem>>)
      %dma_wait3A = arith.constant 0 : i32
      %dma_wait3A_27 = arith.constant 0 : i32
      %dma_wait3A_28 = tpu.memref_slice %arg5[%add3A, %dma_wait3A, %dma_wait3A_27] : memref<32x40x125xi32, #tpu.memory_space<hbm>> -> memref<1x40x125xi32, #tpu.memory_space<hbm>>
      %dma_wait3A_29 = tpu.memref_squeeze %dma_wait3A_28 : memref<1x40x125xi32, #tpu.memory_space<hbm>> -> memref<40x125xi32, #tpu.memory_space<hbm>>
      %dma_wait3A_30 = arith.constant 0 : i32
      %dma_wait3A_31 = arith.constant 0 : i32
      %dma_wait3A_32 = tpu.memref_slice %arg5[%add3A, %dma_wait3A_30, %dma_wait3A_31] : memref<32x40x125xi32, #tpu.memory_space<hbm>> -> memref<1x40x125xi32, #tpu.memory_space<hbm>>
      %dma_wait3A_33 = tpu.memref_squeeze %dma_wait3A_32 : memref<1x40x125xi32, #tpu.memory_space<hbm>> -> memref<40x125xi32, #tpu.memory_space<hbm>>
      tpu.wait_dma2 semaphore(%run_scoped3A : memref<!tpu.dma_semaphore, #tpu.memory_space<semaphore_mem>>) src(%dma_wait3A_33 : memref<40x125xi32, #tpu.memory_space<hbm>>) dst(%arg11 : memref<40x125xi32, #tpu.memory_space<vmem>>)
      tpu.yield
    }) : () -> ()
    "tpu.region"() ({
      %run_scoped3A = tpu.sem_alloc : memref<!tpu.dma_semaphore, #tpu.memory_space<semaphore_mem>>
      %dma_start3A = arith.constant 0 : i32
      %dma_start3A_20 = arith.constant 0 : i32
      %dma_start3A_21 = tpu.memref_slice %arg6[%add3A, %dma_start3A, %dma_start3A_20] : memref<32x40x125xi32, #tpu.memory_space<hbm>> -> memref<1x40x125xi32, #tpu.memory_space<hbm>>
      %dma_start3A_22 = tpu.memref_squeeze %dma_start3A_21 : memref<1x40x125xi32, #tpu.memory_space<hbm>> -> memref<40x125xi32, #tpu.memory_space<hbm>>
      %dma_start3A_23 = arith.constant 0 : i32
      %dma_start3A_24 = arith.constant 0 : i32
      %dma_start3A_25 = tpu.memref_slice %arg6[%add3A, %dma_start3A_23, %dma_start3A_24] : memref<32x40x125xi32, #tpu.memory_space<hbm>> -> memref<1x40x125xi32, #tpu.memory_space<hbm>>
      %dma_start3A_26 = tpu.memref_squeeze %dma_start3A_25 : memref<1x40x125xi32, #tpu.memory_space<hbm>> -> memref<40x125xi32, #tpu.memory_space<hbm>>
      tpu.enqueue_dma source(%dma_start3A_26 : memref<40x125xi32, #tpu.memory_space<hbm>>) target(%arg12 : memref<40x125xi32, #tpu.memory_space<vmem>>) target_semaphore(%run_scoped3A : memref<!tpu.dma_semaphore, #tpu.memory_space<semaphore_mem>>)
      %dma_wait3A = arith.constant 0 : i32
      %dma_wait3A_27 = arith.constant 0 : i32
      %dma_wait3A_28 = tpu.memref_slice %arg6[%add3A, %dma_wait3A, %dma_wait3A_27] : memref<32x40x125xi32, #tpu.memory_space<hbm>> -> memref<1x40x125xi32, #tpu.memory_space<hbm>>
      %dma_wait3A_29 = tpu.memref_squeeze %dma_wait3A_28 : memref<1x40x125xi32, #tpu.memory_space<hbm>> -> memref<40x125xi32, #tpu.memory_space<hbm>>
      %dma_wait3A_30 = arith.constant 0 : i32
      %dma_wait3A_31 = arith.constant 0 : i32
      %dma_wait3A_32 = tpu.memref_slice %arg6[%add3A, %dma_wait3A_30, %dma_wait3A_31] : memref<32x40x125xi32, #tpu.memory_space<hbm>> -> memref<1x40x125xi32, #tpu.memory_space<hbm>>
      %dma_wait3A_33 = tpu.memref_squeeze %dma_wait3A_32 : memref<1x40x125xi32, #tpu.memory_space<hbm>> -> memref<40x125xi32, #tpu.memory_space<hbm>>
      tpu.wait_dma2 semaphore(%run_scoped3A : memref<!tpu.dma_semaphore, #tpu.memory_space<semaphore_mem>>) src(%dma_wait3A_33 : memref<40x125xi32, #tpu.memory_space<hbm>>) dst(%arg12 : memref<40x125xi32, #tpu.memory_space<vmem>>)
      tpu.yield
    }) : () -> ()
    %mul3A_1 = arith.constant 640 : i32
    %mul3A_2 = arith.muli %arg1, %mul3A_1 : i32
    %eq3A = arith.constant 0 : i32
    %eq3A_3 = arith.cmpi eq, %arg0, %eq3A : i32
    %convert_element_type3A = arith.extui %eq3A_3 : i1 to i32
    %cond3A = arith.constant 0 : i32
    %cond3A_4 = arith.cmpi ne, %convert_element_type3A, %cond3A : i32
    scf.if %cond3A_4 {
      %dma_start3A = arith.constant 0 : i32
      %dma_start3A_20 = tpu.memref_slice %arg15[%mul3A_2, %dma_start3A] : memref<10240x128xf32, #tpu.memory_space<vmem_shared>> -> memref<640x128xf32, #tpu.memory_space<vmem_shared>>
      %dma_start3A_21 = arith.constant 0 : i32
      %dma_start3A_22 = tpu.memref_slice %arg2[%mul3A_2, %dma_start3A_21] : memref<10240x128xf32, #tpu.memory_space<hbm>> -> memref<640x128xf32, #tpu.memory_space<hbm>>
      tpu.enqueue_dma source(%dma_start3A_22 : memref<640x128xf32, #tpu.memory_space<hbm>>) target(%dma_start3A_20 : memref<640x128xf32, #tpu.memory_space<vmem_shared>>) target_semaphore(%arg16 : memref<!tpu.dma_semaphore, #tpu.memory_space<semaphore_mem>>)
      %dma_wait3A = arith.constant 0 : i32
      %dma_wait3A_23 = tpu.memref_slice %arg15[%mul3A_2, %dma_wait3A] : memref<10240x128xf32, #tpu.memory_space<vmem_shared>> -> memref<640x128xf32, #tpu.memory_space<vmem_shared>>
      %dma_wait3A_24 = arith.constant 0 : i32
      %dma_wait3A_25 = tpu.memref_slice %arg2[%mul3A_2, %dma_wait3A_24] : memref<10240x128xf32, #tpu.memory_space<hbm>> -> memref<640x128xf32, #tpu.memory_space<hbm>>
      tpu.wait_dma2 semaphore(%arg16 : memref<!tpu.dma_semaphore, #tpu.memory_space<semaphore_mem>>) src(%dma_wait3A_25 : memref<640x128xf32, #tpu.memory_space<hbm>>) dst(%dma_wait3A_23 : memref<640x128xf32, #tpu.memory_space<vmem_shared>>)
      %barrier3A_26 = arith.constant 0 : index
      tpu.barrier barrier_id(%barrier3A_26)
      %scan3A = arith.constant 0 : i32
      %scan3A_27 = arith.constant 0 : i32
      %scan3A_28 = arith.constant 20 : i32
      %scan3A_29 = arith.addi %scan3A_27, %scan3A_28 : i32
      %scan3A_30 = arith.constant 1 : i32
      scf.for %scan3A_33 = %scan3A_27 to %scan3A_29 step %scan3A_30  : i32 {
        %mul3A_34 = arith.constant 2 : i32
        %mul3A_35 = arith.muli %scan3A_33, %mul3A_34 : i32
        %add3A_36 = arith.constant 0 : i32
        %add3A_37 = arith.addi %mul3A_35, %add3A_36 : i32
        %dma_start3A_38 = arith.constant 0 : i32
        %dma_start3A_39 = tpu.memref_slice %arg11[%add3A_37, %dma_start3A_38] : memref<40x125xi32, #tpu.memory_space<vmem>> -> memref<1x125xi32, #tpu.memory_space<vmem>>
        %dma_start3A_40 = tpu.memref_squeeze %dma_start3A_39 : memref<1x125xi32, #tpu.memory_space<vmem>> -> memref<125xi32, #tpu.memory_space<vmem>>
        %dma_start3A_41 = arith.constant 0 : i32
        %dma_start3A_42 = arith.constant 0 : i32
        %dma_start3A_43 = tpu.memref_slice %arg2[%dma_start3A_41, %dma_start3A_42] : memref<10240x128xf32, #tpu.memory_space<hbm>> -> memref<10240x128xf32, #tpu.memory_space<hbm>>
        tpu.enqueue_indirect_dma source(%dma_start3A_43 : memref<10240x128xf32, #tpu.memory_space<hbm>>) target(%arg13 : memref<125x128xf32, #tpu.memory_space<vmem>>) offsets(%dma_start3A_40 : memref<125xi32, #tpu.memory_space<vmem>>) semaphore(%arg17 : memref<!tpu.dma_semaphore, #tpu.memory_space<semaphore_mem>>)
        %mul3A_44 = arith.constant 2 : i32
        %mul3A_45 = arith.muli %scan3A_33, %mul3A_44 : i32
        %add3A_46 = arith.constant 1 : i32
        %add3A_47 = arith.addi %mul3A_45, %add3A_46 : i32
        %dma_start3A_48 = arith.constant 0 : i32
        %dma_start3A_49 = tpu.memref_slice %arg11[%add3A_47, %dma_start3A_48] : memref<40x125xi32, #tpu.memory_space<vmem>> -> memref<1x125xi32, #tpu.memory_space<vmem>>
        %dma_start3A_50 = tpu.memref_squeeze %dma_start3A_49 : memref<1x125xi32, #tpu.memory_space<vmem>> -> memref<125xi32, #tpu.memory_space<vmem>>
        %dma_start3A_51 = arith.constant 0 : i32
        %dma_start3A_52 = arith.constant 0 : i32
        %dma_start3A_53 = tpu.memref_slice %arg2[%dma_start3A_51, %dma_start3A_52] : memref<10240x128xf32, #tpu.memory_space<hbm>> -> memref<10240x128xf32, #tpu.memory_space<hbm>>
        tpu.enqueue_indirect_dma source(%dma_start3A_53 : memref<10240x128xf32, #tpu.memory_space<hbm>>) target(%arg14 : memref<125x128xf32, #tpu.memory_space<vmem>>) offsets(%dma_start3A_50 : memref<125xi32, #tpu.memory_space<vmem>>) semaphore(%arg18 : memref<!tpu.dma_semaphore, #tpu.memory_space<semaphore_mem>>)
        %mul3A_54 = arith.constant 2 : i32
        %mul3A_55 = arith.muli %scan3A_33, %mul3A_54 : i32
        %add3A_56 = arith.constant 0 : i32
        %add3A_57 = arith.addi %mul3A_55, %add3A_56 : i32
        %dma_wait3A_58 = arith.constant 0 : i32
        %dma_wait3A_59 = tpu.memref_slice %arg11[%add3A_37, %dma_wait3A_58] : memref<40x125xi32, #tpu.memory_space<vmem>> -> memref<1x125xi32, #tpu.memory_space<vmem>>
        %dma_wait3A_60 = tpu.memref_squeeze %dma_wait3A_59 : memref<1x125xi32, #tpu.memory_space<vmem>> -> memref<125xi32, #tpu.memory_space<vmem>>
        %dma_wait3A_61 = arith.constant 0 : i32
        %dma_wait3A_62 = arith.constant 0 : i32
        %dma_wait3A_63 = tpu.memref_slice %arg2[%dma_wait3A_61, %dma_wait3A_62] : memref<10240x128xf32, #tpu.memory_space<hbm>> -> memref<10240x128xf32, #tpu.memory_space<hbm>>
        tpu.wait_indirect_dma semaphore(%arg17 : memref<!tpu.dma_semaphore, #tpu.memory_space<semaphore_mem>>) src(%dma_wait3A_63 : memref<10240x128xf32, #tpu.memory_space<hbm>>) dst(%arg13 : memref<125x128xf32, #tpu.memory_space<vmem>>)
        %dma_start3A_64 = arith.constant 0 : i32
        %dma_start3A_65 = tpu.memref_slice %arg12[%add3A_57, %dma_start3A_64] : memref<40x125xi32, #tpu.memory_space<vmem>> -> memref<1x125xi32, #tpu.memory_space<vmem>>
        %dma_start3A_66 = tpu.memref_squeeze %dma_start3A_65 : memref<1x125xi32, #tpu.memory_space<vmem>> -> memref<125xi32, #tpu.memory_space<vmem>>
        %dma_start3A_67 = arith.constant 0 : i32
        %dma_start3A_68 = arith.constant 0 : i32
        %dma_start3A_69 = tpu.memref_slice %arg15[%dma_start3A_67, %dma_start3A_68] : memref<10240x128xf32, #tpu.memory_space<vmem_shared>> -> memref<10240x128xf32, #tpu.memory_space<vmem_shared>>
        tpu.enqueue_indirect_dma source(%arg13 : memref<125x128xf32, #tpu.memory_space<vmem>>) target(%dma_start3A_69 : memref<10240x128xf32, #tpu.memory_space<vmem_shared>>) offsets(%dma_start3A_66 : memref<125xi32, #tpu.memory_space<vmem>>) semaphore(%arg19 : memref<!tpu.dma_semaphore, #tpu.memory_space<semaphore_mem>>) {add = true}
        %mul3A_70 = arith.constant 2 : i32
        %mul3A_71 = arith.muli %scan3A_33, %mul3A_70 : i32
        %add3A_72 = arith.constant 1 : i32
        %add3A_73 = arith.addi %mul3A_71, %add3A_72 : i32
        %dma_wait3A_74 = arith.constant 0 : i32
        %dma_wait3A_75 = tpu.memref_slice %arg11[%add3A_47, %dma_wait3A_74] : memref<40x125xi32, #tpu.memory_space<vmem>> -> memref<1x125xi32, #tpu.memory_space<vmem>>
        %dma_wait3A_76 = tpu.memref_squeeze %dma_wait3A_75 : memref<1x125xi32, #tpu.memory_space<vmem>> -> memref<125xi32, #tpu.memory_space<vmem>>
        %dma_wait3A_77 = arith.constant 0 : i32
        %dma_wait3A_78 = arith.constant 0 : i32
        %dma_wait3A_79 = tpu.memref_slice %arg2[%dma_wait3A_77, %dma_wait3A_78] : memref<10240x128xf32, #tpu.memory_space<hbm>> -> memref<10240x128xf32, #tpu.memory_space<hbm>>
        tpu.wait_indirect_dma semaphore(%arg18 : memref<!tpu.dma_semaphore, #tpu.memory_space<semaphore_mem>>) src(%dma_wait3A_79 : memref<10240x128xf32, #tpu.memory_space<hbm>>) dst(%arg14 : memref<125x128xf32, #tpu.memory_space<vmem>>)
        %dma_start3A_80 = arith.constant 0 : i32
        %dma_start3A_81 = tpu.memref_slice %arg12[%add3A_73, %dma_start3A_80] : memref<40x125xi32, #tpu.memory_space<vmem>> -> memref<1x125xi32, #tpu.memory_space<vmem>>
        %dma_start3A_82 = tpu.memref_squeeze %dma_start3A_81 : memref<1x125xi32, #tpu.memory_space<vmem>> -> memref<125xi32, #tpu.memory_space<vmem>>
        %dma_start3A_83 = arith.constant 0 : i32
        %dma_start3A_84 = arith.constant 0 : i32
        %dma_start3A_85 = tpu.memref_slice %arg15[%dma_start3A_83, %dma_start3A_84] : memref<10240x128xf32, #tpu.memory_space<vmem_shared>> -> memref<10240x128xf32, #tpu.memory_space<vmem_shared>>
        tpu.enqueue_indirect_dma source(%arg14 : memref<125x128xf32, #tpu.memory_space<vmem>>) target(%dma_start3A_85 : memref<10240x128xf32, #tpu.memory_space<vmem_shared>>) offsets(%dma_start3A_82 : memref<125xi32, #tpu.memory_space<vmem>>) semaphore(%arg20 : memref<!tpu.dma_semaphore, #tpu.memory_space<semaphore_mem>>) {add = true}
        %dma_wait3A_86 = arith.constant 0 : i32
        %dma_wait3A_87 = tpu.memref_slice %arg12[%add3A_57, %dma_wait3A_86] : memref<40x125xi32, #tpu.memory_space<vmem>> -> memref<1x125xi32, #tpu.memory_space<vmem>>
        %dma_wait3A_88 = tpu.memref_squeeze %dma_wait3A_87 : memref<1x125xi32, #tpu.memory_space<vmem>> -> memref<125xi32, #tpu.memory_space<vmem>>
        %dma_wait3A_89 = arith.constant 0 : i32
        %dma_wait3A_90 = arith.constant 0 : i32
        %dma_wait3A_91 = tpu.memref_slice %arg15[%dma_wait3A_89, %dma_wait3A_90] : memref<10240x128xf32, #tpu.memory_space<vmem_shared>> -> memref<10240x128xf32, #tpu.memory_space<vmem_shared>>
        tpu.wait_indirect_dma semaphore(%arg19 : memref<!tpu.dma_semaphore, #tpu.memory_space<semaphore_mem>>) src(%arg13 : memref<125x128xf32, #tpu.memory_space<vmem>>) dst(%dma_wait3A_91 : memref<10240x128xf32, #tpu.memory_space<vmem_shared>>)
        %dma_wait3A_92 = arith.constant 0 : i32
        %dma_wait3A_93 = tpu.memref_slice %arg12[%add3A_73, %dma_wait3A_92] : memref<40x125xi32, #tpu.memory_space<vmem>> -> memref<1x125xi32, #tpu.memory_space<vmem>>
        %dma_wait3A_94 = tpu.memref_squeeze %dma_wait3A_93 : memref<1x125xi32, #tpu.memory_space<vmem>> -> memref<125xi32, #tpu.memory_space<vmem>>
        %dma_wait3A_95 = arith.constant 0 : i32
        %dma_wait3A_96 = arith.constant 0 : i32
        %dma_wait3A_97 = tpu.memref_slice %arg15[%dma_wait3A_95, %dma_wait3A_96] : memref<10240x128xf32, #tpu.memory_space<vmem_shared>> -> memref<10240x128xf32, #tpu.memory_space<vmem_shared>>
        tpu.wait_indirect_dma semaphore(%arg20 : memref<!tpu.dma_semaphore, #tpu.memory_space<semaphore_mem>>) src(%arg14 : memref<125x128xf32, #tpu.memory_space<vmem>>) dst(%dma_wait3A_97 : memref<10240x128xf32, #tpu.memory_space<vmem_shared>>)
      }
      %scan3A_31 = arith.constant 20 : i32
      %barrier3A_32 = arith.constant 0 : index
      tpu.barrier barrier_id(%barrier3A_32)
      "tpu.region"() ({
        %run_scoped3A = tpu.sem_alloc : memref<!tpu.dma_semaphore, #tpu.memory_space<semaphore_mem>>
        %dma_start3A_33 = arith.constant 0 : i32
        %dma_start3A_34 = tpu.memref_slice %arg7[%mul3A_2, %dma_start3A_33] : memref<10240x128xf32, #tpu.memory_space<hbm>> -> memref<640x128xf32, #tpu.memory_space<hbm>>
        %dma_start3A_35 = arith.constant 0 : i32
        %dma_start3A_36 = tpu.memref_slice %arg15[%mul3A_2, %dma_start3A_35] : memref<10240x128xf32, #tpu.memory_space<vmem_shared>> -> memref<640x128xf32, #tpu.memory_space<vmem_shared>>
        tpu.enqueue_dma source(%dma_start3A_36 : memref<640x128xf32, #tpu.memory_space<vmem_shared>>) target(%dma_start3A_34 : memref<640x128xf32, #tpu.memory_space<hbm>>) target_semaphore(%run_scoped3A : memref<!tpu.dma_semaphore, #tpu.memory_space<semaphore_mem>>)
        %dma_wait3A_37 = arith.constant 0 : i32
        %dma_wait3A_38 = tpu.memref_slice %arg7[%mul3A_2, %dma_wait3A_37] : memref<10240x128xf32, #tpu.memory_space<hbm>> -> memref<640x128xf32, #tpu.memory_space<hbm>>
        %dma_wait3A_39 = arith.constant 0 : i32
        %dma_wait3A_40 = tpu.memref_slice %arg15[%mul3A_2, %dma_wait3A_39] : memref<10240x128xf32, #tpu.memory_space<vmem_shared>> -> memref<640x128xf32, #tpu.memory_space<vmem_shared>>
        tpu.wait_dma2 semaphore(%run_scoped3A : memref<!tpu.dma_semaphore, #tpu.memory_space<semaphore_mem>>) src(%dma_wait3A_40 : memref<640x128xf32, #tpu.memory_space<vmem_shared>>) dst(%dma_wait3A_38 : memref<640x128xf32, #tpu.memory_space<hbm>>)
        tpu.yield
      }) : () -> ()
    } else {
    }
    %eq3A_5 = arith.constant 1 : i32
    %eq3A_6 = arith.cmpi eq, %arg0, %eq3A_5 : i32
    %convert_element_type3A_7 = arith.extui %eq3A_6 : i1 to i32
    %cond3A_8 = arith.constant 0 : i32
    %cond3A_9 = arith.cmpi ne, %convert_element_type3A_7, %cond3A_8 : i32
    scf.if %cond3A_9 {
      %dma_start3A = arith.constant 0 : i32
      %dma_start3A_20 = tpu.memref_slice %arg15[%mul3A_2, %dma_start3A] : memref<10240x128xf32, #tpu.memory_space<vmem_shared>> -> memref<640x128xf32, #tpu.memory_space<vmem_shared>>
      %dma_start3A_21 = arith.constant 0 : i32
      %dma_start3A_22 = tpu.memref_slice %arg4[%mul3A_2, %dma_start3A_21] : memref<10240x128xf32, #tpu.memory_space<hbm>> -> memref<640x128xf32, #tpu.memory_space<hbm>>
      tpu.enqueue_dma source(%dma_start3A_22 : memref<640x128xf32, #tpu.memory_space<hbm>>) target(%dma_start3A_20 : memref<640x128xf32, #tpu.memory_space<vmem_shared>>) target_semaphore(%arg16 : memref<!tpu.dma_semaphore, #tpu.memory_space<semaphore_mem>>)
      %dma_wait3A = arith.constant 0 : i32
      %dma_wait3A_23 = tpu.memref_slice %arg15[%mul3A_2, %dma_wait3A] : memref<10240x128xf32, #tpu.memory_space<vmem_shared>> -> memref<640x128xf32, #tpu.memory_space<vmem_shared>>
      %dma_wait3A_24 = arith.constant 0 : i32
      %dma_wait3A_25 = tpu.memref_slice %arg4[%mul3A_2, %dma_wait3A_24] : memref<10240x128xf32, #tpu.memory_space<hbm>> -> memref<640x128xf32, #tpu.memory_space<hbm>>
      tpu.wait_dma2 semaphore(%arg16 : memref<!tpu.dma_semaphore, #tpu.memory_space<semaphore_mem>>) src(%dma_wait3A_25 : memref<640x128xf32, #tpu.memory_space<hbm>>) dst(%dma_wait3A_23 : memref<640x128xf32, #tpu.memory_space<vmem_shared>>)
      %barrier3A_26 = arith.constant 0 : index
      tpu.barrier barrier_id(%barrier3A_26)
      %scan3A = arith.constant 0 : i32
      %scan3A_27 = arith.constant 0 : i32
      %scan3A_28 = arith.constant 20 : i32
      %scan3A_29 = arith.addi %scan3A_27, %scan3A_28 : i32
      %scan3A_30 = arith.constant 1 : i32
      scf.for %scan3A_33 = %scan3A_27 to %scan3A_29 step %scan3A_30  : i32 {
        %mul3A_34 = arith.constant 2 : i32
        %mul3A_35 = arith.muli %scan3A_33, %mul3A_34 : i32
        %add3A_36 = arith.constant 0 : i32
        %add3A_37 = arith.addi %mul3A_35, %add3A_36 : i32
        %dma_start3A_38 = arith.constant 0 : i32
        %dma_start3A_39 = tpu.memref_slice %arg11[%add3A_37, %dma_start3A_38] : memref<40x125xi32, #tpu.memory_space<vmem>> -> memref<1x125xi32, #tpu.memory_space<vmem>>
        %dma_start3A_40 = tpu.memref_squeeze %dma_start3A_39 : memref<1x125xi32, #tpu.memory_space<vmem>> -> memref<125xi32, #tpu.memory_space<vmem>>
        %dma_start3A_41 = arith.constant 0 : i32
        %dma_start3A_42 = arith.constant 0 : i32
        %dma_start3A_43 = tpu.memref_slice %arg2[%dma_start3A_41, %dma_start3A_42] : memref<10240x128xf32, #tpu.memory_space<hbm>> -> memref<10240x128xf32, #tpu.memory_space<hbm>>
        tpu.enqueue_indirect_dma source(%dma_start3A_43 : memref<10240x128xf32, #tpu.memory_space<hbm>>) target(%arg13 : memref<125x128xf32, #tpu.memory_space<vmem>>) offsets(%dma_start3A_40 : memref<125xi32, #tpu.memory_space<vmem>>) semaphore(%arg17 : memref<!tpu.dma_semaphore, #tpu.memory_space<semaphore_mem>>)
        %mul3A_44 = arith.constant 2 : i32
        %mul3A_45 = arith.muli %scan3A_33, %mul3A_44 : i32
        %add3A_46 = arith.constant 1 : i32
        %add3A_47 = arith.addi %mul3A_45, %add3A_46 : i32
        %dma_start3A_48 = arith.constant 0 : i32
        %dma_start3A_49 = tpu.memref_slice %arg11[%add3A_47, %dma_start3A_48] : memref<40x125xi32, #tpu.memory_space<vmem>> -> memref<1x125xi32, #tpu.memory_space<vmem>>
        %dma_start3A_50 = tpu.memref_squeeze %dma_start3A_49 : memref<1x125xi32, #tpu.memory_space<vmem>> -> memref<125xi32, #tpu.memory_space<vmem>>
        %dma_start3A_51 = arith.constant 0 : i32
        %dma_start3A_52 = arith.constant 0 : i32
        %dma_start3A_53 = tpu.memref_slice %arg2[%dma_start3A_51, %dma_start3A_52] : memref<10240x128xf32, #tpu.memory_space<hbm>> -> memref<10240x128xf32, #tpu.memory_space<hbm>>
        tpu.enqueue_indirect_dma source(%dma_start3A_53 : memref<10240x128xf32, #tpu.memory_space<hbm>>) target(%arg14 : memref<125x128xf32, #tpu.memory_space<vmem>>) offsets(%dma_start3A_50 : memref<125xi32, #tpu.memory_space<vmem>>) semaphore(%arg18 : memref<!tpu.dma_semaphore, #tpu.memory_space<semaphore_mem>>)
        %mul3A_54 = arith.constant 2 : i32
        %mul3A_55 = arith.muli %scan3A_33, %mul3A_54 : i32
        %add3A_56 = arith.constant 0 : i32
        %add3A_57 = arith.addi %mul3A_55, %add3A_56 : i32
        %dma_wait3A_58 = arith.constant 0 : i32
        %dma_wait3A_59 = tpu.memref_slice %arg11[%add3A_37, %dma_wait3A_58] : memref<40x125xi32, #tpu.memory_space<vmem>> -> memref<1x125xi32, #tpu.memory_space<vmem>>
        %dma_wait3A_60 = tpu.memref_squeeze %dma_wait3A_59 : memref<1x125xi32, #tpu.memory_space<vmem>> -> memref<125xi32, #tpu.memory_space<vmem>>
        %dma_wait3A_61 = arith.constant 0 : i32
        %dma_wait3A_62 = arith.constant 0 : i32
        %dma_wait3A_63 = tpu.memref_slice %arg2[%dma_wait3A_61, %dma_wait3A_62] : memref<10240x128xf32, #tpu.memory_space<hbm>> -> memref<10240x128xf32, #tpu.memory_space<hbm>>
        tpu.wait_indirect_dma semaphore(%arg17 : memref<!tpu.dma_semaphore, #tpu.memory_space<semaphore_mem>>) src(%dma_wait3A_63 : memref<10240x128xf32, #tpu.memory_space<hbm>>) dst(%arg13 : memref<125x128xf32, #tpu.memory_space<vmem>>)
        %dma_start3A_64 = arith.constant 0 : i32
        %dma_start3A_65 = tpu.memref_slice %arg12[%add3A_57, %dma_start3A_64] : memref<40x125xi32, #tpu.memory_space<vmem>> -> memref<1x125xi32, #tpu.memory_space<vmem>>
        %dma_start3A_66 = tpu.memref_squeeze %dma_start3A_65 : memref<1x125xi32, #tpu.memory_space<vmem>> -> memref<125xi32, #tpu.memory_space<vmem>>
        %dma_start3A_67 = arith.constant 0 : i32
        %dma_start3A_68 = arith.constant 0 : i32
        %dma_start3A_69 = tpu.memref_slice %arg15[%dma_start3A_67, %dma_start3A_68] : memref<10240x128xf32, #tpu.memory_space<vmem_shared>> -> memref<10240x128xf32, #tpu.memory_space<vmem_shared>>
        tpu.enqueue_indirect_dma source(%arg13 : memref<125x128xf32, #tpu.memory_space<vmem>>) target(%dma_start3A_69 : memref<10240x128xf32, #tpu.memory_space<vmem_shared>>) offsets(%dma_start3A_66 : memref<125xi32, #tpu.memory_space<vmem>>) semaphore(%arg19 : memref<!tpu.dma_semaphore, #tpu.memory_space<semaphore_mem>>) {add = true}
        %mul3A_70 = arith.constant 2 : i32
        %mul3A_71 = arith.muli %scan3A_33, %mul3A_70 : i32
        %add3A_72 = arith.constant 1 : i32
        %add3A_73 = arith.addi %mul3A_71, %add3A_72 : i32
        %dma_wait3A_74 = arith.constant 0 : i32
        %dma_wait3A_75 = tpu.memref_slice %arg11[%add3A_47, %dma_wait3A_74] : memref<40x125xi32, #tpu.memory_space<vmem>> -> memref<1x125xi32, #tpu.memory_space<vmem>>
        %dma_wait3A_76 = tpu.memref_squeeze %dma_wait3A_75 : memref<1x125xi32, #tpu.memory_space<vmem>> -> memref<125xi32, #tpu.memory_space<vmem>>
        %dma_wait3A_77 = arith.constant 0 : i32
        %dma_wait3A_78 = arith.constant 0 : i32
        %dma_wait3A_79 = tpu.memref_slice %arg2[%dma_wait3A_77, %dma_wait3A_78] : memref<10240x128xf32, #tpu.memory_space<hbm>> -> memref<10240x128xf32, #tpu.memory_space<hbm>>
        tpu.wait_indirect_dma semaphore(%arg18 : memref<!tpu.dma_semaphore, #tpu.memory_space<semaphore_mem>>) src(%dma_wait3A_79 : memref<10240x128xf32, #tpu.memory_space<hbm>>) dst(%arg14 : memref<125x128xf32, #tpu.memory_space<vmem>>)
        %dma_start3A_80 = arith.constant 0 : i32
        %dma_start3A_81 = tpu.memref_slice %arg12[%add3A_73, %dma_start3A_80] : memref<40x125xi32, #tpu.memory_space<vmem>> -> memref<1x125xi32, #tpu.memory_space<vmem>>
        %dma_start3A_82 = tpu.memref_squeeze %dma_start3A_81 : memref<1x125xi32, #tpu.memory_space<vmem>> -> memref<125xi32, #tpu.memory_space<vmem>>
        %dma_start3A_83 = arith.constant 0 : i32
        %dma_start3A_84 = arith.constant 0 : i32
        %dma_start3A_85 = tpu.memref_slice %arg15[%dma_start3A_83, %dma_start3A_84] : memref<10240x128xf32, #tpu.memory_space<vmem_shared>> -> memref<10240x128xf32, #tpu.memory_space<vmem_shared>>
        tpu.enqueue_indirect_dma source(%arg14 : memref<125x128xf32, #tpu.memory_space<vmem>>) target(%dma_start3A_85 : memref<10240x128xf32, #tpu.memory_space<vmem_shared>>) offsets(%dma_start3A_82 : memref<125xi32, #tpu.memory_space<vmem>>) semaphore(%arg20 : memref<!tpu.dma_semaphore, #tpu.memory_space<semaphore_mem>>) {add = true}
        %dma_wait3A_86 = arith.constant 0 : i32
        %dma_wait3A_87 = tpu.memref_slice %arg12[%add3A_57, %dma_wait3A_86] : memref<40x125xi32, #tpu.memory_space<vmem>> -> memref<1x125xi32, #tpu.memory_space<vmem>>
        %dma_wait3A_88 = tpu.memref_squeeze %dma_wait3A_87 : memref<1x125xi32, #tpu.memory_space<vmem>> -> memref<125xi32, #tpu.memory_space<vmem>>
        %dma_wait3A_89 = arith.constant 0 : i32
        %dma_wait3A_90 = arith.constant 0 : i32
        %dma_wait3A_91 = tpu.memref_slice %arg15[%dma_wait3A_89, %dma_wait3A_90] : memref<10240x128xf32, #tpu.memory_space<vmem_shared>> -> memref<10240x128xf32, #tpu.memory_space<vmem_shared>>
        tpu.wait_indirect_dma semaphore(%arg19 : memref<!tpu.dma_semaphore, #tpu.memory_space<semaphore_mem>>) src(%arg13 : memref<125x128xf32, #tpu.memory_space<vmem>>) dst(%dma_wait3A_91 : memref<10240x128xf32, #tpu.memory_space<vmem_shared>>)
        %dma_wait3A_92 = arith.constant 0 : i32
        %dma_wait3A_93 = tpu.memref_slice %arg12[%add3A_73, %dma_wait3A_92] : memref<40x125xi32, #tpu.memory_space<vmem>> -> memref<1x125xi32, #tpu.memory_space<vmem>>
        %dma_wait3A_94 = tpu.memref_squeeze %dma_wait3A_93 : memref<1x125xi32, #tpu.memory_space<vmem>> -> memref<125xi32, #tpu.memory_space<vmem>>
        %dma_wait3A_95 = arith.constant 0 : i32
        %dma_wait3A_96 = arith.constant 0 : i32
        %dma_wait3A_97 = tpu.memref_slice %arg15[%dma_wait3A_95, %dma_wait3A_96] : memref<10240x128xf32, #tpu.memory_space<vmem_shared>> -> memref<10240x128xf32, #tpu.memory_space<vmem_shared>>
        tpu.wait_indirect_dma semaphore(%arg20 : memref<!tpu.dma_semaphore, #tpu.memory_space<semaphore_mem>>) src(%arg14 : memref<125x128xf32, #tpu.memory_space<vmem>>) dst(%dma_wait3A_97 : memref<10240x128xf32, #tpu.memory_space<vmem_shared>>)
      }
      %scan3A_31 = arith.constant 20 : i32
      %barrier3A_32 = arith.constant 0 : index
      tpu.barrier barrier_id(%barrier3A_32)
      "tpu.region"() ({
        %run_scoped3A = tpu.sem_alloc : memref<!tpu.dma_semaphore, #tpu.memory_space<semaphore_mem>>
        %dma_start3A_33 = arith.constant 0 : i32
        %dma_start3A_34 = tpu.memref_slice %arg8[%mul3A_2, %dma_start3A_33] : memref<10240x128xf32, #tpu.memory_space<hbm>> -> memref<640x128xf32, #tpu.memory_space<hbm>>
        %dma_start3A_35 = arith.constant 0 : i32
        %dma_start3A_36 = tpu.memref_slice %arg15[%mul3A_2, %dma_start3A_35] : memref<10240x128xf32, #tpu.memory_space<vmem_shared>> -> memref<640x128xf32, #tpu.memory_space<vmem_shared>>
        tpu.enqueue_dma source(%dma_start3A_36 : memref<640x128xf32, #tpu.memory_space<vmem_shared>>) target(%dma_start3A_34 : memref<640x128xf32, #tpu.memory_space<hbm>>) target_semaphore(%run_scoped3A : memref<!tpu.dma_semaphore, #tpu.memory_space<semaphore_mem>>)
        %dma_wait3A_37 = arith.constant 0 : i32
        %dma_wait3A_38 = tpu.memref_slice %arg8[%mul3A_2, %dma_wait3A_37] : memref<10240x128xf32, #tpu.memory_space<hbm>> -> memref<640x128xf32, #tpu.memory_space<hbm>>
        %dma_wait3A_39 = arith.constant 0 : i32
        %dma_wait3A_40 = tpu.memref_slice %arg15[%mul3A_2, %dma_wait3A_39] : memref<10240x128xf32, #tpu.memory_space<vmem_shared>> -> memref<640x128xf32, #tpu.memory_space<vmem_shared>>
        tpu.wait_dma2 semaphore(%run_scoped3A : memref<!tpu.dma_semaphore, #tpu.memory_space<semaphore_mem>>) src(%dma_wait3A_40 : memref<640x128xf32, #tpu.memory_space<vmem_shared>>) dst(%dma_wait3A_38 : memref<640x128xf32, #tpu.memory_space<hbm>>)
        tpu.yield
      }) : () -> ()
    } else {
    }
    %barrier3A = arith.constant 0 : index
    tpu.barrier barrier_id(%barrier3A)
    %eq3A_10 = arith.constant 0 : i32
    %eq3A_11 = arith.cmpi eq, %arg0, %eq3A_10 : i32
    %convert_element_type3A_12 = arith.extui %eq3A_11 : i1 to i32
    %cond3A_13 = arith.constant 0 : i32
    %cond3A_14 = arith.cmpi ne, %convert_element_type3A_12, %cond3A_13 : i32
    scf.if %cond3A_14 {
      %dma_start3A = arith.constant 0 : i32
      %dma_start3A_20 = tpu.memref_slice %arg15[%mul3A_2, %dma_start3A] : memref<10240x128xf32, #tpu.memory_space<vmem_shared>> -> memref<640x128xf32, #tpu.memory_space<vmem_shared>>
      %dma_start3A_21 = arith.constant 0 : i32
      %dma_start3A_22 = tpu.memref_slice %arg3[%mul3A_2, %dma_start3A_21] : memref<10240x128xf32, #tpu.memory_space<hbm>> -> memref<640x128xf32, #tpu.memory_space<hbm>>
      tpu.enqueue_dma source(%dma_start3A_22 : memref<640x128xf32, #tpu.memory_space<hbm>>) target(%dma_start3A_20 : memref<640x128xf32, #tpu.memory_space<vmem_shared>>) target_semaphore(%arg16 : memref<!tpu.dma_semaphore, #tpu.memory_space<semaphore_mem>>)
      %dma_wait3A = arith.constant 0 : i32
      %dma_wait3A_23 = tpu.memref_slice %arg15[%mul3A_2, %dma_wait3A] : memref<10240x128xf32, #tpu.memory_space<vmem_shared>> -> memref<640x128xf32, #tpu.memory_space<vmem_shared>>
      %dma_wait3A_24 = arith.constant 0 : i32
      %dma_wait3A_25 = tpu.memref_slice %arg3[%mul3A_2, %dma_wait3A_24] : memref<10240x128xf32, #tpu.memory_space<hbm>> -> memref<640x128xf32, #tpu.memory_space<hbm>>
      tpu.wait_dma2 semaphore(%arg16 : memref<!tpu.dma_semaphore, #tpu.memory_space<semaphore_mem>>) src(%dma_wait3A_25 : memref<640x128xf32, #tpu.memory_space<hbm>>) dst(%dma_wait3A_23 : memref<640x128xf32, #tpu.memory_space<vmem_shared>>)
      %barrier3A_26 = arith.constant 0 : index
      tpu.barrier barrier_id(%barrier3A_26)
      %scan3A = arith.constant 0 : i32
      %scan3A_27 = arith.constant 0 : i32
      %scan3A_28 = arith.constant 20 : i32
      %scan3A_29 = arith.addi %scan3A_27, %scan3A_28 : i32
      %scan3A_30 = arith.constant 1 : i32
      scf.for %scan3A_33 = %scan3A_27 to %scan3A_29 step %scan3A_30  : i32 {
        %mul3A_34 = arith.constant 2 : i32
        %mul3A_35 = arith.muli %scan3A_33, %mul3A_34 : i32
        %add3A_36 = arith.constant 0 : i32
        %add3A_37 = arith.addi %mul3A_35, %add3A_36 : i32
        %dma_start3A_38 = arith.constant 0 : i32
        %dma_start3A_39 = tpu.memref_slice %arg11[%add3A_37, %dma_start3A_38] : memref<40x125xi32, #tpu.memory_space<vmem>> -> memref<1x125xi32, #tpu.memory_space<vmem>>
        %dma_start3A_40 = tpu.memref_squeeze %dma_start3A_39 : memref<1x125xi32, #tpu.memory_space<vmem>> -> memref<125xi32, #tpu.memory_space<vmem>>
        %dma_start3A_41 = arith.constant 0 : i32
        %dma_start3A_42 = arith.constant 0 : i32
        %dma_start3A_43 = tpu.memref_slice %arg3[%dma_start3A_41, %dma_start3A_42] : memref<10240x128xf32, #tpu.memory_space<hbm>> -> memref<10240x128xf32, #tpu.memory_space<hbm>>
        tpu.enqueue_indirect_dma source(%dma_start3A_43 : memref<10240x128xf32, #tpu.memory_space<hbm>>) target(%arg13 : memref<125x128xf32, #tpu.memory_space<vmem>>) offsets(%dma_start3A_40 : memref<125xi32, #tpu.memory_space<vmem>>) semaphore(%arg17 : memref<!tpu.dma_semaphore, #tpu.memory_space<semaphore_mem>>)
        %mul3A_44 = arith.constant 2 : i32
        %mul3A_45 = arith.muli %scan3A_33, %mul3A_44 : i32
        %add3A_46 = arith.constant 1 : i32
        %add3A_47 = arith.addi %mul3A_45, %add3A_46 : i32
        %dma_start3A_48 = arith.constant 0 : i32
        %dma_start3A_49 = tpu.memref_slice %arg11[%add3A_47, %dma_start3A_48] : memref<40x125xi32, #tpu.memory_space<vmem>> -> memref<1x125xi32, #tpu.memory_space<vmem>>
        %dma_start3A_50 = tpu.memref_squeeze %dma_start3A_49 : memref<1x125xi32, #tpu.memory_space<vmem>> -> memref<125xi32, #tpu.memory_space<vmem>>
        %dma_start3A_51 = arith.constant 0 : i32
        %dma_start3A_52 = arith.constant 0 : i32
        %dma_start3A_53 = tpu.memref_slice %arg3[%dma_start3A_51, %dma_start3A_52] : memref<10240x128xf32, #tpu.memory_space<hbm>> -> memref<10240x128xf32, #tpu.memory_space<hbm>>
        tpu.enqueue_indirect_dma source(%dma_start3A_53 : memref<10240x128xf32, #tpu.memory_space<hbm>>) target(%arg14 : memref<125x128xf32, #tpu.memory_space<vmem>>) offsets(%dma_start3A_50 : memref<125xi32, #tpu.memory_space<vmem>>) semaphore(%arg18 : memref<!tpu.dma_semaphore, #tpu.memory_space<semaphore_mem>>)
        %mul3A_54 = arith.constant 2 : i32
        %mul3A_55 = arith.muli %scan3A_33, %mul3A_54 : i32
        %add3A_56 = arith.constant 0 : i32
        %add3A_57 = arith.addi %mul3A_55, %add3A_56 : i32
        %dma_wait3A_58 = arith.constant 0 : i32
        %dma_wait3A_59 = tpu.memref_slice %arg11[%add3A_37, %dma_wait3A_58] : memref<40x125xi32, #tpu.memory_space<vmem>> -> memref<1x125xi32, #tpu.memory_space<vmem>>
        %dma_wait3A_60 = tpu.memref_squeeze %dma_wait3A_59 : memref<1x125xi32, #tpu.memory_space<vmem>> -> memref<125xi32, #tpu.memory_space<vmem>>
        %dma_wait3A_61 = arith.constant 0 : i32
        %dma_wait3A_62 = arith.constant 0 : i32
        %dma_wait3A_63 = tpu.memref_slice %arg3[%dma_wait3A_61, %dma_wait3A_62] : memref<10240x128xf32, #tpu.memory_space<hbm>> -> memref<10240x128xf32, #tpu.memory_space<hbm>>
        tpu.wait_indirect_dma semaphore(%arg17 : memref<!tpu.dma_semaphore, #tpu.memory_space<semaphore_mem>>) src(%dma_wait3A_63 : memref<10240x128xf32, #tpu.memory_space<hbm>>) dst(%arg13 : memref<125x128xf32, #tpu.memory_space<vmem>>)
        %dma_start3A_64 = arith.constant 0 : i32
        %dma_start3A_65 = tpu.memref_slice %arg12[%add3A_57, %dma_start3A_64] : memref<40x125xi32, #tpu.memory_space<vmem>> -> memref<1x125xi32, #tpu.memory_space<vmem>>
        %dma_start3A_66 = tpu.memref_squeeze %dma_start3A_65 : memref<1x125xi32, #tpu.memory_space<vmem>> -> memref<125xi32, #tpu.memory_space<vmem>>
        %dma_start3A_67 = arith.constant 0 : i32
        %dma_start3A_68 = arith.constant 0 : i32
        %dma_start3A_69 = tpu.memref_slice %arg15[%dma_start3A_67, %dma_start3A_68] : memref<10240x128xf32, #tpu.memory_space<vmem_shared>> -> memref<10240x128xf32, #tpu.memory_space<vmem_shared>>
        tpu.enqueue_indirect_dma source(%arg13 : memref<125x128xf32, #tpu.memory_space<vmem>>) target(%dma_start3A_69 : memref<10240x128xf32, #tpu.memory_space<vmem_shared>>) offsets(%dma_start3A_66 : memref<125xi32, #tpu.memory_space<vmem>>) semaphore(%arg19 : memref<!tpu.dma_semaphore, #tpu.memory_space<semaphore_mem>>) {add = true}
        %mul3A_70 = arith.constant 2 : i32
        %mul3A_71 = arith.muli %scan3A_33, %mul3A_70 : i32
        %add3A_72 = arith.constant 1 : i32
        %add3A_73 = arith.addi %mul3A_71, %add3A_72 : i32
        %dma_wait3A_74 = arith.constant 0 : i32
        %dma_wait3A_75 = tpu.memref_slice %arg11[%add3A_47, %dma_wait3A_74] : memref<40x125xi32, #tpu.memory_space<vmem>> -> memref<1x125xi32, #tpu.memory_space<vmem>>
        %dma_wait3A_76 = tpu.memref_squeeze %dma_wait3A_75 : memref<1x125xi32, #tpu.memory_space<vmem>> -> memref<125xi32, #tpu.memory_space<vmem>>
        %dma_wait3A_77 = arith.constant 0 : i32
        %dma_wait3A_78 = arith.constant 0 : i32
        %dma_wait3A_79 = tpu.memref_slice %arg3[%dma_wait3A_77, %dma_wait3A_78] : memref<10240x128xf32, #tpu.memory_space<hbm>> -> memref<10240x128xf32, #tpu.memory_space<hbm>>
        tpu.wait_indirect_dma semaphore(%arg18 : memref<!tpu.dma_semaphore, #tpu.memory_space<semaphore_mem>>) src(%dma_wait3A_79 : memref<10240x128xf32, #tpu.memory_space<hbm>>) dst(%arg14 : memref<125x128xf32, #tpu.memory_space<vmem>>)
        %dma_start3A_80 = arith.constant 0 : i32
        %dma_start3A_81 = tpu.memref_slice %arg12[%add3A_73, %dma_start3A_80] : memref<40x125xi32, #tpu.memory_space<vmem>> -> memref<1x125xi32, #tpu.memory_space<vmem>>
        %dma_start3A_82 = tpu.memref_squeeze %dma_start3A_81 : memref<1x125xi32, #tpu.memory_space<vmem>> -> memref<125xi32, #tpu.memory_space<vmem>>
        %dma_start3A_83 = arith.constant 0 : i32
        %dma_start3A_84 = arith.constant 0 : i32
        %dma_start3A_85 = tpu.memref_slice %arg15[%dma_start3A_83, %dma_start3A_84] : memref<10240x128xf32, #tpu.memory_space<vmem_shared>> -> memref<10240x128xf32, #tpu.memory_space<vmem_shared>>
        tpu.enqueue_indirect_dma source(%arg14 : memref<125x128xf32, #tpu.memory_space<vmem>>) target(%dma_start3A_85 : memref<10240x128xf32, #tpu.memory_space<vmem_shared>>) offsets(%dma_start3A_82 : memref<125xi32, #tpu.memory_space<vmem>>) semaphore(%arg20 : memref<!tpu.dma_semaphore, #tpu.memory_space<semaphore_mem>>) {add = true}
        %dma_wait3A_86 = arith.constant 0 : i32
        %dma_wait3A_87 = tpu.memref_slice %arg12[%add3A_57, %dma_wait3A_86] : memref<40x125xi32, #tpu.memory_space<vmem>> -> memref<1x125xi32, #tpu.memory_space<vmem>>
        %dma_wait3A_88 = tpu.memref_squeeze %dma_wait3A_87 : memref<1x125xi32, #tpu.memory_space<vmem>> -> memref<125xi32, #tpu.memory_space<vmem>>
        %dma_wait3A_89 = arith.constant 0 : i32
        %dma_wait3A_90 = arith.constant 0 : i32
        %dma_wait3A_91 = tpu.memref_slice %arg15[%dma_wait3A_89, %dma_wait3A_90] : memref<10240x128xf32, #tpu.memory_space<vmem_shared>> -> memref<10240x128xf32, #tpu.memory_space<vmem_shared>>
        tpu.wait_indirect_dma semaphore(%arg19 : memref<!tpu.dma_semaphore, #tpu.memory_space<semaphore_mem>>) src(%arg13 : memref<125x128xf32, #tpu.memory_space<vmem>>) dst(%dma_wait3A_91 : memref<10240x128xf32, #tpu.memory_space<vmem_shared>>)
        %dma_wait3A_92 = arith.constant 0 : i32
        %dma_wait3A_93 = tpu.memref_slice %arg12[%add3A_73, %dma_wait3A_92] : memref<40x125xi32, #tpu.memory_space<vmem>> -> memref<1x125xi32, #tpu.memory_space<vmem>>
        %dma_wait3A_94 = tpu.memref_squeeze %dma_wait3A_93 : memref<1x125xi32, #tpu.memory_space<vmem>> -> memref<125xi32, #tpu.memory_space<vmem>>
        %dma_wait3A_95 = arith.constant 0 : i32
        %dma_wait3A_96 = arith.constant 0 : i32
        %dma_wait3A_97 = tpu.memref_slice %arg15[%dma_wait3A_95, %dma_wait3A_96] : memref<10240x128xf32, #tpu.memory_space<vmem_shared>> -> memref<10240x128xf32, #tpu.memory_space<vmem_shared>>
        tpu.wait_indirect_dma semaphore(%arg20 : memref<!tpu.dma_semaphore, #tpu.memory_space<semaphore_mem>>) src(%arg14 : memref<125x128xf32, #tpu.memory_space<vmem>>) dst(%dma_wait3A_97 : memref<10240x128xf32, #tpu.memory_space<vmem_shared>>)
      }
      %scan3A_31 = arith.constant 20 : i32
      %barrier3A_32 = arith.constant 0 : index
      tpu.barrier barrier_id(%barrier3A_32)
      "tpu.region"() ({
        %run_scoped3A = tpu.sem_alloc : memref<!tpu.dma_semaphore, #tpu.memory_space<semaphore_mem>>
        %dma_start3A_33 = arith.constant 0 : i32
        %dma_start3A_34 = tpu.memref_slice %arg9[%mul3A_2, %dma_start3A_33] : memref<10240x128xf32, #tpu.memory_space<hbm>> -> memref<640x128xf32, #tpu.memory_space<hbm>>
        %dma_start3A_35 = arith.constant 0 : i32
        %dma_start3A_36 = tpu.memref_slice %arg15[%mul3A_2, %dma_start3A_35] : memref<10240x128xf32, #tpu.memory_space<vmem_shared>> -> memref<640x128xf32, #tpu.memory_space<vmem_shared>>
        tpu.enqueue_dma source(%dma_start3A_36 : memref<640x128xf32, #tpu.memory_space<vmem_shared>>) target(%dma_start3A_34 : memref<640x128xf32, #tpu.memory_space<hbm>>) target_semaphore(%run_scoped3A : memref<!tpu.dma_semaphore, #tpu.memory_space<semaphore_mem>>)
        %dma_wait3A_37 = arith.constant 0 : i32
        %dma_wait3A_38 = tpu.memref_slice %arg9[%mul3A_2, %dma_wait3A_37] : memref<10240x128xf32, #tpu.memory_space<hbm>> -> memref<640x128xf32, #tpu.memory_space<hbm>>
        %dma_wait3A_39 = arith.constant 0 : i32
        %dma_wait3A_40 = tpu.memref_slice %arg15[%mul3A_2, %dma_wait3A_39] : memref<10240x128xf32, #tpu.memory_space<vmem_shared>> -> memref<640x128xf32, #tpu.memory_space<vmem_shared>>
        tpu.wait_dma2 semaphore(%run_scoped3A : memref<!tpu.dma_semaphore, #tpu.memory_space<semaphore_mem>>) src(%dma_wait3A_40 : memref<640x128xf32, #tpu.memory_space<vmem_shared>>) dst(%dma_wait3A_38 : memref<640x128xf32, #tpu.memory_space<hbm>>)
        tpu.yield
      }) : () -> ()
    } else {
    }
    %eq3A_15 = arith.constant 1 : i32
    %eq3A_16 = arith.cmpi eq, %arg0, %eq3A_15 : i32
    %convert_element_type3A_17 = arith.extui %eq3A_16 : i1 to i32
    %cond3A_18 = arith.constant 0 : i32
    %cond3A_19 = arith.cmpi ne, %convert_element_type3A_17, %cond3A_18 : i32
    scf.if %cond3A_19 {
      %dma_start3A = arith.constant 0 : i32
      %dma_start3A_20 = tpu.memref_slice %arg15[%mul3A_2, %dma_start3A] : memref<10240x128xf32, #tpu.memory_space<vmem_shared>> -> memref<640x128xf32, #tpu.memory_space<vmem_shared>>
      %dma_start3A_21 = arith.constant 0 : i32
      %dma_start3A_22 = tpu.memref_slice %arg4[%mul3A_2, %dma_start3A_21] : memref<10240x128xf32, #tpu.memory_space<hbm>> -> memref<640x128xf32, #tpu.memory_space<hbm>>
      tpu.enqueue_dma source(%dma_start3A_22 : memref<640x128xf32, #tpu.memory_space<hbm>>) target(%dma_start3A_20 : memref<640x128xf32, #tpu.memory_space<vmem_shared>>) target_semaphore(%arg16 : memref<!tpu.dma_semaphore, #tpu.memory_space<semaphore_mem>>)
      %dma_wait3A = arith.constant 0 : i32
      %dma_wait3A_23 = tpu.memref_slice %arg15[%mul3A_2, %dma_wait3A] : memref<10240x128xf32, #tpu.memory_space<vmem_shared>> -> memref<640x128xf32, #tpu.memory_space<vmem_shared>>
      %dma_wait3A_24 = arith.constant 0 : i32
      %dma_wait3A_25 = tpu.memref_slice %arg4[%mul3A_2, %dma_wait3A_24] : memref<10240x128xf32, #tpu.memory_space<hbm>> -> memref<640x128xf32, #tpu.memory_space<hbm>>
      tpu.wait_dma2 semaphore(%arg16 : memref<!tpu.dma_semaphore, #tpu.memory_space<semaphore_mem>>) src(%dma_wait3A_25 : memref<640x128xf32, #tpu.memory_space<hbm>>) dst(%dma_wait3A_23 : memref<640x128xf32, #tpu.memory_space<vmem_shared>>)
      %barrier3A_26 = arith.constant 0 : index
      tpu.barrier barrier_id(%barrier3A_26)
      %scan3A = arith.constant 0 : i32
      %scan3A_27 = arith.constant 0 : i32
      %scan3A_28 = arith.constant 20 : i32
      %scan3A_29 = arith.addi %scan3A_27, %scan3A_28 : i32
      %scan3A_30 = arith.constant 1 : i32
      scf.for %scan3A_33 = %scan3A_27 to %scan3A_29 step %scan3A_30  : i32 {
        %mul3A_34 = arith.constant 2 : i32
        %mul3A_35 = arith.muli %scan3A_33, %mul3A_34 : i32
        %add3A_36 = arith.constant 0 : i32
        %add3A_37 = arith.addi %mul3A_35, %add3A_36 : i32
        %dma_start3A_38 = arith.constant 0 : i32
        %dma_start3A_39 = tpu.memref_slice %arg11[%add3A_37, %dma_start3A_38] : memref<40x125xi32, #tpu.memory_space<vmem>> -> memref<1x125xi32, #tpu.memory_space<vmem>>
        %dma_start3A_40 = tpu.memref_squeeze %dma_start3A_39 : memref<1x125xi32, #tpu.memory_space<vmem>> -> memref<125xi32, #tpu.memory_space<vmem>>
        %dma_start3A_41 = arith.constant 0 : i32
        %dma_start3A_42 = arith.constant 0 : i32
        %dma_start3A_43 = tpu.memref_slice %arg3[%dma_start3A_41, %dma_start3A_42] : memref<10240x128xf32, #tpu.memory_space<hbm>> -> memref<10240x128xf32, #tpu.memory_space<hbm>>
        tpu.enqueue_indirect_dma source(%dma_start3A_43 : memref<10240x128xf32, #tpu.memory_space<hbm>>) target(%arg13 : memref<125x128xf32, #tpu.memory_space<vmem>>) offsets(%dma_start3A_40 : memref<125xi32, #tpu.memory_space<vmem>>) semaphore(%arg17 : memref<!tpu.dma_semaphore, #tpu.memory_space<semaphore_mem>>)
        %mul3A_44 = arith.constant 2 : i32
        %mul3A_45 = arith.muli %scan3A_33, %mul3A_44 : i32
        %add3A_46 = arith.constant 1 : i32
        %add3A_47 = arith.addi %mul3A_45, %add3A_46 : i32
        %dma_start3A_48 = arith.constant 0 : i32
        %dma_start3A_49 = tpu.memref_slice %arg11[%add3A_47, %dma_start3A_48] : memref<40x125xi32, #tpu.memory_space<vmem>> -> memref<1x125xi32, #tpu.memory_space<vmem>>
        %dma_start3A_50 = tpu.memref_squeeze %dma_start3A_49 : memref<1x125xi32, #tpu.memory_space<vmem>> -> memref<125xi32, #tpu.memory_space<vmem>>
        %dma_start3A_51 = arith.constant 0 : i32
        %dma_start3A_52 = arith.constant 0 : i32
        %dma_start3A_53 = tpu.memref_slice %arg3[%dma_start3A_51, %dma_start3A_52] : memref<10240x128xf32, #tpu.memory_space<hbm>> -> memref<10240x128xf32, #tpu.memory_space<hbm>>
        tpu.enqueue_indirect_dma source(%dma_start3A_53 : memref<10240x128xf32, #tpu.memory_space<hbm>>) target(%arg14 : memref<125x128xf32, #tpu.memory_space<vmem>>) offsets(%dma_start3A_50 : memref<125xi32, #tpu.memory_space<vmem>>) semaphore(%arg18 : memref<!tpu.dma_semaphore, #tpu.memory_space<semaphore_mem>>)
        %mul3A_54 = arith.constant 2 : i32
        %mul3A_55 = arith.muli %scan3A_33, %mul3A_54 : i32
        %add3A_56 = arith.constant 0 : i32
        %add3A_57 = arith.addi %mul3A_55, %add3A_56 : i32
        %dma_wait3A_58 = arith.constant 0 : i32
        %dma_wait3A_59 = tpu.memref_slice %arg11[%add3A_37, %dma_wait3A_58] : memref<40x125xi32, #tpu.memory_space<vmem>> -> memref<1x125xi32, #tpu.memory_space<vmem>>
        %dma_wait3A_60 = tpu.memref_squeeze %dma_wait3A_59 : memref<1x125xi32, #tpu.memory_space<vmem>> -> memref<125xi32, #tpu.memory_space<vmem>>
        %dma_wait3A_61 = arith.constant 0 : i32
        %dma_wait3A_62 = arith.constant 0 : i32
        %dma_wait3A_63 = tpu.memref_slice %arg3[%dma_wait3A_61, %dma_wait3A_62] : memref<10240x128xf32, #tpu.memory_space<hbm>> -> memref<10240x128xf32, #tpu.memory_space<hbm>>
        tpu.wait_indirect_dma semaphore(%arg17 : memref<!tpu.dma_semaphore, #tpu.memory_space<semaphore_mem>>) src(%dma_wait3A_63 : memref<10240x128xf32, #tpu.memory_space<hbm>>) dst(%arg13 : memref<125x128xf32, #tpu.memory_space<vmem>>)
        %dma_start3A_64 = arith.constant 0 : i32
        %dma_start3A_65 = tpu.memref_slice %arg12[%add3A_57, %dma_start3A_64] : memref<40x125xi32, #tpu.memory_space<vmem>> -> memref<1x125xi32, #tpu.memory_space<vmem>>
        %dma_start3A_66 = tpu.memref_squeeze %dma_start3A_65 : memref<1x125xi32, #tpu.memory_space<vmem>> -> memref<125xi32, #tpu.memory_space<vmem>>
        %dma_start3A_67 = arith.constant 0 : i32
        %dma_start3A_68 = arith.constant 0 : i32
        %dma_start3A_69 = tpu.memref_slice %arg15[%dma_start3A_67, %dma_start3A_68] : memref<10240x128xf32, #tpu.memory_space<vmem_shared>> -> memref<10240x128xf32, #tpu.memory_space<vmem_shared>>
        tpu.enqueue_indirect_dma source(%arg13 : memref<125x128xf32, #tpu.memory_space<vmem>>) target(%dma_start3A_69 : memref<10240x128xf32, #tpu.memory_space<vmem_shared>>) offsets(%dma_start3A_66 : memref<125xi32, #tpu.memory_space<vmem>>) semaphore(%arg19 : memref<!tpu.dma_semaphore, #tpu.memory_space<semaphore_mem>>) {add = true}
        %mul3A_70 = arith.constant 2 : i32
        %mul3A_71 = arith.muli %scan3A_33, %mul3A_70 : i32
        %add3A_72 = arith.constant 1 : i32
        %add3A_73 = arith.addi %mul3A_71, %add3A_72 : i32
        %dma_wait3A_74 = arith.constant 0 : i32
        %dma_wait3A_75 = tpu.memref_slice %arg11[%add3A_47, %dma_wait3A_74] : memref<40x125xi32, #tpu.memory_space<vmem>> -> memref<1x125xi32, #tpu.memory_space<vmem>>
        %dma_wait3A_76 = tpu.memref_squeeze %dma_wait3A_75 : memref<1x125xi32, #tpu.memory_space<vmem>> -> memref<125xi32, #tpu.memory_space<vmem>>
        %dma_wait3A_77 = arith.constant 0 : i32
        %dma_wait3A_78 = arith.constant 0 : i32
        %dma_wait3A_79 = tpu.memref_slice %arg3[%dma_wait3A_77, %dma_wait3A_78] : memref<10240x128xf32, #tpu.memory_space<hbm>> -> memref<10240x128xf32, #tpu.memory_space<hbm>>
        tpu.wait_indirect_dma semaphore(%arg18 : memref<!tpu.dma_semaphore, #tpu.memory_space<semaphore_mem>>) src(%dma_wait3A_79 : memref<10240x128xf32, #tpu.memory_space<hbm>>) dst(%arg14 : memref<125x128xf32, #tpu.memory_space<vmem>>)
        %dma_start3A_80 = arith.constant 0 : i32
        %dma_start3A_81 = tpu.memref_slice %arg12[%add3A_73, %dma_start3A_80] : memref<40x125xi32, #tpu.memory_space<vmem>> -> memref<1x125xi32, #tpu.memory_space<vmem>>
        %dma_start3A_82 = tpu.memref_squeeze %dma_start3A_81 : memref<1x125xi32, #tpu.memory_space<vmem>> -> memref<125xi32, #tpu.memory_space<vmem>>
        %dma_start3A_83 = arith.constant 0 : i32
        %dma_start3A_84 = arith.constant 0 : i32
        %dma_start3A_85 = tpu.memref_slice %arg15[%dma_start3A_83, %dma_start3A_84] : memref<10240x128xf32, #tpu.memory_space<vmem_shared>> -> memref<10240x128xf32, #tpu.memory_space<vmem_shared>>
        tpu.enqueue_indirect_dma source(%arg14 : memref<125x128xf32, #tpu.memory_space<vmem>>) target(%dma_start3A_85 : memref<10240x128xf32, #tpu.memory_space<vmem_shared>>) offsets(%dma_start3A_82 : memref<125xi32, #tpu.memory_space<vmem>>) semaphore(%arg20 : memref<!tpu.dma_semaphore, #tpu.memory_space<semaphore_mem>>) {add = true}
        %dma_wait3A_86 = arith.constant 0 : i32
        %dma_wait3A_87 = tpu.memref_slice %arg12[%add3A_57, %dma_wait3A_86] : memref<40x125xi32, #tpu.memory_space<vmem>> -> memref<1x125xi32, #tpu.memory_space<vmem>>
        %dma_wait3A_88 = tpu.memref_squeeze %dma_wait3A_87 : memref<1x125xi32, #tpu.memory_space<vmem>> -> memref<125xi32, #tpu.memory_space<vmem>>
        %dma_wait3A_89 = arith.constant 0 : i32
        %dma_wait3A_90 = arith.constant 0 : i32
        %dma_wait3A_91 = tpu.memref_slice %arg15[%dma_wait3A_89, %dma_wait3A_90] : memref<10240x128xf32, #tpu.memory_space<vmem_shared>> -> memref<10240x128xf32, #tpu.memory_space<vmem_shared>>
        tpu.wait_indirect_dma semaphore(%arg19 : memref<!tpu.dma_semaphore, #tpu.memory_space<semaphore_mem>>) src(%arg13 : memref<125x128xf32, #tpu.memory_space<vmem>>) dst(%dma_wait3A_91 : memref<10240x128xf32, #tpu.memory_space<vmem_shared>>)
        %dma_wait3A_92 = arith.constant 0 : i32
        %dma_wait3A_93 = tpu.memref_slice %arg12[%add3A_73, %dma_wait3A_92] : memref<40x125xi32, #tpu.memory_space<vmem>> -> memref<1x125xi32, #tpu.memory_space<vmem>>
        %dma_wait3A_94 = tpu.memref_squeeze %dma_wait3A_93 : memref<1x125xi32, #tpu.memory_space<vmem>> -> memref<125xi32, #tpu.memory_space<vmem>>
        %dma_wait3A_95 = arith.constant 0 : i32
        %dma_wait3A_96 = arith.constant 0 : i32
        %dma_wait3A_97 = tpu.memref_slice %arg15[%dma_wait3A_95, %dma_wait3A_96] : memref<10240x128xf32, #tpu.memory_space<vmem_shared>> -> memref<10240x128xf32, #tpu.memory_space<vmem_shared>>
        tpu.wait_indirect_dma semaphore(%arg20 : memref<!tpu.dma_semaphore, #tpu.memory_space<semaphore_mem>>) src(%arg14 : memref<125x128xf32, #tpu.memory_space<vmem>>) dst(%dma_wait3A_97 : memref<10240x128xf32, #tpu.memory_space<vmem_shared>>)
      }
      %scan3A_31 = arith.constant 20 : i32
      %barrier3A_32 = arith.constant 0 : index
      tpu.barrier barrier_id(%barrier3A_32)
      "tpu.region"() ({
        %run_scoped3A = tpu.sem_alloc : memref<!tpu.dma_semaphore, #tpu.memory_space<semaphore_mem>>
        %dma_start3A_33 = arith.constant 0 : i32
        %dma_start3A_34 = tpu.memref_slice %arg10[%mul3A_2, %dma_start3A_33] : memref<10240x128xf32, #tpu.memory_space<hbm>> -> memref<640x128xf32, #tpu.memory_space<hbm>>
        %dma_start3A_35 = arith.constant 0 : i32
        %dma_start3A_36 = tpu.memref_slice %arg15[%mul3A_2, %dma_start3A_35] : memref<10240x128xf32, #tpu.memory_space<vmem_shared>> -> memref<640x128xf32, #tpu.memory_space<vmem_shared>>
        tpu.enqueue_dma source(%dma_start3A_36 : memref<640x128xf32, #tpu.memory_space<vmem_shared>>) target(%dma_start3A_34 : memref<640x128xf32, #tpu.memory_space<hbm>>) target_semaphore(%run_scoped3A : memref<!tpu.dma_semaphore, #tpu.memory_space<semaphore_mem>>)
        %dma_wait3A_37 = arith.constant 0 : i32
        %dma_wait3A_38 = tpu.memref_slice %arg10[%mul3A_2, %dma_wait3A_37] : memref<10240x128xf32, #tpu.memory_space<hbm>> -> memref<640x128xf32, #tpu.memory_space<hbm>>
        %dma_wait3A_39 = arith.constant 0 : i32
        %dma_wait3A_40 = tpu.memref_slice %arg15[%mul3A_2, %dma_wait3A_39] : memref<10240x128xf32, #tpu.memory_space<vmem_shared>> -> memref<640x128xf32, #tpu.memory_space<vmem_shared>>
        tpu.wait_dma2 semaphore(%run_scoped3A : memref<!tpu.dma_semaphore, #tpu.memory_space<semaphore_mem>>) src(%dma_wait3A_40 : memref<640x128xf32, #tpu.memory_space<vmem_shared>>) dst(%dma_wait3A_38 : memref<640x128xf32, #tpu.memory_space<hbm>>)
        tpu.yield
      }) : () -> ()
    } else {
    }
    return
  }
}

#map = affine_map<(d0, d1) -> (0, 0, 0)>
#map1 = affine_map<(d0, d1) -> (0, 0)>
module attributes {stable_mosaic.version = 14 : i64} {
  func.func @_deg_body(%arg0: i32, %arg1: i32, %arg2: memref<32x40x125xi32, #tpu.memory_space<hbm>>, %arg3: memref<125x128xf32, #tpu.memory_space<hbm>>, %arg4: memref<10240x128xf32, #tpu.memory_space<hbm>>, %arg5: memref<10240x128xf32, #tpu.memory_space<hbm>>, %arg6: memref<10240x128xf32, #tpu.memory_space<hbm>>, %arg7: memref<40x125xi32, #tpu.memory_space<vmem>>, %arg8: memref<125x128xf32, #tpu.memory_space<vmem>>, %arg9: memref<10240x128xf32, #tpu.memory_space<vmem_shared>>, %arg10: memref<!tpu.dma_semaphore, #tpu.memory_space<semaphore_mem>>, %arg11: memref<!tpu.dma_semaphore, #tpu.memory_space<semaphore_mem>>, %arg12: memref<!tpu.dma_semaphore, #tpu.memory_space<semaphore_mem>>) attributes {dimension_semantics = [#tpu.dimension_semantics<core_parallel>, #tpu.dimension_semantics<subcore_parallel>], iteration_bounds = array<i64: 2, 16>, scalar_prefetch = 0 : i64, scratch_operands = 6 : i64, tpu.core_type = #tpu.core_type<sc_vector_subcore>, window_params = [{transform_indices = #map}, {transform_indices = #map1}, {transform_indices = #map1}, {transform_indices = #map1}, {transform_indices = #map1}]} {
    %mul3A = arith.constant 16 : i32
    %mul3A_0 = arith.muli %arg0, %mul3A : i32
    %add3A = arith.addi %mul3A_0, %arg1 : i32
    "tpu.region"() ({
      %run_scoped3A = tpu.sem_alloc : memref<!tpu.dma_semaphore, #tpu.memory_space<semaphore_mem>>
      %dma_start3A_22 = arith.constant 0 : i32
      %dma_start3A_23 = arith.constant 0 : i32
      %dma_start3A_24 = tpu.memref_slice %arg2[%add3A, %dma_start3A_22, %dma_start3A_23] : memref<32x40x125xi32, #tpu.memory_space<hbm>> -> memref<1x40x125xi32, #tpu.memory_space<hbm>>
      %dma_start3A_25 = tpu.memref_squeeze %dma_start3A_24 : memref<1x40x125xi32, #tpu.memory_space<hbm>> -> memref<40x125xi32, #tpu.memory_space<hbm>>
      %dma_start3A_26 = arith.constant 0 : i32
      %dma_start3A_27 = arith.constant 0 : i32
      %dma_start3A_28 = tpu.memref_slice %arg2[%add3A, %dma_start3A_26, %dma_start3A_27] : memref<32x40x125xi32, #tpu.memory_space<hbm>> -> memref<1x40x125xi32, #tpu.memory_space<hbm>>
      %dma_start3A_29 = tpu.memref_squeeze %dma_start3A_28 : memref<1x40x125xi32, #tpu.memory_space<hbm>> -> memref<40x125xi32, #tpu.memory_space<hbm>>
      tpu.enqueue_dma source(%dma_start3A_29 : memref<40x125xi32, #tpu.memory_space<hbm>>) target(%arg7 : memref<40x125xi32, #tpu.memory_space<vmem>>) target_semaphore(%run_scoped3A : memref<!tpu.dma_semaphore, #tpu.memory_space<semaphore_mem>>)
      %dma_wait3A_30 = arith.constant 0 : i32
      %dma_wait3A_31 = arith.constant 0 : i32
      %dma_wait3A_32 = tpu.memref_slice %arg2[%add3A, %dma_wait3A_30, %dma_wait3A_31] : memref<32x40x125xi32, #tpu.memory_space<hbm>> -> memref<1x40x125xi32, #tpu.memory_space<hbm>>
      %dma_wait3A_33 = tpu.memref_squeeze %dma_wait3A_32 : memref<1x40x125xi32, #tpu.memory_space<hbm>> -> memref<40x125xi32, #tpu.memory_space<hbm>>
      %dma_wait3A_34 = arith.constant 0 : i32
      %dma_wait3A_35 = arith.constant 0 : i32
      %dma_wait3A_36 = tpu.memref_slice %arg2[%add3A, %dma_wait3A_34, %dma_wait3A_35] : memref<32x40x125xi32, #tpu.memory_space<hbm>> -> memref<1x40x125xi32, #tpu.memory_space<hbm>>
      %dma_wait3A_37 = tpu.memref_squeeze %dma_wait3A_36 : memref<1x40x125xi32, #tpu.memory_space<hbm>> -> memref<40x125xi32, #tpu.memory_space<hbm>>
      tpu.wait_dma2 semaphore(%run_scoped3A : memref<!tpu.dma_semaphore, #tpu.memory_space<semaphore_mem>>) src(%dma_wait3A_37 : memref<40x125xi32, #tpu.memory_space<hbm>>) dst(%arg7 : memref<40x125xi32, #tpu.memory_space<vmem>>)
      tpu.yield
    }) : () -> ()
    "tpu.region"() ({
      %run_scoped3A = tpu.sem_alloc : memref<!tpu.dma_semaphore, #tpu.memory_space<semaphore_mem>>
      tpu.enqueue_dma source(%arg3 : memref<125x128xf32, #tpu.memory_space<hbm>>) target(%arg8 : memref<125x128xf32, #tpu.memory_space<vmem>>) target_semaphore(%run_scoped3A : memref<!tpu.dma_semaphore, #tpu.memory_space<semaphore_mem>>)
      tpu.wait_dma2 semaphore(%run_scoped3A : memref<!tpu.dma_semaphore, #tpu.memory_space<semaphore_mem>>) src(%arg3 : memref<125x128xf32, #tpu.memory_space<hbm>>) dst(%arg8 : memref<125x128xf32, #tpu.memory_space<vmem>>)
      tpu.yield
    }) : () -> ()
    %mul3A_1 = arith.constant 640 : i32
    %mul3A_2 = arith.muli %arg1, %mul3A_1 : i32
    %dma_start3A = arith.constant 0 : i32
    %dma_start3A_3 = tpu.memref_slice %arg9[%mul3A_2, %dma_start3A] : memref<10240x128xf32, #tpu.memory_space<vmem_shared>> -> memref<640x128xf32, #tpu.memory_space<vmem_shared>>
    %dma_start3A_4 = arith.constant 0 : i32
    %dma_start3A_5 = tpu.memref_slice %arg4[%mul3A_2, %dma_start3A_4] : memref<10240x128xf32, #tpu.memory_space<hbm>> -> memref<640x128xf32, #tpu.memory_space<hbm>>
    tpu.enqueue_dma source(%dma_start3A_5 : memref<640x128xf32, #tpu.memory_space<hbm>>) target(%dma_start3A_3 : memref<640x128xf32, #tpu.memory_space<vmem_shared>>) target_semaphore(%arg10 : memref<!tpu.dma_semaphore, #tpu.memory_space<semaphore_mem>>)
    %dma_wait3A = arith.constant 0 : i32
    %dma_wait3A_6 = tpu.memref_slice %arg9[%mul3A_2, %dma_wait3A] : memref<10240x128xf32, #tpu.memory_space<vmem_shared>> -> memref<640x128xf32, #tpu.memory_space<vmem_shared>>
    %dma_wait3A_7 = arith.constant 0 : i32
    %dma_wait3A_8 = tpu.memref_slice %arg4[%mul3A_2, %dma_wait3A_7] : memref<10240x128xf32, #tpu.memory_space<hbm>> -> memref<640x128xf32, #tpu.memory_space<hbm>>
    tpu.wait_dma2 semaphore(%arg10 : memref<!tpu.dma_semaphore, #tpu.memory_space<semaphore_mem>>) src(%dma_wait3A_8 : memref<640x128xf32, #tpu.memory_space<hbm>>) dst(%dma_wait3A_6 : memref<640x128xf32, #tpu.memory_space<vmem_shared>>)
    %barrier3A = arith.constant 0 : index
    tpu.barrier barrier_id(%barrier3A)
    %scan3A = arith.constant 0 : i32
    %scan3A_9 = arith.constant 0 : i32
    %scan3A_10 = arith.constant 20 : i32
    %scan3A_11 = arith.addi %scan3A_9, %scan3A_10 : i32
    %scan3A_12 = arith.constant 1 : i32
    scf.for %scan3A_22 = %scan3A_9 to %scan3A_11 step %scan3A_12  : i32 {
      %mul3A_23 = arith.constant 2 : i32
      %mul3A_24 = arith.muli %scan3A_22, %mul3A_23 : i32
      %add3A_25 = arith.constant 0 : i32
      %add3A_26 = arith.addi %mul3A_24, %add3A_25 : i32
      %dma_start3A_27 = arith.constant 0 : i32
      %dma_start3A_28 = tpu.memref_slice %arg7[%add3A_26, %dma_start3A_27] : memref<40x125xi32, #tpu.memory_space<vmem>> -> memref<1x125xi32, #tpu.memory_space<vmem>>
      %dma_start3A_29 = tpu.memref_squeeze %dma_start3A_28 : memref<1x125xi32, #tpu.memory_space<vmem>> -> memref<125xi32, #tpu.memory_space<vmem>>
      %dma_start3A_30 = arith.constant 0 : i32
      %dma_start3A_31 = arith.constant 0 : i32
      %dma_start3A_32 = tpu.memref_slice %arg9[%dma_start3A_30, %dma_start3A_31] : memref<10240x128xf32, #tpu.memory_space<vmem_shared>> -> memref<10240x128xf32, #tpu.memory_space<vmem_shared>>
      tpu.enqueue_indirect_dma source(%arg8 : memref<125x128xf32, #tpu.memory_space<vmem>>) target(%dma_start3A_32 : memref<10240x128xf32, #tpu.memory_space<vmem_shared>>) offsets(%dma_start3A_29 : memref<125xi32, #tpu.memory_space<vmem>>) semaphore(%arg11 : memref<!tpu.dma_semaphore, #tpu.memory_space<semaphore_mem>>) {add = true}
      %mul3A_33 = arith.constant 2 : i32
      %mul3A_34 = arith.muli %scan3A_22, %mul3A_33 : i32
      %add3A_35 = arith.constant 1 : i32
      %add3A_36 = arith.addi %mul3A_34, %add3A_35 : i32
      %dma_start3A_37 = arith.constant 0 : i32
      %dma_start3A_38 = tpu.memref_slice %arg7[%add3A_36, %dma_start3A_37] : memref<40x125xi32, #tpu.memory_space<vmem>> -> memref<1x125xi32, #tpu.memory_space<vmem>>
      %dma_start3A_39 = tpu.memref_squeeze %dma_start3A_38 : memref<1x125xi32, #tpu.memory_space<vmem>> -> memref<125xi32, #tpu.memory_space<vmem>>
      %dma_start3A_40 = arith.constant 0 : i32
      %dma_start3A_41 = arith.constant 0 : i32
      %dma_start3A_42 = tpu.memref_slice %arg9[%dma_start3A_40, %dma_start3A_41] : memref<10240x128xf32, #tpu.memory_space<vmem_shared>> -> memref<10240x128xf32, #tpu.memory_space<vmem_shared>>
      tpu.enqueue_indirect_dma source(%arg8 : memref<125x128xf32, #tpu.memory_space<vmem>>) target(%dma_start3A_42 : memref<10240x128xf32, #tpu.memory_space<vmem_shared>>) offsets(%dma_start3A_39 : memref<125xi32, #tpu.memory_space<vmem>>) semaphore(%arg12 : memref<!tpu.dma_semaphore, #tpu.memory_space<semaphore_mem>>) {add = true}
      %dma_wait3A_43 = arith.constant 0 : i32
      %dma_wait3A_44 = tpu.memref_slice %arg7[%add3A_26, %dma_wait3A_43] : memref<40x125xi32, #tpu.memory_space<vmem>> -> memref<1x125xi32, #tpu.memory_space<vmem>>
      %dma_wait3A_45 = tpu.memref_squeeze %dma_wait3A_44 : memref<1x125xi32, #tpu.memory_space<vmem>> -> memref<125xi32, #tpu.memory_space<vmem>>
      %dma_wait3A_46 = arith.constant 0 : i32
      %dma_wait3A_47 = arith.constant 0 : i32
      %dma_wait3A_48 = tpu.memref_slice %arg9[%dma_wait3A_46, %dma_wait3A_47] : memref<10240x128xf32, #tpu.memory_space<vmem_shared>> -> memref<10240x128xf32, #tpu.memory_space<vmem_shared>>
      tpu.wait_indirect_dma semaphore(%arg11 : memref<!tpu.dma_semaphore, #tpu.memory_space<semaphore_mem>>) src(%arg8 : memref<125x128xf32, #tpu.memory_space<vmem>>) dst(%dma_wait3A_48 : memref<10240x128xf32, #tpu.memory_space<vmem_shared>>)
      %dma_wait3A_49 = arith.constant 0 : i32
      %dma_wait3A_50 = tpu.memref_slice %arg7[%add3A_36, %dma_wait3A_49] : memref<40x125xi32, #tpu.memory_space<vmem>> -> memref<1x125xi32, #tpu.memory_space<vmem>>
      %dma_wait3A_51 = tpu.memref_squeeze %dma_wait3A_50 : memref<1x125xi32, #tpu.memory_space<vmem>> -> memref<125xi32, #tpu.memory_space<vmem>>
      %dma_wait3A_52 = arith.constant 0 : i32
      %dma_wait3A_53 = arith.constant 0 : i32
      %dma_wait3A_54 = tpu.memref_slice %arg9[%dma_wait3A_52, %dma_wait3A_53] : memref<10240x128xf32, #tpu.memory_space<vmem_shared>> -> memref<10240x128xf32, #tpu.memory_space<vmem_shared>>
      tpu.wait_indirect_dma semaphore(%arg12 : memref<!tpu.dma_semaphore, #tpu.memory_space<semaphore_mem>>) src(%arg8 : memref<125x128xf32, #tpu.memory_space<vmem>>) dst(%dma_wait3A_54 : memref<10240x128xf32, #tpu.memory_space<vmem_shared>>)
    }
    %scan3A_13 = arith.constant 20 : i32
    %barrier3A_14 = arith.constant 0 : index
    tpu.barrier barrier_id(%barrier3A_14)
    %eq3A = arith.constant 0 : i32
    %eq3A_15 = arith.cmpi eq, %arg0, %eq3A : i32
    %convert_element_type3A = arith.extui %eq3A_15 : i1 to i32
    %cond3A = arith.constant 0 : i32
    %cond3A_16 = arith.cmpi ne, %convert_element_type3A, %cond3A : i32
    scf.if %cond3A_16 {
      "tpu.region"() ({
        %run_scoped3A = tpu.sem_alloc : memref<!tpu.dma_semaphore, #tpu.memory_space<semaphore_mem>>
        %dma_start3A_22 = arith.constant 0 : i32
        %dma_start3A_23 = tpu.memref_slice %arg5[%mul3A_2, %dma_start3A_22] : memref<10240x128xf32, #tpu.memory_space<hbm>> -> memref<640x128xf32, #tpu.memory_space<hbm>>
        %dma_start3A_24 = arith.constant 0 : i32
        %dma_start3A_25 = tpu.memref_slice %arg9[%mul3A_2, %dma_start3A_24] : memref<10240x128xf32, #tpu.memory_space<vmem_shared>> -> memref<640x128xf32, #tpu.memory_space<vmem_shared>>
        tpu.enqueue_dma source(%dma_start3A_25 : memref<640x128xf32, #tpu.memory_space<vmem_shared>>) target(%dma_start3A_23 : memref<640x128xf32, #tpu.memory_space<hbm>>) target_semaphore(%run_scoped3A : memref<!tpu.dma_semaphore, #tpu.memory_space<semaphore_mem>>)
        %dma_wait3A_26 = arith.constant 0 : i32
        %dma_wait3A_27 = tpu.memref_slice %arg5[%mul3A_2, %dma_wait3A_26] : memref<10240x128xf32, #tpu.memory_space<hbm>> -> memref<640x128xf32, #tpu.memory_space<hbm>>
        %dma_wait3A_28 = arith.constant 0 : i32
        %dma_wait3A_29 = tpu.memref_slice %arg9[%mul3A_2, %dma_wait3A_28] : memref<10240x128xf32, #tpu.memory_space<vmem_shared>> -> memref<640x128xf32, #tpu.memory_space<vmem_shared>>
        tpu.wait_dma2 semaphore(%run_scoped3A : memref<!tpu.dma_semaphore, #tpu.memory_space<semaphore_mem>>) src(%dma_wait3A_29 : memref<640x128xf32, #tpu.memory_space<vmem_shared>>) dst(%dma_wait3A_27 : memref<640x128xf32, #tpu.memory_space<hbm>>)
        tpu.yield
      }) : () -> ()
    } else {
    }
    %eq3A_17 = arith.constant 1 : i32
    %eq3A_18 = arith.cmpi eq, %arg0, %eq3A_17 : i32
    %convert_element_type3A_19 = arith.extui %eq3A_18 : i1 to i32
    %cond3A_20 = arith.constant 0 : i32
    %cond3A_21 = arith.cmpi ne, %convert_element_type3A_19, %cond3A_20 : i32
    scf.if %cond3A_21 {
      "tpu.region"() ({
        %run_scoped3A = tpu.sem_alloc : memref<!tpu.dma_semaphore, #tpu.memory_space<semaphore_mem>>
        %dma_start3A_22 = arith.constant 0 : i32
        %dma_start3A_23 = tpu.memref_slice %arg6[%mul3A_2, %dma_start3A_22] : memref<10240x128xf32, #tpu.memory_space<hbm>> -> memref<640x128xf32, #tpu.memory_space<hbm>>
        %dma_start3A_24 = arith.constant 0 : i32
        %dma_start3A_25 = tpu.memref_slice %arg9[%mul3A_2, %dma_start3A_24] : memref<10240x128xf32, #tpu.memory_space<vmem_shared>> -> memref<640x128xf32, #tpu.memory_space<vmem_shared>>
        tpu.enqueue_dma source(%dma_start3A_25 : memref<640x128xf32, #tpu.memory_space<vmem_shared>>) target(%dma_start3A_23 : memref<640x128xf32, #tpu.memory_space<hbm>>) target_semaphore(%run_scoped3A : memref<!tpu.dma_semaphore, #tpu.memory_space<semaphore_mem>>)
        %dma_wait3A_26 = arith.constant 0 : i32
        %dma_wait3A_27 = tpu.memref_slice %arg6[%mul3A_2, %dma_wait3A_26] : memref<10240x128xf32, #tpu.memory_space<hbm>> -> memref<640x128xf32, #tpu.memory_space<hbm>>
        %dma_wait3A_28 = arith.constant 0 : i32
        %dma_wait3A_29 = tpu.memref_slice %arg9[%mul3A_2, %dma_wait3A_28] : memref<10240x128xf32, #tpu.memory_space<vmem_shared>> -> memref<640x128xf32, #tpu.memory_space<vmem_shared>>
        tpu.wait_dma2 semaphore(%run_scoped3A : memref<!tpu.dma_semaphore, #tpu.memory_space<semaphore_mem>>) src(%dma_wait3A_29 : memref<640x128xf32, #tpu.memory_space<vmem_shared>>) dst(%dma_wait3A_27 : memref<640x128xf32, #tpu.memory_space<hbm>>)
        tpu.yield
      }) : () -> ()
    } else {
    }
    return
  }
}

#map = affine_map<(d0, d1) -> (0, 0)>
#map1 = affine_map<(d0, d1) -> (0, 0, 0)>
module attributes {stable_mosaic.version = 14 : i64} {
  func.func @_pass_edge_body(%arg0: i32, %arg1: i32, %arg2: memref<10240x128xf32, #tpu.memory_space<hbm>>, %arg3: memref<10240x128xf32, #tpu.memory_space<hbm>>, %arg4: memref<32x40x125xi32, #tpu.memory_space<hbm>>, %arg5: memref<32x40x125xi32, #tpu.memory_space<hbm>>, %arg6: memref<10240x128xf32, #tpu.memory_space<hbm>>, %arg7: memref<10240x128xf32, #tpu.memory_space<hbm>>, %arg8: memref<40x125xi32, #tpu.memory_space<vmem>>, %arg9: memref<40x125xi32, #tpu.memory_space<vmem>>, %arg10: memref<125x128xf32, #tpu.memory_space<vmem>>, %arg11: memref<125x128xf32, #tpu.memory_space<vmem>>, %arg12: memref<10240x128xf32, #tpu.memory_space<vmem_shared>>, %arg13: memref<!tpu.dma_semaphore, #tpu.memory_space<semaphore_mem>>, %arg14: memref<!tpu.dma_semaphore, #tpu.memory_space<semaphore_mem>>, %arg15: memref<!tpu.dma_semaphore, #tpu.memory_space<semaphore_mem>>, %arg16: memref<!tpu.dma_semaphore, #tpu.memory_space<semaphore_mem>>, %arg17: memref<!tpu.dma_semaphore, #tpu.memory_space<semaphore_mem>>) attributes {dimension_semantics = [#tpu.dimension_semantics<core_parallel>, #tpu.dimension_semantics<subcore_parallel>], iteration_bounds = array<i64: 2, 16>, scalar_prefetch = 0 : i64, scratch_operands = 10 : i64, tpu.core_type = #tpu.core_type<sc_vector_subcore>, window_params = [{transform_indices = #map}, {transform_indices = #map}, {transform_indices = #map1}, {transform_indices = #map1}, {transform_indices = #map}, {transform_indices = #map}]} {
    %mul3A = arith.constant 16 : i32
    %mul3A_0 = arith.muli %arg0, %mul3A : i32
    %add3A = arith.addi %mul3A_0, %arg1 : i32
    "tpu.region"() ({
      %run_scoped3A = tpu.sem_alloc : memref<!tpu.dma_semaphore, #tpu.memory_space<semaphore_mem>>
      %dma_start3A = arith.constant 0 : i32
      %dma_start3A_10 = arith.constant 0 : i32
      %dma_start3A_11 = tpu.memref_slice %arg4[%add3A, %dma_start3A, %dma_start3A_10] : memref<32x40x125xi32, #tpu.memory_space<hbm>> -> memref<1x40x125xi32, #tpu.memory_space<hbm>>
      %dma_start3A_12 = tpu.memref_squeeze %dma_start3A_11 : memref<1x40x125xi32, #tpu.memory_space<hbm>> -> memref<40x125xi32, #tpu.memory_space<hbm>>
      %dma_start3A_13 = arith.constant 0 : i32
      %dma_start3A_14 = arith.constant 0 : i32
      %dma_start3A_15 = tpu.memref_slice %arg4[%add3A, %dma_start3A_13, %dma_start3A_14] : memref<32x40x125xi32, #tpu.memory_space<hbm>> -> memref<1x40x125xi32, #tpu.memory_space<hbm>>
      %dma_start3A_16 = tpu.memref_squeeze %dma_start3A_15 : memref<1x40x125xi32, #tpu.memory_space<hbm>> -> memref<40x125xi32, #tpu.memory_space<hbm>>
      tpu.enqueue_dma source(%dma_start3A_16 : memref<40x125xi32, #tpu.memory_space<hbm>>) target(%arg8 : memref<40x125xi32, #tpu.memory_space<vmem>>) target_semaphore(%run_scoped3A : memref<!tpu.dma_semaphore, #tpu.memory_space<semaphore_mem>>)
      %dma_wait3A = arith.constant 0 : i32
      %dma_wait3A_17 = arith.constant 0 : i32
      %dma_wait3A_18 = tpu.memref_slice %arg4[%add3A, %dma_wait3A, %dma_wait3A_17] : memref<32x40x125xi32, #tpu.memory_space<hbm>> -> memref<1x40x125xi32, #tpu.memory_space<hbm>>
      %dma_wait3A_19 = tpu.memref_squeeze %dma_wait3A_18 : memref<1x40x125xi32, #tpu.memory_space<hbm>> -> memref<40x125xi32, #tpu.memory_space<hbm>>
      %dma_wait3A_20 = arith.constant 0 : i32
      %dma_wait3A_21 = arith.constant 0 : i32
      %dma_wait3A_22 = tpu.memref_slice %arg4[%add3A, %dma_wait3A_20, %dma_wait3A_21] : memref<32x40x125xi32, #tpu.memory_space<hbm>> -> memref<1x40x125xi32, #tpu.memory_space<hbm>>
      %dma_wait3A_23 = tpu.memref_squeeze %dma_wait3A_22 : memref<1x40x125xi32, #tpu.memory_space<hbm>> -> memref<40x125xi32, #tpu.memory_space<hbm>>
      tpu.wait_dma2 semaphore(%run_scoped3A : memref<!tpu.dma_semaphore, #tpu.memory_space<semaphore_mem>>) src(%dma_wait3A_23 : memref<40x125xi32, #tpu.memory_space<hbm>>) dst(%arg8 : memref<40x125xi32, #tpu.memory_space<vmem>>)
      tpu.yield
    }) : () -> ()
    "tpu.region"() ({
      %run_scoped3A = tpu.sem_alloc : memref<!tpu.dma_semaphore, #tpu.memory_space<semaphore_mem>>
      %dma_start3A = arith.constant 0 : i32
      %dma_start3A_10 = arith.constant 0 : i32
      %dma_start3A_11 = tpu.memref_slice %arg5[%add3A, %dma_start3A, %dma_start3A_10] : memref<32x40x125xi32, #tpu.memory_space<hbm>> -> memref<1x40x125xi32, #tpu.memory_space<hbm>>
      %dma_start3A_12 = tpu.memref_squeeze %dma_start3A_11 : memref<1x40x125xi32, #tpu.memory_space<hbm>> -> memref<40x125xi32, #tpu.memory_space<hbm>>
      %dma_start3A_13 = arith.constant 0 : i32
      %dma_start3A_14 = arith.constant 0 : i32
      %dma_start3A_15 = tpu.memref_slice %arg5[%add3A, %dma_start3A_13, %dma_start3A_14] : memref<32x40x125xi32, #tpu.memory_space<hbm>> -> memref<1x40x125xi32, #tpu.memory_space<hbm>>
      %dma_start3A_16 = tpu.memref_squeeze %dma_start3A_15 : memref<1x40x125xi32, #tpu.memory_space<hbm>> -> memref<40x125xi32, #tpu.memory_space<hbm>>
      tpu.enqueue_dma source(%dma_start3A_16 : memref<40x125xi32, #tpu.memory_space<hbm>>) target(%arg9 : memref<40x125xi32, #tpu.memory_space<vmem>>) target_semaphore(%run_scoped3A : memref<!tpu.dma_semaphore, #tpu.memory_space<semaphore_mem>>)
      %dma_wait3A = arith.constant 0 : i32
      %dma_wait3A_17 = arith.constant 0 : i32
      %dma_wait3A_18 = tpu.memref_slice %arg5[%add3A, %dma_wait3A, %dma_wait3A_17] : memref<32x40x125xi32, #tpu.memory_space<hbm>> -> memref<1x40x125xi32, #tpu.memory_space<hbm>>
      %dma_wait3A_19 = tpu.memref_squeeze %dma_wait3A_18 : memref<1x40x125xi32, #tpu.memory_space<hbm>> -> memref<40x125xi32, #tpu.memory_space<hbm>>
      %dma_wait3A_20 = arith.constant 0 : i32
      %dma_wait3A_21 = arith.constant 0 : i32
      %dma_wait3A_22 = tpu.memref_slice %arg5[%add3A, %dma_wait3A_20, %dma_wait3A_21] : memref<32x40x125xi32, #tpu.memory_space<hbm>> -> memref<1x40x125xi32, #tpu.memory_space<hbm>>
      %dma_wait3A_23 = tpu.memref_squeeze %dma_wait3A_22 : memref<1x40x125xi32, #tpu.memory_space<hbm>> -> memref<40x125xi32, #tpu.memory_space<hbm>>
      tpu.wait_dma2 semaphore(%run_scoped3A : memref<!tpu.dma_semaphore, #tpu.memory_space<semaphore_mem>>) src(%dma_wait3A_23 : memref<40x125xi32, #tpu.memory_space<hbm>>) dst(%arg9 : memref<40x125xi32, #tpu.memory_space<vmem>>)
      tpu.yield
    }) : () -> ()
    %mul3A_1 = arith.constant 640 : i32
    %mul3A_2 = arith.muli %arg1, %mul3A_1 : i32
    %eq3A = arith.constant 0 : i32
    %eq3A_3 = arith.cmpi eq, %arg0, %eq3A : i32
    %convert_element_type3A = arith.extui %eq3A_3 : i1 to i32
    %cond3A = arith.constant 0 : i32
    %cond3A_4 = arith.cmpi ne, %convert_element_type3A, %cond3A : i32
    scf.if %cond3A_4 {
      %dma_start3A = arith.constant 0 : i32
      %dma_start3A_10 = tpu.memref_slice %arg12[%mul3A_2, %dma_start3A] : memref<10240x128xf32, #tpu.memory_space<vmem_shared>> -> memref<640x128xf32, #tpu.memory_space<vmem_shared>>
      %dma_start3A_11 = arith.constant 0 : i32
      %dma_start3A_12 = tpu.memref_slice %arg2[%mul3A_2, %dma_start3A_11] : memref<10240x128xf32, #tpu.memory_space<hbm>> -> memref<640x128xf32, #tpu.memory_space<hbm>>
      tpu.enqueue_dma source(%dma_start3A_12 : memref<640x128xf32, #tpu.memory_space<hbm>>) target(%dma_start3A_10 : memref<640x128xf32, #tpu.memory_space<vmem_shared>>) target_semaphore(%arg13 : memref<!tpu.dma_semaphore, #tpu.memory_space<semaphore_mem>>)
      %dma_wait3A = arith.constant 0 : i32
      %dma_wait3A_13 = tpu.memref_slice %arg12[%mul3A_2, %dma_wait3A] : memref<10240x128xf32, #tpu.memory_space<vmem_shared>> -> memref<640x128xf32, #tpu.memory_space<vmem_shared>>
      %dma_wait3A_14 = arith.constant 0 : i32
      %dma_wait3A_15 = tpu.memref_slice %arg2[%mul3A_2, %dma_wait3A_14] : memref<10240x128xf32, #tpu.memory_space<hbm>> -> memref<640x128xf32, #tpu.memory_space<hbm>>
      tpu.wait_dma2 semaphore(%arg13 : memref<!tpu.dma_semaphore, #tpu.memory_space<semaphore_mem>>) src(%dma_wait3A_15 : memref<640x128xf32, #tpu.memory_space<hbm>>) dst(%dma_wait3A_13 : memref<640x128xf32, #tpu.memory_space<vmem_shared>>)
      %barrier3A = arith.constant 0 : index
      tpu.barrier barrier_id(%barrier3A)
      %scan3A = arith.constant 0 : i32
      %scan3A_16 = arith.constant 0 : i32
      %scan3A_17 = arith.constant 20 : i32
      %scan3A_18 = arith.addi %scan3A_16, %scan3A_17 : i32
      %scan3A_19 = arith.constant 1 : i32
      scf.for %scan3A_22 = %scan3A_16 to %scan3A_18 step %scan3A_19  : i32 {
        %mul3A_23 = arith.constant 2 : i32
        %mul3A_24 = arith.muli %scan3A_22, %mul3A_23 : i32
        %add3A_25 = arith.constant 0 : i32
        %add3A_26 = arith.addi %mul3A_24, %add3A_25 : i32
        %dma_start3A_27 = arith.constant 0 : i32
        %dma_start3A_28 = tpu.memref_slice %arg8[%add3A_26, %dma_start3A_27] : memref<40x125xi32, #tpu.memory_space<vmem>> -> memref<1x125xi32, #tpu.memory_space<vmem>>
        %dma_start3A_29 = tpu.memref_squeeze %dma_start3A_28 : memref<1x125xi32, #tpu.memory_space<vmem>> -> memref<125xi32, #tpu.memory_space<vmem>>
        %dma_start3A_30 = arith.constant 0 : i32
        %dma_start3A_31 = arith.constant 0 : i32
        %dma_start3A_32 = tpu.memref_slice %arg2[%dma_start3A_30, %dma_start3A_31] : memref<10240x128xf32, #tpu.memory_space<hbm>> -> memref<10240x128xf32, #tpu.memory_space<hbm>>
        tpu.enqueue_indirect_dma source(%dma_start3A_32 : memref<10240x128xf32, #tpu.memory_space<hbm>>) target(%arg10 : memref<125x128xf32, #tpu.memory_space<vmem>>) offsets(%dma_start3A_29 : memref<125xi32, #tpu.memory_space<vmem>>) semaphore(%arg14 : memref<!tpu.dma_semaphore, #tpu.memory_space<semaphore_mem>>)
        %mul3A_33 = arith.constant 2 : i32
        %mul3A_34 = arith.muli %scan3A_22, %mul3A_33 : i32
        %add3A_35 = arith.constant 1 : i32
        %add3A_36 = arith.addi %mul3A_34, %add3A_35 : i32
        %dma_start3A_37 = arith.constant 0 : i32
        %dma_start3A_38 = tpu.memref_slice %arg8[%add3A_36, %dma_start3A_37] : memref<40x125xi32, #tpu.memory_space<vmem>> -> memref<1x125xi32, #tpu.memory_space<vmem>>
        %dma_start3A_39 = tpu.memref_squeeze %dma_start3A_38 : memref<1x125xi32, #tpu.memory_space<vmem>> -> memref<125xi32, #tpu.memory_space<vmem>>
        %dma_start3A_40 = arith.constant 0 : i32
        %dma_start3A_41 = arith.constant 0 : i32
        %dma_start3A_42 = tpu.memref_slice %arg2[%dma_start3A_40, %dma_start3A_41] : memref<10240x128xf32, #tpu.memory_space<hbm>> -> memref<10240x128xf32, #tpu.memory_space<hbm>>
        tpu.enqueue_indirect_dma source(%dma_start3A_42 : memref<10240x128xf32, #tpu.memory_space<hbm>>) target(%arg11 : memref<125x128xf32, #tpu.memory_space<vmem>>) offsets(%dma_start3A_39 : memref<125xi32, #tpu.memory_space<vmem>>) semaphore(%arg15 : memref<!tpu.dma_semaphore, #tpu.memory_space<semaphore_mem>>)
        %mul3A_43 = arith.constant 2 : i32
        %mul3A_44 = arith.muli %scan3A_22, %mul3A_43 : i32
        %add3A_45 = arith.constant 0 : i32
        %add3A_46 = arith.addi %mul3A_44, %add3A_45 : i32
        %dma_wait3A_47 = arith.constant 0 : i32
        %dma_wait3A_48 = tpu.memref_slice %arg8[%add3A_26, %dma_wait3A_47] : memref<40x125xi32, #tpu.memory_space<vmem>> -> memref<1x125xi32, #tpu.memory_space<vmem>>
        %dma_wait3A_49 = tpu.memref_squeeze %dma_wait3A_48 : memref<1x125xi32, #tpu.memory_space<vmem>> -> memref<125xi32, #tpu.memory_space<vmem>>
        %dma_wait3A_50 = arith.constant 0 : i32
        %dma_wait3A_51 = arith.constant 0 : i32
        %dma_wait3A_52 = tpu.memref_slice %arg2[%dma_wait3A_50, %dma_wait3A_51] : memref<10240x128xf32, #tpu.memory_space<hbm>> -> memref<10240x128xf32, #tpu.memory_space<hbm>>
        tpu.wait_indirect_dma semaphore(%arg14 : memref<!tpu.dma_semaphore, #tpu.memory_space<semaphore_mem>>) src(%dma_wait3A_52 : memref<10240x128xf32, #tpu.memory_space<hbm>>) dst(%arg10 : memref<125x128xf32, #tpu.memory_space<vmem>>)
        %dma_start3A_53 = arith.constant 0 : i32
        %dma_start3A_54 = tpu.memref_slice %arg9[%add3A_46, %dma_start3A_53] : memref<40x125xi32, #tpu.memory_space<vmem>> -> memref<1x125xi32, #tpu.memory_space<vmem>>
        %dma_start3A_55 = tpu.memref_squeeze %dma_start3A_54 : memref<1x125xi32, #tpu.memory_space<vmem>> -> memref<125xi32, #tpu.memory_space<vmem>>
        %dma_start3A_56 = arith.constant 0 : i32
        %dma_start3A_57 = arith.constant 0 : i32
        %dma_start3A_58 = tpu.memref_slice %arg12[%dma_start3A_56, %dma_start3A_57] : memref<10240x128xf32, #tpu.memory_space<vmem_shared>> -> memref<10240x128xf32, #tpu.memory_space<vmem_shared>>
        tpu.enqueue_indirect_dma source(%arg10 : memref<125x128xf32, #tpu.memory_space<vmem>>) target(%dma_start3A_58 : memref<10240x128xf32, #tpu.memory_space<vmem_shared>>) offsets(%dma_start3A_55 : memref<125xi32, #tpu.memory_space<vmem>>) semaphore(%arg16 : memref<!tpu.dma_semaphore, #tpu.memory_space<semaphore_mem>>) {add = true}
        %mul3A_59 = arith.constant 2 : i32
        %mul3A_60 = arith.muli %scan3A_22, %mul3A_59 : i32
        %add3A_61 = arith.constant 1 : i32
        %add3A_62 = arith.addi %mul3A_60, %add3A_61 : i32
        %dma_wait3A_63 = arith.constant 0 : i32
        %dma_wait3A_64 = tpu.memref_slice %arg8[%add3A_36, %dma_wait3A_63] : memref<40x125xi32, #tpu.memory_space<vmem>> -> memref<1x125xi32, #tpu.memory_space<vmem>>
        %dma_wait3A_65 = tpu.memref_squeeze %dma_wait3A_64 : memref<1x125xi32, #tpu.memory_space<vmem>> -> memref<125xi32, #tpu.memory_space<vmem>>
        %dma_wait3A_66 = arith.constant 0 : i32
        %dma_wait3A_67 = arith.constant 0 : i32
        %dma_wait3A_68 = tpu.memref_slice %arg2[%dma_wait3A_66, %dma_wait3A_67] : memref<10240x128xf32, #tpu.memory_space<hbm>> -> memref<10240x128xf32, #tpu.memory_space<hbm>>
        tpu.wait_indirect_dma semaphore(%arg15 : memref<!tpu.dma_semaphore, #tpu.memory_space<semaphore_mem>>) src(%dma_wait3A_68 : memref<10240x128xf32, #tpu.memory_space<hbm>>) dst(%arg11 : memref<125x128xf32, #tpu.memory_space<vmem>>)
        %dma_start3A_69 = arith.constant 0 : i32
        %dma_start3A_70 = tpu.memref_slice %arg9[%add3A_62, %dma_start3A_69] : memref<40x125xi32, #tpu.memory_space<vmem>> -> memref<1x125xi32, #tpu.memory_space<vmem>>
        %dma_start3A_71 = tpu.memref_squeeze %dma_start3A_70 : memref<1x125xi32, #tpu.memory_space<vmem>> -> memref<125xi32, #tpu.memory_space<vmem>>
        %dma_start3A_72 = arith.constant 0 : i32
        %dma_start3A_73 = arith.constant 0 : i32
        %dma_start3A_74 = tpu.memref_slice %arg12[%dma_start3A_72, %dma_start3A_73] : memref<10240x128xf32, #tpu.memory_space<vmem_shared>> -> memref<10240x128xf32, #tpu.memory_space<vmem_shared>>
        tpu.enqueue_indirect_dma source(%arg11 : memref<125x128xf32, #tpu.memory_space<vmem>>) target(%dma_start3A_74 : memref<10240x128xf32, #tpu.memory_space<vmem_shared>>) offsets(%dma_start3A_71 : memref<125xi32, #tpu.memory_space<vmem>>) semaphore(%arg17 : memref<!tpu.dma_semaphore, #tpu.memory_space<semaphore_mem>>) {add = true}
        %dma_wait3A_75 = arith.constant 0 : i32
        %dma_wait3A_76 = tpu.memref_slice %arg9[%add3A_46, %dma_wait3A_75] : memref<40x125xi32, #tpu.memory_space<vmem>> -> memref<1x125xi32, #tpu.memory_space<vmem>>
        %dma_wait3A_77 = tpu.memref_squeeze %dma_wait3A_76 : memref<1x125xi32, #tpu.memory_space<vmem>> -> memref<125xi32, #tpu.memory_space<vmem>>
        %dma_wait3A_78 = arith.constant 0 : i32
        %dma_wait3A_79 = arith.constant 0 : i32
        %dma_wait3A_80 = tpu.memref_slice %arg12[%dma_wait3A_78, %dma_wait3A_79] : memref<10240x128xf32, #tpu.memory_space<vmem_shared>> -> memref<10240x128xf32, #tpu.memory_space<vmem_shared>>
        tpu.wait_indirect_dma semaphore(%arg16 : memref<!tpu.dma_semaphore, #tpu.memory_space<semaphore_mem>>) src(%arg10 : memref<125x128xf32, #tpu.memory_space<vmem>>) dst(%dma_wait3A_80 : memref<10240x128xf32, #tpu.memory_space<vmem_shared>>)
        %dma_wait3A_81 = arith.constant 0 : i32
        %dma_wait3A_82 = tpu.memref_slice %arg9[%add3A_62, %dma_wait3A_81] : memref<40x125xi32, #tpu.memory_space<vmem>> -> memref<1x125xi32, #tpu.memory_space<vmem>>
        %dma_wait3A_83 = tpu.memref_squeeze %dma_wait3A_82 : memref<1x125xi32, #tpu.memory_space<vmem>> -> memref<125xi32, #tpu.memory_space<vmem>>
        %dma_wait3A_84 = arith.constant 0 : i32
        %dma_wait3A_85 = arith.constant 0 : i32
        %dma_wait3A_86 = tpu.memref_slice %arg12[%dma_wait3A_84, %dma_wait3A_85] : memref<10240x128xf32, #tpu.memory_space<vmem_shared>> -> memref<10240x128xf32, #tpu.memory_space<vmem_shared>>
        tpu.wait_indirect_dma semaphore(%arg17 : memref<!tpu.dma_semaphore, #tpu.memory_space<semaphore_mem>>) src(%arg11 : memref<125x128xf32, #tpu.memory_space<vmem>>) dst(%dma_wait3A_86 : memref<10240x128xf32, #tpu.memory_space<vmem_shared>>)
      }
      %scan3A_20 = arith.constant 20 : i32
      %barrier3A_21 = arith.constant 0 : index
      tpu.barrier barrier_id(%barrier3A_21)
      "tpu.region"() ({
        %run_scoped3A = tpu.sem_alloc : memref<!tpu.dma_semaphore, #tpu.memory_space<semaphore_mem>>
        %dma_start3A_22 = arith.constant 0 : i32
        %dma_start3A_23 = tpu.memref_slice %arg6[%mul3A_2, %dma_start3A_22] : memref<10240x128xf32, #tpu.memory_space<hbm>> -> memref<640x128xf32, #tpu.memory_space<hbm>>
        %dma_start3A_24 = arith.constant 0 : i32
        %dma_start3A_25 = tpu.memref_slice %arg12[%mul3A_2, %dma_start3A_24] : memref<10240x128xf32, #tpu.memory_space<vmem_shared>> -> memref<640x128xf32, #tpu.memory_space<vmem_shared>>
        tpu.enqueue_dma source(%dma_start3A_25 : memref<640x128xf32, #tpu.memory_space<vmem_shared>>) target(%dma_start3A_23 : memref<640x128xf32, #tpu.memory_space<hbm>>) target_semaphore(%run_scoped3A : memref<!tpu.dma_semaphore, #tpu.memory_space<semaphore_mem>>)
        %dma_wait3A_26 = arith.constant 0 : i32
        %dma_wait3A_27 = tpu.memref_slice %arg6[%mul3A_2, %dma_wait3A_26] : memref<10240x128xf32, #tpu.memory_space<hbm>> -> memref<640x128xf32, #tpu.memory_space<hbm>>
        %dma_wait3A_28 = arith.constant 0 : i32
        %dma_wait3A_29 = tpu.memref_slice %arg12[%mul3A_2, %dma_wait3A_28] : memref<10240x128xf32, #tpu.memory_space<vmem_shared>> -> memref<640x128xf32, #tpu.memory_space<vmem_shared>>
        tpu.wait_dma2 semaphore(%run_scoped3A : memref<!tpu.dma_semaphore, #tpu.memory_space<semaphore_mem>>) src(%dma_wait3A_29 : memref<640x128xf32, #tpu.memory_space<vmem_shared>>) dst(%dma_wait3A_27 : memref<640x128xf32, #tpu.memory_space<hbm>>)
        tpu.yield
      }) : () -> ()
    } else {
    }
    %eq3A_5 = arith.constant 1 : i32
    %eq3A_6 = arith.cmpi eq, %arg0, %eq3A_5 : i32
    %convert_element_type3A_7 = arith.extui %eq3A_6 : i1 to i32
    %cond3A_8 = arith.constant 0 : i32
    %cond3A_9 = arith.cmpi ne, %convert_element_type3A_7, %cond3A_8 : i32
    scf.if %cond3A_9 {
      %dma_start3A = arith.constant 0 : i32
      %dma_start3A_10 = tpu.memref_slice %arg12[%mul3A_2, %dma_start3A] : memref<10240x128xf32, #tpu.memory_space<vmem_shared>> -> memref<640x128xf32, #tpu.memory_space<vmem_shared>>
      %dma_start3A_11 = arith.constant 0 : i32
      %dma_start3A_12 = tpu.memref_slice %arg3[%mul3A_2, %dma_start3A_11] : memref<10240x128xf32, #tpu.memory_space<hbm>> -> memref<640x128xf32, #tpu.memory_space<hbm>>
      tpu.enqueue_dma source(%dma_start3A_12 : memref<640x128xf32, #tpu.memory_space<hbm>>) target(%dma_start3A_10 : memref<640x128xf32, #tpu.memory_space<vmem_shared>>) target_semaphore(%arg13 : memref<!tpu.dma_semaphore, #tpu.memory_space<semaphore_mem>>)
      %dma_wait3A = arith.constant 0 : i32
      %dma_wait3A_13 = tpu.memref_slice %arg12[%mul3A_2, %dma_wait3A] : memref<10240x128xf32, #tpu.memory_space<vmem_shared>> -> memref<640x128xf32, #tpu.memory_space<vmem_shared>>
      %dma_wait3A_14 = arith.constant 0 : i32
      %dma_wait3A_15 = tpu.memref_slice %arg3[%mul3A_2, %dma_wait3A_14] : memref<10240x128xf32, #tpu.memory_space<hbm>> -> memref<640x128xf32, #tpu.memory_space<hbm>>
      tpu.wait_dma2 semaphore(%arg13 : memref<!tpu.dma_semaphore, #tpu.memory_space<semaphore_mem>>) src(%dma_wait3A_15 : memref<640x128xf32, #tpu.memory_space<hbm>>) dst(%dma_wait3A_13 : memref<640x128xf32, #tpu.memory_space<vmem_shared>>)
      %barrier3A = arith.constant 0 : index
      tpu.barrier barrier_id(%barrier3A)
      %scan3A = arith.constant 0 : i32
      %scan3A_16 = arith.constant 0 : i32
      %scan3A_17 = arith.constant 20 : i32
      %scan3A_18 = arith.addi %scan3A_16, %scan3A_17 : i32
      %scan3A_19 = arith.constant 1 : i32
      scf.for %scan3A_22 = %scan3A_16 to %scan3A_18 step %scan3A_19  : i32 {
        %mul3A_23 = arith.constant 2 : i32
        %mul3A_24 = arith.muli %scan3A_22, %mul3A_23 : i32
        %add3A_25 = arith.constant 0 : i32
        %add3A_26 = arith.addi %mul3A_24, %add3A_25 : i32
        %dma_start3A_27 = arith.constant 0 : i32
        %dma_start3A_28 = tpu.memref_slice %arg8[%add3A_26, %dma_start3A_27] : memref<40x125xi32, #tpu.memory_space<vmem>> -> memref<1x125xi32, #tpu.memory_space<vmem>>
        %dma_start3A_29 = tpu.memref_squeeze %dma_start3A_28 : memref<1x125xi32, #tpu.memory_space<vmem>> -> memref<125xi32, #tpu.memory_space<vmem>>
        %dma_start3A_30 = arith.constant 0 : i32
        %dma_start3A_31 = arith.constant 0 : i32
        %dma_start3A_32 = tpu.memref_slice %arg2[%dma_start3A_30, %dma_start3A_31] : memref<10240x128xf32, #tpu.memory_space<hbm>> -> memref<10240x128xf32, #tpu.memory_space<hbm>>
        tpu.enqueue_indirect_dma source(%dma_start3A_32 : memref<10240x128xf32, #tpu.memory_space<hbm>>) target(%arg10 : memref<125x128xf32, #tpu.memory_space<vmem>>) offsets(%dma_start3A_29 : memref<125xi32, #tpu.memory_space<vmem>>) semaphore(%arg14 : memref<!tpu.dma_semaphore, #tpu.memory_space<semaphore_mem>>)
        %mul3A_33 = arith.constant 2 : i32
        %mul3A_34 = arith.muli %scan3A_22, %mul3A_33 : i32
        %add3A_35 = arith.constant 1 : i32
        %add3A_36 = arith.addi %mul3A_34, %add3A_35 : i32
        %dma_start3A_37 = arith.constant 0 : i32
        %dma_start3A_38 = tpu.memref_slice %arg8[%add3A_36, %dma_start3A_37] : memref<40x125xi32, #tpu.memory_space<vmem>> -> memref<1x125xi32, #tpu.memory_space<vmem>>
        %dma_start3A_39 = tpu.memref_squeeze %dma_start3A_38 : memref<1x125xi32, #tpu.memory_space<vmem>> -> memref<125xi32, #tpu.memory_space<vmem>>
        %dma_start3A_40 = arith.constant 0 : i32
        %dma_start3A_41 = arith.constant 0 : i32
        %dma_start3A_42 = tpu.memref_slice %arg2[%dma_start3A_40, %dma_start3A_41] : memref<10240x128xf32, #tpu.memory_space<hbm>> -> memref<10240x128xf32, #tpu.memory_space<hbm>>
        tpu.enqueue_indirect_dma source(%dma_start3A_42 : memref<10240x128xf32, #tpu.memory_space<hbm>>) target(%arg11 : memref<125x128xf32, #tpu.memory_space<vmem>>) offsets(%dma_start3A_39 : memref<125xi32, #tpu.memory_space<vmem>>) semaphore(%arg15 : memref<!tpu.dma_semaphore, #tpu.memory_space<semaphore_mem>>)
        %mul3A_43 = arith.constant 2 : i32
        %mul3A_44 = arith.muli %scan3A_22, %mul3A_43 : i32
        %add3A_45 = arith.constant 0 : i32
        %add3A_46 = arith.addi %mul3A_44, %add3A_45 : i32
        %dma_wait3A_47 = arith.constant 0 : i32
        %dma_wait3A_48 = tpu.memref_slice %arg8[%add3A_26, %dma_wait3A_47] : memref<40x125xi32, #tpu.memory_space<vmem>> -> memref<1x125xi32, #tpu.memory_space<vmem>>
        %dma_wait3A_49 = tpu.memref_squeeze %dma_wait3A_48 : memref<1x125xi32, #tpu.memory_space<vmem>> -> memref<125xi32, #tpu.memory_space<vmem>>
        %dma_wait3A_50 = arith.constant 0 : i32
        %dma_wait3A_51 = arith.constant 0 : i32
        %dma_wait3A_52 = tpu.memref_slice %arg2[%dma_wait3A_50, %dma_wait3A_51] : memref<10240x128xf32, #tpu.memory_space<hbm>> -> memref<10240x128xf32, #tpu.memory_space<hbm>>
        tpu.wait_indirect_dma semaphore(%arg14 : memref<!tpu.dma_semaphore, #tpu.memory_space<semaphore_mem>>) src(%dma_wait3A_52 : memref<10240x128xf32, #tpu.memory_space<hbm>>) dst(%arg10 : memref<125x128xf32, #tpu.memory_space<vmem>>)
        %dma_start3A_53 = arith.constant 0 : i32
        %dma_start3A_54 = tpu.memref_slice %arg9[%add3A_46, %dma_start3A_53] : memref<40x125xi32, #tpu.memory_space<vmem>> -> memref<1x125xi32, #tpu.memory_space<vmem>>
        %dma_start3A_55 = tpu.memref_squeeze %dma_start3A_54 : memref<1x125xi32, #tpu.memory_space<vmem>> -> memref<125xi32, #tpu.memory_space<vmem>>
        %dma_start3A_56 = arith.constant 0 : i32
        %dma_start3A_57 = arith.constant 0 : i32
        %dma_start3A_58 = tpu.memref_slice %arg12[%dma_start3A_56, %dma_start3A_57] : memref<10240x128xf32, #tpu.memory_space<vmem_shared>> -> memref<10240x128xf32, #tpu.memory_space<vmem_shared>>
        tpu.enqueue_indirect_dma source(%arg10 : memref<125x128xf32, #tpu.memory_space<vmem>>) target(%dma_start3A_58 : memref<10240x128xf32, #tpu.memory_space<vmem_shared>>) offsets(%dma_start3A_55 : memref<125xi32, #tpu.memory_space<vmem>>) semaphore(%arg16 : memref<!tpu.dma_semaphore, #tpu.memory_space<semaphore_mem>>) {add = true}
        %mul3A_59 = arith.constant 2 : i32
        %mul3A_60 = arith.muli %scan3A_22, %mul3A_59 : i32
        %add3A_61 = arith.constant 1 : i32
        %add3A_62 = arith.addi %mul3A_60, %add3A_61 : i32
        %dma_wait3A_63 = arith.constant 0 : i32
        %dma_wait3A_64 = tpu.memref_slice %arg8[%add3A_36, %dma_wait3A_63] : memref<40x125xi32, #tpu.memory_space<vmem>> -> memref<1x125xi32, #tpu.memory_space<vmem>>
        %dma_wait3A_65 = tpu.memref_squeeze %dma_wait3A_64 : memref<1x125xi32, #tpu.memory_space<vmem>> -> memref<125xi32, #tpu.memory_space<vmem>>
        %dma_wait3A_66 = arith.constant 0 : i32
        %dma_wait3A_67 = arith.constant 0 : i32
        %dma_wait3A_68 = tpu.memref_slice %arg2[%dma_wait3A_66, %dma_wait3A_67] : memref<10240x128xf32, #tpu.memory_space<hbm>> -> memref<10240x128xf32, #tpu.memory_space<hbm>>
        tpu.wait_indirect_dma semaphore(%arg15 : memref<!tpu.dma_semaphore, #tpu.memory_space<semaphore_mem>>) src(%dma_wait3A_68 : memref<10240x128xf32, #tpu.memory_space<hbm>>) dst(%arg11 : memref<125x128xf32, #tpu.memory_space<vmem>>)
        %dma_start3A_69 = arith.constant 0 : i32
        %dma_start3A_70 = tpu.memref_slice %arg9[%add3A_62, %dma_start3A_69] : memref<40x125xi32, #tpu.memory_space<vmem>> -> memref<1x125xi32, #tpu.memory_space<vmem>>
        %dma_start3A_71 = tpu.memref_squeeze %dma_start3A_70 : memref<1x125xi32, #tpu.memory_space<vmem>> -> memref<125xi32, #tpu.memory_space<vmem>>
        %dma_start3A_72 = arith.constant 0 : i32
        %dma_start3A_73 = arith.constant 0 : i32
        %dma_start3A_74 = tpu.memref_slice %arg12[%dma_start3A_72, %dma_start3A_73] : memref<10240x128xf32, #tpu.memory_space<vmem_shared>> -> memref<10240x128xf32, #tpu.memory_space<vmem_shared>>
        tpu.enqueue_indirect_dma source(%arg11 : memref<125x128xf32, #tpu.memory_space<vmem>>) target(%dma_start3A_74 : memref<10240x128xf32, #tpu.memory_space<vmem_shared>>) offsets(%dma_start3A_71 : memref<125xi32, #tpu.memory_space<vmem>>) semaphore(%arg17 : memref<!tpu.dma_semaphore, #tpu.memory_space<semaphore_mem>>) {add = true}
        %dma_wait3A_75 = arith.constant 0 : i32
        %dma_wait3A_76 = tpu.memref_slice %arg9[%add3A_46, %dma_wait3A_75] : memref<40x125xi32, #tpu.memory_space<vmem>> -> memref<1x125xi32, #tpu.memory_space<vmem>>
        %dma_wait3A_77 = tpu.memref_squeeze %dma_wait3A_76 : memref<1x125xi32, #tpu.memory_space<vmem>> -> memref<125xi32, #tpu.memory_space<vmem>>
        %dma_wait3A_78 = arith.constant 0 : i32
        %dma_wait3A_79 = arith.constant 0 : i32
        %dma_wait3A_80 = tpu.memref_slice %arg12[%dma_wait3A_78, %dma_wait3A_79] : memref<10240x128xf32, #tpu.memory_space<vmem_shared>> -> memref<10240x128xf32, #tpu.memory_space<vmem_shared>>
        tpu.wait_indirect_dma semaphore(%arg16 : memref<!tpu.dma_semaphore, #tpu.memory_space<semaphore_mem>>) src(%arg10 : memref<125x128xf32, #tpu.memory_space<vmem>>) dst(%dma_wait3A_80 : memref<10240x128xf32, #tpu.memory_space<vmem_shared>>)
        %dma_wait3A_81 = arith.constant 0 : i32
        %dma_wait3A_82 = tpu.memref_slice %arg9[%add3A_62, %dma_wait3A_81] : memref<40x125xi32, #tpu.memory_space<vmem>> -> memref<1x125xi32, #tpu.memory_space<vmem>>
        %dma_wait3A_83 = tpu.memref_squeeze %dma_wait3A_82 : memref<1x125xi32, #tpu.memory_space<vmem>> -> memref<125xi32, #tpu.memory_space<vmem>>
        %dma_wait3A_84 = arith.constant 0 : i32
        %dma_wait3A_85 = arith.constant 0 : i32
        %dma_wait3A_86 = tpu.memref_slice %arg12[%dma_wait3A_84, %dma_wait3A_85] : memref<10240x128xf32, #tpu.memory_space<vmem_shared>> -> memref<10240x128xf32, #tpu.memory_space<vmem_shared>>
        tpu.wait_indirect_dma semaphore(%arg17 : memref<!tpu.dma_semaphore, #tpu.memory_space<semaphore_mem>>) src(%arg11 : memref<125x128xf32, #tpu.memory_space<vmem>>) dst(%dma_wait3A_86 : memref<10240x128xf32, #tpu.memory_space<vmem_shared>>)
      }
      %scan3A_20 = arith.constant 20 : i32
      %barrier3A_21 = arith.constant 0 : index
      tpu.barrier barrier_id(%barrier3A_21)
      "tpu.region"() ({
        %run_scoped3A = tpu.sem_alloc : memref<!tpu.dma_semaphore, #tpu.memory_space<semaphore_mem>>
        %dma_start3A_22 = arith.constant 0 : i32
        %dma_start3A_23 = tpu.memref_slice %arg7[%mul3A_2, %dma_start3A_22] : memref<10240x128xf32, #tpu.memory_space<hbm>> -> memref<640x128xf32, #tpu.memory_space<hbm>>
        %dma_start3A_24 = arith.constant 0 : i32
        %dma_start3A_25 = tpu.memref_slice %arg12[%mul3A_2, %dma_start3A_24] : memref<10240x128xf32, #tpu.memory_space<vmem_shared>> -> memref<640x128xf32, #tpu.memory_space<vmem_shared>>
        tpu.enqueue_dma source(%dma_start3A_25 : memref<640x128xf32, #tpu.memory_space<vmem_shared>>) target(%dma_start3A_23 : memref<640x128xf32, #tpu.memory_space<hbm>>) target_semaphore(%run_scoped3A : memref<!tpu.dma_semaphore, #tpu.memory_space<semaphore_mem>>)
        %dma_wait3A_26 = arith.constant 0 : i32
        %dma_wait3A_27 = tpu.memref_slice %arg7[%mul3A_2, %dma_wait3A_26] : memref<10240x128xf32, #tpu.memory_space<hbm>> -> memref<640x128xf32, #tpu.memory_space<hbm>>
        %dma_wait3A_28 = arith.constant 0 : i32
        %dma_wait3A_29 = tpu.memref_slice %arg12[%mul3A_2, %dma_wait3A_28] : memref<10240x128xf32, #tpu.memory_space<vmem_shared>> -> memref<640x128xf32, #tpu.memory_space<vmem_shared>>
        tpu.wait_dma2 semaphore(%run_scoped3A : memref<!tpu.dma_semaphore, #tpu.memory_space<semaphore_mem>>) src(%dma_wait3A_29 : memref<640x128xf32, #tpu.memory_space<vmem_shared>>) dst(%dma_wait3A_27 : memref<640x128xf32, #tpu.memory_space<hbm>>)
        tpu.yield
      }) : () -> ()
    } else {
    }
    return
  }
}

#map = affine_map<(d0, d1) -> (0, 0)>
#map1 = affine_map<(d0, d1) -> (0, 0, 0)>
module attributes {stable_mosaic.version = 14 : i64} {
  func.func @_pass_edge_body(%arg0: i32, %arg1: i32, %arg2: memref<10240x128xf32, #tpu.memory_space<hbm>>, %arg3: memref<10240x128xf32, #tpu.memory_space<hbm>>, %arg4: memref<32x40x125xi32, #tpu.memory_space<hbm>>, %arg5: memref<32x40x125xi32, #tpu.memory_space<hbm>>, %arg6: memref<10240x128xf32, #tpu.memory_space<hbm>>, %arg7: memref<10240x128xf32, #tpu.memory_space<hbm>>, %arg8: memref<40x125xi32, #tpu.memory_space<vmem>>, %arg9: memref<40x125xi32, #tpu.memory_space<vmem>>, %arg10: memref<125x128xf32, #tpu.memory_space<vmem>>, %arg11: memref<125x128xf32, #tpu.memory_space<vmem>>, %arg12: memref<10240x128xf32, #tpu.memory_space<vmem_shared>>, %arg13: memref<!tpu.dma_semaphore, #tpu.memory_space<semaphore_mem>>, %arg14: memref<!tpu.dma_semaphore, #tpu.memory_space<semaphore_mem>>, %arg15: memref<!tpu.dma_semaphore, #tpu.memory_space<semaphore_mem>>, %arg16: memref<!tpu.dma_semaphore, #tpu.memory_space<semaphore_mem>>, %arg17: memref<!tpu.dma_semaphore, #tpu.memory_space<semaphore_mem>>) attributes {dimension_semantics = [#tpu.dimension_semantics<core_parallel>, #tpu.dimension_semantics<subcore_parallel>], iteration_bounds = array<i64: 2, 16>, scalar_prefetch = 0 : i64, scratch_operands = 10 : i64, tpu.core_type = #tpu.core_type<sc_vector_subcore>, window_params = [{transform_indices = #map}, {transform_indices = #map}, {transform_indices = #map1}, {transform_indices = #map1}, {transform_indices = #map}, {transform_indices = #map}]} {
    %mul3A = arith.constant 16 : i32
    %mul3A_0 = arith.muli %arg0, %mul3A : i32
    %add3A = arith.addi %mul3A_0, %arg1 : i32
    "tpu.region"() ({
      %run_scoped3A = tpu.sem_alloc : memref<!tpu.dma_semaphore, #tpu.memory_space<semaphore_mem>>
      %dma_start3A = arith.constant 0 : i32
      %dma_start3A_10 = arith.constant 0 : i32
      %dma_start3A_11 = tpu.memref_slice %arg4[%add3A, %dma_start3A, %dma_start3A_10] : memref<32x40x125xi32, #tpu.memory_space<hbm>> -> memref<1x40x125xi32, #tpu.memory_space<hbm>>
      %dma_start3A_12 = tpu.memref_squeeze %dma_start3A_11 : memref<1x40x125xi32, #tpu.memory_space<hbm>> -> memref<40x125xi32, #tpu.memory_space<hbm>>
      %dma_start3A_13 = arith.constant 0 : i32
      %dma_start3A_14 = arith.constant 0 : i32
      %dma_start3A_15 = tpu.memref_slice %arg4[%add3A, %dma_start3A_13, %dma_start3A_14] : memref<32x40x125xi32, #tpu.memory_space<hbm>> -> memref<1x40x125xi32, #tpu.memory_space<hbm>>
      %dma_start3A_16 = tpu.memref_squeeze %dma_start3A_15 : memref<1x40x125xi32, #tpu.memory_space<hbm>> -> memref<40x125xi32, #tpu.memory_space<hbm>>
      tpu.enqueue_dma source(%dma_start3A_16 : memref<40x125xi32, #tpu.memory_space<hbm>>) target(%arg8 : memref<40x125xi32, #tpu.memory_space<vmem>>) target_semaphore(%run_scoped3A : memref<!tpu.dma_semaphore, #tpu.memory_space<semaphore_mem>>)
      %dma_wait3A = arith.constant 0 : i32
      %dma_wait3A_17 = arith.constant 0 : i32
      %dma_wait3A_18 = tpu.memref_slice %arg4[%add3A, %dma_wait3A, %dma_wait3A_17] : memref<32x40x125xi32, #tpu.memory_space<hbm>> -> memref<1x40x125xi32, #tpu.memory_space<hbm>>
      %dma_wait3A_19 = tpu.memref_squeeze %dma_wait3A_18 : memref<1x40x125xi32, #tpu.memory_space<hbm>> -> memref<40x125xi32, #tpu.memory_space<hbm>>
      %dma_wait3A_20 = arith.constant 0 : i32
      %dma_wait3A_21 = arith.constant 0 : i32
      %dma_wait3A_22 = tpu.memref_slice %arg4[%add3A, %dma_wait3A_20, %dma_wait3A_21] : memref<32x40x125xi32, #tpu.memory_space<hbm>> -> memref<1x40x125xi32, #tpu.memory_space<hbm>>
      %dma_wait3A_23 = tpu.memref_squeeze %dma_wait3A_22 : memref<1x40x125xi32, #tpu.memory_space<hbm>> -> memref<40x125xi32, #tpu.memory_space<hbm>>
      tpu.wait_dma2 semaphore(%run_scoped3A : memref<!tpu.dma_semaphore, #tpu.memory_space<semaphore_mem>>) src(%dma_wait3A_23 : memref<40x125xi32, #tpu.memory_space<hbm>>) dst(%arg8 : memref<40x125xi32, #tpu.memory_space<vmem>>)
      tpu.yield
    }) : () -> ()
    "tpu.region"() ({
      %run_scoped3A = tpu.sem_alloc : memref<!tpu.dma_semaphore, #tpu.memory_space<semaphore_mem>>
      %dma_start3A = arith.constant 0 : i32
      %dma_start3A_10 = arith.constant 0 : i32
      %dma_start3A_11 = tpu.memref_slice %arg5[%add3A, %dma_start3A, %dma_start3A_10] : memref<32x40x125xi32, #tpu.memory_space<hbm>> -> memref<1x40x125xi32, #tpu.memory_space<hbm>>
      %dma_start3A_12 = tpu.memref_squeeze %dma_start3A_11 : memref<1x40x125xi32, #tpu.memory_space<hbm>> -> memref<40x125xi32, #tpu.memory_space<hbm>>
      %dma_start3A_13 = arith.constant 0 : i32
      %dma_start3A_14 = arith.constant 0 : i32
      %dma_start3A_15 = tpu.memref_slice %arg5[%add3A, %dma_start3A_13, %dma_start3A_14] : memref<32x40x125xi32, #tpu.memory_space<hbm>> -> memref<1x40x125xi32, #tpu.memory_space<hbm>>
      %dma_start3A_16 = tpu.memref_squeeze %dma_start3A_15 : memref<1x40x125xi32, #tpu.memory_space<hbm>> -> memref<40x125xi32, #tpu.memory_space<hbm>>
      tpu.enqueue_dma source(%dma_start3A_16 : memref<40x125xi32, #tpu.memory_space<hbm>>) target(%arg9 : memref<40x125xi32, #tpu.memory_space<vmem>>) target_semaphore(%run_scoped3A : memref<!tpu.dma_semaphore, #tpu.memory_space<semaphore_mem>>)
      %dma_wait3A = arith.constant 0 : i32
      %dma_wait3A_17 = arith.constant 0 : i32
      %dma_wait3A_18 = tpu.memref_slice %arg5[%add3A, %dma_wait3A, %dma_wait3A_17] : memref<32x40x125xi32, #tpu.memory_space<hbm>> -> memref<1x40x125xi32, #tpu.memory_space<hbm>>
      %dma_wait3A_19 = tpu.memref_squeeze %dma_wait3A_18 : memref<1x40x125xi32, #tpu.memory_space<hbm>> -> memref<40x125xi32, #tpu.memory_space<hbm>>
      %dma_wait3A_20 = arith.constant 0 : i32
      %dma_wait3A_21 = arith.constant 0 : i32
      %dma_wait3A_22 = tpu.memref_slice %arg5[%add3A, %dma_wait3A_20, %dma_wait3A_21] : memref<32x40x125xi32, #tpu.memory_space<hbm>> -> memref<1x40x125xi32, #tpu.memory_space<hbm>>
      %dma_wait3A_23 = tpu.memref_squeeze %dma_wait3A_22 : memref<1x40x125xi32, #tpu.memory_space<hbm>> -> memref<40x125xi32, #tpu.memory_space<hbm>>
      tpu.wait_dma2 semaphore(%run_scoped3A : memref<!tpu.dma_semaphore, #tpu.memory_space<semaphore_mem>>) src(%dma_wait3A_23 : memref<40x125xi32, #tpu.memory_space<hbm>>) dst(%arg9 : memref<40x125xi32, #tpu.memory_space<vmem>>)
      tpu.yield
    }) : () -> ()
    %mul3A_1 = arith.constant 640 : i32
    %mul3A_2 = arith.muli %arg1, %mul3A_1 : i32
    %eq3A = arith.constant 0 : i32
    %eq3A_3 = arith.cmpi eq, %arg0, %eq3A : i32
    %convert_element_type3A = arith.extui %eq3A_3 : i1 to i32
    %cond3A = arith.constant 0 : i32
    %cond3A_4 = arith.cmpi ne, %convert_element_type3A, %cond3A : i32
    scf.if %cond3A_4 {
      %dma_start3A = arith.constant 0 : i32
      %dma_start3A_10 = tpu.memref_slice %arg12[%mul3A_2, %dma_start3A] : memref<10240x128xf32, #tpu.memory_space<vmem_shared>> -> memref<640x128xf32, #tpu.memory_space<vmem_shared>>
      %dma_start3A_11 = arith.constant 0 : i32
      %dma_start3A_12 = tpu.memref_slice %arg2[%mul3A_2, %dma_start3A_11] : memref<10240x128xf32, #tpu.memory_space<hbm>> -> memref<640x128xf32, #tpu.memory_space<hbm>>
      tpu.enqueue_dma source(%dma_start3A_12 : memref<640x128xf32, #tpu.memory_space<hbm>>) target(%dma_start3A_10 : memref<640x128xf32, #tpu.memory_space<vmem_shared>>) target_semaphore(%arg13 : memref<!tpu.dma_semaphore, #tpu.memory_space<semaphore_mem>>)
      %dma_wait3A = arith.constant 0 : i32
      %dma_wait3A_13 = tpu.memref_slice %arg12[%mul3A_2, %dma_wait3A] : memref<10240x128xf32, #tpu.memory_space<vmem_shared>> -> memref<640x128xf32, #tpu.memory_space<vmem_shared>>
      %dma_wait3A_14 = arith.constant 0 : i32
      %dma_wait3A_15 = tpu.memref_slice %arg2[%mul3A_2, %dma_wait3A_14] : memref<10240x128xf32, #tpu.memory_space<hbm>> -> memref<640x128xf32, #tpu.memory_space<hbm>>
      tpu.wait_dma2 semaphore(%arg13 : memref<!tpu.dma_semaphore, #tpu.memory_space<semaphore_mem>>) src(%dma_wait3A_15 : memref<640x128xf32, #tpu.memory_space<hbm>>) dst(%dma_wait3A_13 : memref<640x128xf32, #tpu.memory_space<vmem_shared>>)
      %barrier3A = arith.constant 0 : index
      tpu.barrier barrier_id(%barrier3A)
      %scan3A = arith.constant 0 : i32
      %scan3A_16 = arith.constant 0 : i32
      %scan3A_17 = arith.constant 20 : i32
      %scan3A_18 = arith.addi %scan3A_16, %scan3A_17 : i32
      %scan3A_19 = arith.constant 1 : i32
      scf.for %scan3A_22 = %scan3A_16 to %scan3A_18 step %scan3A_19  : i32 {
        %mul3A_23 = arith.constant 2 : i32
        %mul3A_24 = arith.muli %scan3A_22, %mul3A_23 : i32
        %add3A_25 = arith.constant 0 : i32
        %add3A_26 = arith.addi %mul3A_24, %add3A_25 : i32
        %dma_start3A_27 = arith.constant 0 : i32
        %dma_start3A_28 = tpu.memref_slice %arg8[%add3A_26, %dma_start3A_27] : memref<40x125xi32, #tpu.memory_space<vmem>> -> memref<1x125xi32, #tpu.memory_space<vmem>>
        %dma_start3A_29 = tpu.memref_squeeze %dma_start3A_28 : memref<1x125xi32, #tpu.memory_space<vmem>> -> memref<125xi32, #tpu.memory_space<vmem>>
        %dma_start3A_30 = arith.constant 0 : i32
        %dma_start3A_31 = arith.constant 0 : i32
        %dma_start3A_32 = tpu.memref_slice %arg2[%dma_start3A_30, %dma_start3A_31] : memref<10240x128xf32, #tpu.memory_space<hbm>> -> memref<10240x128xf32, #tpu.memory_space<hbm>>
        tpu.enqueue_indirect_dma source(%dma_start3A_32 : memref<10240x128xf32, #tpu.memory_space<hbm>>) target(%arg10 : memref<125x128xf32, #tpu.memory_space<vmem>>) offsets(%dma_start3A_29 : memref<125xi32, #tpu.memory_space<vmem>>) semaphore(%arg14 : memref<!tpu.dma_semaphore, #tpu.memory_space<semaphore_mem>>)
        %mul3A_33 = arith.constant 2 : i32
        %mul3A_34 = arith.muli %scan3A_22, %mul3A_33 : i32
        %add3A_35 = arith.constant 1 : i32
        %add3A_36 = arith.addi %mul3A_34, %add3A_35 : i32
        %dma_start3A_37 = arith.constant 0 : i32
        %dma_start3A_38 = tpu.memref_slice %arg8[%add3A_36, %dma_start3A_37] : memref<40x125xi32, #tpu.memory_space<vmem>> -> memref<1x125xi32, #tpu.memory_space<vmem>>
        %dma_start3A_39 = tpu.memref_squeeze %dma_start3A_38 : memref<1x125xi32, #tpu.memory_space<vmem>> -> memref<125xi32, #tpu.memory_space<vmem>>
        %dma_start3A_40 = arith.constant 0 : i32
        %dma_start3A_41 = arith.constant 0 : i32
        %dma_start3A_42 = tpu.memref_slice %arg2[%dma_start3A_40, %dma_start3A_41] : memref<10240x128xf32, #tpu.memory_space<hbm>> -> memref<10240x128xf32, #tpu.memory_space<hbm>>
        tpu.enqueue_indirect_dma source(%dma_start3A_42 : memref<10240x128xf32, #tpu.memory_space<hbm>>) target(%arg11 : memref<125x128xf32, #tpu.memory_space<vmem>>) offsets(%dma_start3A_39 : memref<125xi32, #tpu.memory_space<vmem>>) semaphore(%arg15 : memref<!tpu.dma_semaphore, #tpu.memory_space<semaphore_mem>>)
        %mul3A_43 = arith.constant 2 : i32
        %mul3A_44 = arith.muli %scan3A_22, %mul3A_43 : i32
        %add3A_45 = arith.constant 0 : i32
        %add3A_46 = arith.addi %mul3A_44, %add3A_45 : i32
        %dma_wait3A_47 = arith.constant 0 : i32
        %dma_wait3A_48 = tpu.memref_slice %arg8[%add3A_26, %dma_wait3A_47] : memref<40x125xi32, #tpu.memory_space<vmem>> -> memref<1x125xi32, #tpu.memory_space<vmem>>
        %dma_wait3A_49 = tpu.memref_squeeze %dma_wait3A_48 : memref<1x125xi32, #tpu.memory_space<vmem>> -> memref<125xi32, #tpu.memory_space<vmem>>
        %dma_wait3A_50 = arith.constant 0 : i32
        %dma_wait3A_51 = arith.constant 0 : i32
        %dma_wait3A_52 = tpu.memref_slice %arg2[%dma_wait3A_50, %dma_wait3A_51] : memref<10240x128xf32, #tpu.memory_space<hbm>> -> memref<10240x128xf32, #tpu.memory_space<hbm>>
        tpu.wait_indirect_dma semaphore(%arg14 : memref<!tpu.dma_semaphore, #tpu.memory_space<semaphore_mem>>) src(%dma_wait3A_52 : memref<10240x128xf32, #tpu.memory_space<hbm>>) dst(%arg10 : memref<125x128xf32, #tpu.memory_space<vmem>>)
        %dma_start3A_53 = arith.constant 0 : i32
        %dma_start3A_54 = tpu.memref_slice %arg9[%add3A_46, %dma_start3A_53] : memref<40x125xi32, #tpu.memory_space<vmem>> -> memref<1x125xi32, #tpu.memory_space<vmem>>
        %dma_start3A_55 = tpu.memref_squeeze %dma_start3A_54 : memref<1x125xi32, #tpu.memory_space<vmem>> -> memref<125xi32, #tpu.memory_space<vmem>>
        %dma_start3A_56 = arith.constant 0 : i32
        %dma_start3A_57 = arith.constant 0 : i32
        %dma_start3A_58 = tpu.memref_slice %arg12[%dma_start3A_56, %dma_start3A_57] : memref<10240x128xf32, #tpu.memory_space<vmem_shared>> -> memref<10240x128xf32, #tpu.memory_space<vmem_shared>>
        tpu.enqueue_indirect_dma source(%arg10 : memref<125x128xf32, #tpu.memory_space<vmem>>) target(%dma_start3A_58 : memref<10240x128xf32, #tpu.memory_space<vmem_shared>>) offsets(%dma_start3A_55 : memref<125xi32, #tpu.memory_space<vmem>>) semaphore(%arg16 : memref<!tpu.dma_semaphore, #tpu.memory_space<semaphore_mem>>) {add = true}
        %mul3A_59 = arith.constant 2 : i32
        %mul3A_60 = arith.muli %scan3A_22, %mul3A_59 : i32
        %add3A_61 = arith.constant 1 : i32
        %add3A_62 = arith.addi %mul3A_60, %add3A_61 : i32
        %dma_wait3A_63 = arith.constant 0 : i32
        %dma_wait3A_64 = tpu.memref_slice %arg8[%add3A_36, %dma_wait3A_63] : memref<40x125xi32, #tpu.memory_space<vmem>> -> memref<1x125xi32, #tpu.memory_space<vmem>>
        %dma_wait3A_65 = tpu.memref_squeeze %dma_wait3A_64 : memref<1x125xi32, #tpu.memory_space<vmem>> -> memref<125xi32, #tpu.memory_space<vmem>>
        %dma_wait3A_66 = arith.constant 0 : i32
        %dma_wait3A_67 = arith.constant 0 : i32
        %dma_wait3A_68 = tpu.memref_slice %arg2[%dma_wait3A_66, %dma_wait3A_67] : memref<10240x128xf32, #tpu.memory_space<hbm>> -> memref<10240x128xf32, #tpu.memory_space<hbm>>
        tpu.wait_indirect_dma semaphore(%arg15 : memref<!tpu.dma_semaphore, #tpu.memory_space<semaphore_mem>>) src(%dma_wait3A_68 : memref<10240x128xf32, #tpu.memory_space<hbm>>) dst(%arg11 : memref<125x128xf32, #tpu.memory_space<vmem>>)
        %dma_start3A_69 = arith.constant 0 : i32
        %dma_start3A_70 = tpu.memref_slice %arg9[%add3A_62, %dma_start3A_69] : memref<40x125xi32, #tpu.memory_space<vmem>> -> memref<1x125xi32, #tpu.memory_space<vmem>>
        %dma_start3A_71 = tpu.memref_squeeze %dma_start3A_70 : memref<1x125xi32, #tpu.memory_space<vmem>> -> memref<125xi32, #tpu.memory_space<vmem>>
        %dma_start3A_72 = arith.constant 0 : i32
        %dma_start3A_73 = arith.constant 0 : i32
        %dma_start3A_74 = tpu.memref_slice %arg12[%dma_start3A_72, %dma_start3A_73] : memref<10240x128xf32, #tpu.memory_space<vmem_shared>> -> memref<10240x128xf32, #tpu.memory_space<vmem_shared>>
        tpu.enqueue_indirect_dma source(%arg11 : memref<125x128xf32, #tpu.memory_space<vmem>>) target(%dma_start3A_74 : memref<10240x128xf32, #tpu.memory_space<vmem_shared>>) offsets(%dma_start3A_71 : memref<125xi32, #tpu.memory_space<vmem>>) semaphore(%arg17 : memref<!tpu.dma_semaphore, #tpu.memory_space<semaphore_mem>>) {add = true}
        %dma_wait3A_75 = arith.constant 0 : i32
        %dma_wait3A_76 = tpu.memref_slice %arg9[%add3A_46, %dma_wait3A_75] : memref<40x125xi32, #tpu.memory_space<vmem>> -> memref<1x125xi32, #tpu.memory_space<vmem>>
        %dma_wait3A_77 = tpu.memref_squeeze %dma_wait3A_76 : memref<1x125xi32, #tpu.memory_space<vmem>> -> memref<125xi32, #tpu.memory_space<vmem>>
        %dma_wait3A_78 = arith.constant 0 : i32
        %dma_wait3A_79 = arith.constant 0 : i32
        %dma_wait3A_80 = tpu.memref_slice %arg12[%dma_wait3A_78, %dma_wait3A_79] : memref<10240x128xf32, #tpu.memory_space<vmem_shared>> -> memref<10240x128xf32, #tpu.memory_space<vmem_shared>>
        tpu.wait_indirect_dma semaphore(%arg16 : memref<!tpu.dma_semaphore, #tpu.memory_space<semaphore_mem>>) src(%arg10 : memref<125x128xf32, #tpu.memory_space<vmem>>) dst(%dma_wait3A_80 : memref<10240x128xf32, #tpu.memory_space<vmem_shared>>)
        %dma_wait3A_81 = arith.constant 0 : i32
        %dma_wait3A_82 = tpu.memref_slice %arg9[%add3A_62, %dma_wait3A_81] : memref<40x125xi32, #tpu.memory_space<vmem>> -> memref<1x125xi32, #tpu.memory_space<vmem>>
        %dma_wait3A_83 = tpu.memref_squeeze %dma_wait3A_82 : memref<1x125xi32, #tpu.memory_space<vmem>> -> memref<125xi32, #tpu.memory_space<vmem>>
        %dma_wait3A_84 = arith.constant 0 : i32
        %dma_wait3A_85 = arith.constant 0 : i32
        %dma_wait3A_86 = tpu.memref_slice %arg12[%dma_wait3A_84, %dma_wait3A_85] : memref<10240x128xf32, #tpu.memory_space<vmem_shared>> -> memref<10240x128xf32, #tpu.memory_space<vmem_shared>>
        tpu.wait_indirect_dma semaphore(%arg17 : memref<!tpu.dma_semaphore, #tpu.memory_space<semaphore_mem>>) src(%arg11 : memref<125x128xf32, #tpu.memory_space<vmem>>) dst(%dma_wait3A_86 : memref<10240x128xf32, #tpu.memory_space<vmem_shared>>)
      }
      %scan3A_20 = arith.constant 20 : i32
      %barrier3A_21 = arith.constant 0 : index
      tpu.barrier barrier_id(%barrier3A_21)
      "tpu.region"() ({
        %run_scoped3A = tpu.sem_alloc : memref<!tpu.dma_semaphore, #tpu.memory_space<semaphore_mem>>
        %dma_start3A_22 = arith.constant 0 : i32
        %dma_start3A_23 = tpu.memref_slice %arg6[%mul3A_2, %dma_start3A_22] : memref<10240x128xf32, #tpu.memory_space<hbm>> -> memref<640x128xf32, #tpu.memory_space<hbm>>
        %dma_start3A_24 = arith.constant 0 : i32
        %dma_start3A_25 = tpu.memref_slice %arg12[%mul3A_2, %dma_start3A_24] : memref<10240x128xf32, #tpu.memory_space<vmem_shared>> -> memref<640x128xf32, #tpu.memory_space<vmem_shared>>
        tpu.enqueue_dma source(%dma_start3A_25 : memref<640x128xf32, #tpu.memory_space<vmem_shared>>) target(%dma_start3A_23 : memref<640x128xf32, #tpu.memory_space<hbm>>) target_semaphore(%run_scoped3A : memref<!tpu.dma_semaphore, #tpu.memory_space<semaphore_mem>>)
        %dma_wait3A_26 = arith.constant 0 : i32
        %dma_wait3A_27 = tpu.memref_slice %arg6[%mul3A_2, %dma_wait3A_26] : memref<10240x128xf32, #tpu.memory_space<hbm>> -> memref<640x128xf32, #tpu.memory_space<hbm>>
        %dma_wait3A_28 = arith.constant 0 : i32
        %dma_wait3A_29 = tpu.memref_slice %arg12[%mul3A_2, %dma_wait3A_28] : memref<10240x128xf32, #tpu.memory_space<vmem_shared>> -> memref<640x128xf32, #tpu.memory_space<vmem_shared>>
        tpu.wait_dma2 semaphore(%run_scoped3A : memref<!tpu.dma_semaphore, #tpu.memory_space<semaphore_mem>>) src(%dma_wait3A_29 : memref<640x128xf32, #tpu.memory_space<vmem_shared>>) dst(%dma_wait3A_27 : memref<640x128xf32, #tpu.memory_space<hbm>>)
        tpu.yield
      }) : () -> ()
    } else {
    }
    %eq3A_5 = arith.constant 1 : i32
    %eq3A_6 = arith.cmpi eq, %arg0, %eq3A_5 : i32
    %convert_element_type3A_7 = arith.extui %eq3A_6 : i1 to i32
    %cond3A_8 = arith.constant 0 : i32
    %cond3A_9 = arith.cmpi ne, %convert_element_type3A_7, %cond3A_8 : i32
    scf.if %cond3A_9 {
      %dma_start3A = arith.constant 0 : i32
      %dma_start3A_10 = tpu.memref_slice %arg12[%mul3A_2, %dma_start3A] : memref<10240x128xf32, #tpu.memory_space<vmem_shared>> -> memref<640x128xf32, #tpu.memory_space<vmem_shared>>
      %dma_start3A_11 = arith.constant 0 : i32
      %dma_start3A_12 = tpu.memref_slice %arg3[%mul3A_2, %dma_start3A_11] : memref<10240x128xf32, #tpu.memory_space<hbm>> -> memref<640x128xf32, #tpu.memory_space<hbm>>
      tpu.enqueue_dma source(%dma_start3A_12 : memref<640x128xf32, #tpu.memory_space<hbm>>) target(%dma_start3A_10 : memref<640x128xf32, #tpu.memory_space<vmem_shared>>) target_semaphore(%arg13 : memref<!tpu.dma_semaphore, #tpu.memory_space<semaphore_mem>>)
      %dma_wait3A = arith.constant 0 : i32
      %dma_wait3A_13 = tpu.memref_slice %arg12[%mul3A_2, %dma_wait3A] : memref<10240x128xf32, #tpu.memory_space<vmem_shared>> -> memref<640x128xf32, #tpu.memory_space<vmem_shared>>
      %dma_wait3A_14 = arith.constant 0 : i32
      %dma_wait3A_15 = tpu.memref_slice %arg3[%mul3A_2, %dma_wait3A_14] : memref<10240x128xf32, #tpu.memory_space<hbm>> -> memref<640x128xf32, #tpu.memory_space<hbm>>
      tpu.wait_dma2 semaphore(%arg13 : memref<!tpu.dma_semaphore, #tpu.memory_space<semaphore_mem>>) src(%dma_wait3A_15 : memref<640x128xf32, #tpu.memory_space<hbm>>) dst(%dma_wait3A_13 : memref<640x128xf32, #tpu.memory_space<vmem_shared>>)
      %barrier3A = arith.constant 0 : index
      tpu.barrier barrier_id(%barrier3A)
      %scan3A = arith.constant 0 : i32
      %scan3A_16 = arith.constant 0 : i32
      %scan3A_17 = arith.constant 20 : i32
      %scan3A_18 = arith.addi %scan3A_16, %scan3A_17 : i32
      %scan3A_19 = arith.constant 1 : i32
      scf.for %scan3A_22 = %scan3A_16 to %scan3A_18 step %scan3A_19  : i32 {
        %mul3A_23 = arith.constant 2 : i32
        %mul3A_24 = arith.muli %scan3A_22, %mul3A_23 : i32
        %add3A_25 = arith.constant 0 : i32
        %add3A_26 = arith.addi %mul3A_24, %add3A_25 : i32
        %dma_start3A_27 = arith.constant 0 : i32
        %dma_start3A_28 = tpu.memref_slice %arg8[%add3A_26, %dma_start3A_27] : memref<40x125xi32, #tpu.memory_space<vmem>> -> memref<1x125xi32, #tpu.memory_space<vmem>>
        %dma_start3A_29 = tpu.memref_squeeze %dma_start3A_28 : memref<1x125xi32, #tpu.memory_space<vmem>> -> memref<125xi32, #tpu.memory_space<vmem>>
        %dma_start3A_30 = arith.constant 0 : i32
        %dma_start3A_31 = arith.constant 0 : i32
        %dma_start3A_32 = tpu.memref_slice %arg2[%dma_start3A_30, %dma_start3A_31] : memref<10240x128xf32, #tpu.memory_space<hbm>> -> memref<10240x128xf32, #tpu.memory_space<hbm>>
        tpu.enqueue_indirect_dma source(%dma_start3A_32 : memref<10240x128xf32, #tpu.memory_space<hbm>>) target(%arg10 : memref<125x128xf32, #tpu.memory_space<vmem>>) offsets(%dma_start3A_29 : memref<125xi32, #tpu.memory_space<vmem>>) semaphore(%arg14 : memref<!tpu.dma_semaphore, #tpu.memory_space<semaphore_mem>>)
        %mul3A_33 = arith.constant 2 : i32
        %mul3A_34 = arith.muli %scan3A_22, %mul3A_33 : i32
        %add3A_35 = arith.constant 1 : i32
        %add3A_36 = arith.addi %mul3A_34, %add3A_35 : i32
        %dma_start3A_37 = arith.constant 0 : i32
        %dma_start3A_38 = tpu.memref_slice %arg8[%add3A_36, %dma_start3A_37] : memref<40x125xi32, #tpu.memory_space<vmem>> -> memref<1x125xi32, #tpu.memory_space<vmem>>
        %dma_start3A_39 = tpu.memref_squeeze %dma_start3A_38 : memref<1x125xi32, #tpu.memory_space<vmem>> -> memref<125xi32, #tpu.memory_space<vmem>>
        %dma_start3A_40 = arith.constant 0 : i32
        %dma_start3A_41 = arith.constant 0 : i32
        %dma_start3A_42 = tpu.memref_slice %arg2[%dma_start3A_40, %dma_start3A_41] : memref<10240x128xf32, #tpu.memory_space<hbm>> -> memref<10240x128xf32, #tpu.memory_space<hbm>>
        tpu.enqueue_indirect_dma source(%dma_start3A_42 : memref<10240x128xf32, #tpu.memory_space<hbm>>) target(%arg11 : memref<125x128xf32, #tpu.memory_space<vmem>>) offsets(%dma_start3A_39 : memref<125xi32, #tpu.memory_space<vmem>>) semaphore(%arg15 : memref<!tpu.dma_semaphore, #tpu.memory_space<semaphore_mem>>)
        %mul3A_43 = arith.constant 2 : i32
        %mul3A_44 = arith.muli %scan3A_22, %mul3A_43 : i32
        %add3A_45 = arith.constant 0 : i32
        %add3A_46 = arith.addi %mul3A_44, %add3A_45 : i32
        %dma_wait3A_47 = arith.constant 0 : i32
        %dma_wait3A_48 = tpu.memref_slice %arg8[%add3A_26, %dma_wait3A_47] : memref<40x125xi32, #tpu.memory_space<vmem>> -> memref<1x125xi32, #tpu.memory_space<vmem>>
        %dma_wait3A_49 = tpu.memref_squeeze %dma_wait3A_48 : memref<1x125xi32, #tpu.memory_space<vmem>> -> memref<125xi32, #tpu.memory_space<vmem>>
        %dma_wait3A_50 = arith.constant 0 : i32
        %dma_wait3A_51 = arith.constant 0 : i32
        %dma_wait3A_52 = tpu.memref_slice %arg2[%dma_wait3A_50, %dma_wait3A_51] : memref<10240x128xf32, #tpu.memory_space<hbm>> -> memref<10240x128xf32, #tpu.memory_space<hbm>>
        tpu.wait_indirect_dma semaphore(%arg14 : memref<!tpu.dma_semaphore, #tpu.memory_space<semaphore_mem>>) src(%dma_wait3A_52 : memref<10240x128xf32, #tpu.memory_space<hbm>>) dst(%arg10 : memref<125x128xf32, #tpu.memory_space<vmem>>)
        %dma_start3A_53 = arith.constant 0 : i32
        %dma_start3A_54 = tpu.memref_slice %arg9[%add3A_46, %dma_start3A_53] : memref<40x125xi32, #tpu.memory_space<vmem>> -> memref<1x125xi32, #tpu.memory_space<vmem>>
        %dma_start3A_55 = tpu.memref_squeeze %dma_start3A_54 : memref<1x125xi32, #tpu.memory_space<vmem>> -> memref<125xi32, #tpu.memory_space<vmem>>
        %dma_start3A_56 = arith.constant 0 : i32
        %dma_start3A_57 = arith.constant 0 : i32
        %dma_start3A_58 = tpu.memref_slice %arg12[%dma_start3A_56, %dma_start3A_57] : memref<10240x128xf32, #tpu.memory_space<vmem_shared>> -> memref<10240x128xf32, #tpu.memory_space<vmem_shared>>
        tpu.enqueue_indirect_dma source(%arg10 : memref<125x128xf32, #tpu.memory_space<vmem>>) target(%dma_start3A_58 : memref<10240x128xf32, #tpu.memory_space<vmem_shared>>) offsets(%dma_start3A_55 : memref<125xi32, #tpu.memory_space<vmem>>) semaphore(%arg16 : memref<!tpu.dma_semaphore, #tpu.memory_space<semaphore_mem>>) {add = true}
        %mul3A_59 = arith.constant 2 : i32
        %mul3A_60 = arith.muli %scan3A_22, %mul3A_59 : i32
        %add3A_61 = arith.constant 1 : i32
        %add3A_62 = arith.addi %mul3A_60, %add3A_61 : i32
        %dma_wait3A_63 = arith.constant 0 : i32
        %dma_wait3A_64 = tpu.memref_slice %arg8[%add3A_36, %dma_wait3A_63] : memref<40x125xi32, #tpu.memory_space<vmem>> -> memref<1x125xi32, #tpu.memory_space<vmem>>
        %dma_wait3A_65 = tpu.memref_squeeze %dma_wait3A_64 : memref<1x125xi32, #tpu.memory_space<vmem>> -> memref<125xi32, #tpu.memory_space<vmem>>
        %dma_wait3A_66 = arith.constant 0 : i32
        %dma_wait3A_67 = arith.constant 0 : i32
        %dma_wait3A_68 = tpu.memref_slice %arg2[%dma_wait3A_66, %dma_wait3A_67] : memref<10240x128xf32, #tpu.memory_space<hbm>> -> memref<10240x128xf32, #tpu.memory_space<hbm>>
        tpu.wait_indirect_dma semaphore(%arg15 : memref<!tpu.dma_semaphore, #tpu.memory_space<semaphore_mem>>) src(%dma_wait3A_68 : memref<10240x128xf32, #tpu.memory_space<hbm>>) dst(%arg11 : memref<125x128xf32, #tpu.memory_space<vmem>>)
        %dma_start3A_69 = arith.constant 0 : i32
        %dma_start3A_70 = tpu.memref_slice %arg9[%add3A_62, %dma_start3A_69] : memref<40x125xi32, #tpu.memory_space<vmem>> -> memref<1x125xi32, #tpu.memory_space<vmem>>
        %dma_start3A_71 = tpu.memref_squeeze %dma_start3A_70 : memref<1x125xi32, #tpu.memory_space<vmem>> -> memref<125xi32, #tpu.memory_space<vmem>>
        %dma_start3A_72 = arith.constant 0 : i32
        %dma_start3A_73 = arith.constant 0 : i32
        %dma_start3A_74 = tpu.memref_slice %arg12[%dma_start3A_72, %dma_start3A_73] : memref<10240x128xf32, #tpu.memory_space<vmem_shared>> -> memref<10240x128xf32, #tpu.memory_space<vmem_shared>>
        tpu.enqueue_indirect_dma source(%arg11 : memref<125x128xf32, #tpu.memory_space<vmem>>) target(%dma_start3A_74 : memref<10240x128xf32, #tpu.memory_space<vmem_shared>>) offsets(%dma_start3A_71 : memref<125xi32, #tpu.memory_space<vmem>>) semaphore(%arg17 : memref<!tpu.dma_semaphore, #tpu.memory_space<semaphore_mem>>) {add = true}
        %dma_wait3A_75 = arith.constant 0 : i32
        %dma_wait3A_76 = tpu.memref_slice %arg9[%add3A_46, %dma_wait3A_75] : memref<40x125xi32, #tpu.memory_space<vmem>> -> memref<1x125xi32, #tpu.memory_space<vmem>>
        %dma_wait3A_77 = tpu.memref_squeeze %dma_wait3A_76 : memref<1x125xi32, #tpu.memory_space<vmem>> -> memref<125xi32, #tpu.memory_space<vmem>>
        %dma_wait3A_78 = arith.constant 0 : i32
        %dma_wait3A_79 = arith.constant 0 : i32
        %dma_wait3A_80 = tpu.memref_slice %arg12[%dma_wait3A_78, %dma_wait3A_79] : memref<10240x128xf32, #tpu.memory_space<vmem_shared>> -> memref<10240x128xf32, #tpu.memory_space<vmem_shared>>
        tpu.wait_indirect_dma semaphore(%arg16 : memref<!tpu.dma_semaphore, #tpu.memory_space<semaphore_mem>>) src(%arg10 : memref<125x128xf32, #tpu.memory_space<vmem>>) dst(%dma_wait3A_80 : memref<10240x128xf32, #tpu.memory_space<vmem_shared>>)
        %dma_wait3A_81 = arith.constant 0 : i32
        %dma_wait3A_82 = tpu.memref_slice %arg9[%add3A_62, %dma_wait3A_81] : memref<40x125xi32, #tpu.memory_space<vmem>> -> memref<1x125xi32, #tpu.memory_space<vmem>>
        %dma_wait3A_83 = tpu.memref_squeeze %dma_wait3A_82 : memref<1x125xi32, #tpu.memory_space<vmem>> -> memref<125xi32, #tpu.memory_space<vmem>>
        %dma_wait3A_84 = arith.constant 0 : i32
        %dma_wait3A_85 = arith.constant 0 : i32
        %dma_wait3A_86 = tpu.memref_slice %arg12[%dma_wait3A_84, %dma_wait3A_85] : memref<10240x128xf32, #tpu.memory_space<vmem_shared>> -> memref<10240x128xf32, #tpu.memory_space<vmem_shared>>
        tpu.wait_indirect_dma semaphore(%arg17 : memref<!tpu.dma_semaphore, #tpu.memory_space<semaphore_mem>>) src(%arg11 : memref<125x128xf32, #tpu.memory_space<vmem>>) dst(%dma_wait3A_86 : memref<10240x128xf32, #tpu.memory_space<vmem_shared>>)
      }
      %scan3A_20 = arith.constant 20 : i32
      %barrier3A_21 = arith.constant 0 : index
      tpu.barrier barrier_id(%barrier3A_21)
      "tpu.region"() ({
        %run_scoped3A = tpu.sem_alloc : memref<!tpu.dma_semaphore, #tpu.memory_space<semaphore_mem>>
        %dma_start3A_22 = arith.constant 0 : i32
        %dma_start3A_23 = tpu.memref_slice %arg7[%mul3A_2, %dma_start3A_22] : memref<10240x128xf32, #tpu.memory_space<hbm>> -> memref<640x128xf32, #tpu.memory_space<hbm>>
        %dma_start3A_24 = arith.constant 0 : i32
        %dma_start3A_25 = tpu.memref_slice %arg12[%mul3A_2, %dma_start3A_24] : memref<10240x128xf32, #tpu.memory_space<vmem_shared>> -> memref<640x128xf32, #tpu.memory_space<vmem_shared>>
        tpu.enqueue_dma source(%dma_start3A_25 : memref<640x128xf32, #tpu.memory_space<vmem_shared>>) target(%dma_start3A_23 : memref<640x128xf32, #tpu.memory_space<hbm>>) target_semaphore(%run_scoped3A : memref<!tpu.dma_semaphore, #tpu.memory_space<semaphore_mem>>)
        %dma_wait3A_26 = arith.constant 0 : i32
        %dma_wait3A_27 = tpu.memref_slice %arg7[%mul3A_2, %dma_wait3A_26] : memref<10240x128xf32, #tpu.memory_space<hbm>> -> memref<640x128xf32, #tpu.memory_space<hbm>>
        %dma_wait3A_28 = arith.constant 0 : i32
        %dma_wait3A_29 = tpu.memref_slice %arg12[%mul3A_2, %dma_wait3A_28] : memref<10240x128xf32, #tpu.memory_space<vmem_shared>> -> memref<640x128xf32, #tpu.memory_space<vmem_shared>>
        tpu.wait_dma2 semaphore(%run_scoped3A : memref<!tpu.dma_semaphore, #tpu.memory_space<semaphore_mem>>) src(%dma_wait3A_29 : memref<640x128xf32, #tpu.memory_space<vmem_shared>>) dst(%dma_wait3A_27 : memref<640x128xf32, #tpu.memory_space<hbm>>)
        tpu.yield
      }) : () -> ()
    } else {
    }
    return
  }
}

module attributes {stable_mosaic.version = 14 : i64} {
  func.func @_mm_cat_body(%arg0: i32, %arg1: memref<1000x128xf32, #tpu.memory_space<vmem>>, %arg2: memref<1000x128xf32, #tpu.memory_space<vmem>>, %arg3: memref<1000x128xf32, #tpu.memory_space<vmem>>, %arg4: memref<1000x128xf32, #tpu.memory_space<vmem>>, %arg5: memref<256x128xf32, #tpu.memory_space<vmem>>, %arg6: memref<1x128xf32, #tpu.memory_space<vmem>>, %arg7: memref<1000x16xf32, #tpu.memory_space<vmem>>, %arg8: memref<1000x128xf32, #tpu.memory_space<vmem>>) attributes {dimension_semantics = [#tpu.dimension_semantics<arbitrary>], iteration_bounds = array<i64: 10>, scalar_prefetch = 0 : i64, scratch_operands = 0 : i64, tpu.core_type = #tpu.core_type<tc>, window_params = [{transform_indices = @transform_0, window_bounds = array<i64: 1000, 128>}, {transform_indices = @transform_1, window_bounds = array<i64: 1000, 128>}, {transform_indices = @transform_2, window_bounds = array<i64: 1000, 128>}, {transform_indices = @transform_3, window_bounds = array<i64: 1000, 128>}, {pipeline_mode = #tpu.pipeline_mode<synchronous>, transform_indices = @transform_4, window_bounds = array<i64: 256, 128>}, {pipeline_mode = #tpu.pipeline_mode<synchronous>, transform_indices = @transform_5, window_bounds = array<i64: 1, 128>}, {transform_indices = @transform_6, window_bounds = array<i64: 1000, 16>}, {transform_indices = @transform_7, window_bounds = array<i64: 1000, 128>}]} {
    %get3A = arith.constant 0 : index
    %get3A_0 = arith.constant 0 : index
    %get3A_1 = vector.load %arg7[%get3A, %get3A_0] : memref<1000x16xf32, #tpu.memory_space<vmem>>, vector<1000x1xf32>
    %get3A_2 = arith.constant 0 : index
    %get3A_3 = arith.constant 0 : index
    %get3A_4 = vector.load %arg1[%get3A_2, %get3A_3] : memref<1000x128xf32, #tpu.memory_space<vmem>>, vector<1000x128xf32>
    %get3A_5 = arith.constant 0 : index
    %get3A_6 = arith.constant 0 : index
    %get3A_7 = vector.load %arg2[%get3A_5, %get3A_6] : memref<1000x128xf32, #tpu.memory_space<vmem>>, vector<1000x128xf32>
    %add3A = arith.addf %get3A_4, %get3A_7 : vector<1000x128xf32>
    %get3A_8 = arith.constant 0 : index
    %get3A_9 = arith.constant 0 : index
    %get3A_10 = vector.load %arg3[%get3A_8, %get3A_9] : memref<1000x128xf32, #tpu.memory_space<vmem>>, vector<1000x128xf32>
    %get3A_11 = arith.constant 0 : index
    %get3A_12 = arith.constant 0 : index
    %get3A_13 = vector.load %arg4[%get3A_11, %get3A_12] : memref<1000x128xf32, #tpu.memory_space<vmem>>, vector<1000x128xf32>
    %add3A_14 = arith.addf %get3A_10, %get3A_13 : vector<1000x128xf32>
    %concatenate3A = tpu.concatenate %add3A, %add3A_14 in 1 : vector<1000x128xf32>, vector<1000x128xf32> -> vector<1000x256xf32>
    %mul3A = vector.broadcast %get3A_1 : vector<1000x1xf32> to vector<1000x256xf32>
    %mul3A_15 = arith.mulf %concatenate3A, %mul3A : vector<1000x256xf32>
    %max3A = arith.constant 0.000000e+00 : f32
    %max3A_16 = vector.broadcast %max3A : f32 to vector<1000x256xf32>
    %max3A_17 = arith.maximumf %mul3A_15, %max3A_16 : vector<1000x256xf32>
    %get3A_18 = arith.constant 0 : index
    %get3A_19 = arith.constant 0 : index
    %get3A_20 = vector.load %arg5[%get3A_18, %get3A_19] : memref<256x128xf32, #tpu.memory_space<vmem>>, vector<256x128xf32>
    %dot_general3A = arith.constant dense<0.000000e+00> : vector<1000x128xf32>
    %dot_general3A_21 = tpu.matmul %max3A_17, %get3A_20, %dot_general3A {dimension_numbers = #tpu.dot_dimension_numbers<[1], [0], [0], [1], [0, 0, 1, 1], [], []>, transpose_lhs_hint = false} : vector<1000x256xf32>, vector<256x128xf32>, vector<1000x128xf32> -> vector<1000x128xf32>
    %get3A_22 = arith.constant 0 : index
    %get3A_23 = arith.constant 0 : index
    %get3A_24 = vector.load %arg6[%get3A_22, %get3A_23] : memref<1x128xf32, #tpu.memory_space<vmem>>, vector<1x128xf32>
    %add3A_25 = vector.broadcast %get3A_24 : vector<1x128xf32> to vector<1000x128xf32>
    %add3A_26 = arith.addf %dot_general3A_21, %add3A_25 : vector<1000x128xf32>
    %mul3A_27 = vector.broadcast %get3A_1 : vector<1000x1xf32> to vector<1000x128xf32>
    %mul3A_28 = arith.mulf %add3A_26, %mul3A_27 : vector<1000x128xf32>
    %swap3A = arith.constant 0 : index
    %swap3A_29 = arith.constant 0 : index
    %swap3A_30 = vector.load %arg8[%swap3A, %swap3A_29] : memref<1000x128xf32, #tpu.memory_space<vmem>>, vector<1000x128xf32>
    tpu.vector_store %arg8[%swap3A, %swap3A_29], %mul3A_28 {strides = array<i32>} : memref<1000x128xf32, #tpu.memory_space<vmem>>, vector<1000x128xf32>,
    return
  }
  func.func @transform_0(%arg0: i32) -> (i32, i32) {
    %c0_i32 = arith.constant 0 : i32
    %c0_i32_0 = arith.constant 0 : i32
    return %arg0, %c0_i32 : i32, i32
  }
  func.func @transform_1(%arg0: i32) -> (i32, i32) {
    %c0_i32 = arith.constant 0 : i32
    %c0_i32_0 = arith.constant 0 : i32
    return %arg0, %c0_i32 : i32, i32
  }
  func.func @transform_2(%arg0: i32) -> (i32, i32) {
    %c0_i32 = arith.constant 0 : i32
    %c0_i32_0 = arith.constant 0 : i32
    return %arg0, %c0_i32 : i32, i32
  }
  func.func @transform_3(%arg0: i32) -> (i32, i32) {
    %c0_i32 = arith.constant 0 : i32
    %c0_i32_0 = arith.constant 0 : i32
    return %arg0, %c0_i32 : i32, i32
  }
  func.func @transform_4(%arg0: i32) -> (i32, i32) {
    %c0_i32 = arith.constant 0 : i32
    %c0_i32_0 = arith.constant 0 : i32
    %c0_i32_1 = arith.constant 0 : i32
    return %c0_i32, %c0_i32_0 : i32, i32
  }
  func.func @transform_5(%arg0: i32) -> (i32, i32) {
    %c0_i32 = arith.constant 0 : i32
    %c0_i32_0 = arith.constant 0 : i32
    %c0_i32_1 = arith.constant 0 : i32
    return %c0_i32, %c0_i32_0 : i32, i32
  }
  func.func @transform_6(%arg0: i32) -> (i32, i32) {
    %c0_i32 = arith.constant 0 : i32
    %c0_i32_0 = arith.constant 0 : i32
    return %arg0, %c0_i32 : i32, i32
  }
  func.func @transform_7(%arg0: i32) -> (i32, i32) {
    %c0_i32 = arith.constant 0 : i32
    %c0_i32_0 = arith.constant 0 : i32
    return %arg0, %c0_i32 : i32, i32
  }
}

module attributes {stable_mosaic.version = 14 : i64} {
  func.func @_mm1_body(%arg0: i32, %arg1: memref<1000x256xf32, #tpu.memory_space<vmem>>, %arg2: memref<256x256xf32, #tpu.memory_space<vmem>>, %arg3: memref<1x256xf32, #tpu.memory_space<vmem>>, %arg4: memref<1000x128xf32, #tpu.memory_space<vmem>>, %arg5: memref<1000x128xf32, #tpu.memory_space<vmem>>, %arg6: memref<1000x128xf32, #tpu.memory_space<vmem>>, %arg7: memref<1000x128xf32, #tpu.memory_space<vmem>>, %arg8: memref<1000x16xf32, #tpu.memory_space<vmem>>) attributes {dimension_semantics = [#tpu.dimension_semantics<arbitrary>], iteration_bounds = array<i64: 10>, scalar_prefetch = 0 : i64, scratch_operands = 0 : i64, tpu.core_type = #tpu.core_type<tc>, window_params = [{transform_indices = @transform_0, window_bounds = array<i64: 1000, 256>}, {pipeline_mode = #tpu.pipeline_mode<synchronous>, transform_indices = @transform_1, window_bounds = array<i64: 256, 256>}, {pipeline_mode = #tpu.pipeline_mode<synchronous>, transform_indices = @transform_2, window_bounds = array<i64: 1, 256>}, {transform_indices = @transform_3, window_bounds = array<i64: 1000, 128>}, {transform_indices = @transform_4, window_bounds = array<i64: 1000, 128>}, {transform_indices = @transform_5, window_bounds = array<i64: 1000, 128>}, {transform_indices = @transform_6, window_bounds = array<i64: 1000, 128>}, {transform_indices = @transform_7, window_bounds = array<i64: 1000, 16>}]} {
    %get3A = arith.constant 0 : index
    %get3A_0 = arith.constant 0 : index
    %get3A_1 = vector.load %arg4[%get3A, %get3A_0] : memref<1000x128xf32, #tpu.memory_space<vmem>>, vector<1000x128xf32>
    %get3A_2 = arith.constant 0 : index
    %get3A_3 = arith.constant 0 : index
    %get3A_4 = vector.load %arg5[%get3A_2, %get3A_3] : memref<1000x128xf32, #tpu.memory_space<vmem>>, vector<1000x128xf32>
    %slice3A = vector.extract_strided_slice %get3A_1 {offsets = [0, 0], sizes = [1000, 1], strides = [1, 1]} : vector<1000x128xf32> to vector<1000x1xf32>
    %slice3A_5 = vector.extract_strided_slice %get3A_4 {offsets = [0, 0], sizes = [1000, 1], strides = [1, 1]} : vector<1000x128xf32> to vector<1000x1xf32>
    %add3A = arith.addf %slice3A, %slice3A_5 : vector<1000x1xf32>
    %add3A_6 = arith.constant 1.000000e+00 : f32
    %add3A_7 = vector.broadcast %add3A_6 : f32 to vector<1000x1xf32>
    %add3A_8 = arith.addf %add3A, %add3A_7 : vector<1000x1xf32>
    %rsqrt3A = math.rsqrt %add3A_8 : vector<1000x1xf32>
    %get3A_9 = arith.constant 0 : index
    %get3A_10 = arith.constant 0 : index
    %get3A_11 = vector.load %arg1[%get3A_9, %get3A_10] : memref<1000x256xf32, #tpu.memory_space<vmem>>, vector<1000x256xf32>
    %get3A_12 = arith.constant 0 : index
    %get3A_13 = arith.constant 0 : index
    %get3A_14 = vector.load %arg2[%get3A_12, %get3A_13] : memref<256x256xf32, #tpu.memory_space<vmem>>, vector<256x256xf32>
    %dot_general3A = arith.constant dense<0.000000e+00> : vector<1000x256xf32>
    %dot_general3A_15 = tpu.matmul %get3A_11, %get3A_14, %dot_general3A {dimension_numbers = #tpu.dot_dimension_numbers<[1], [0], [0], [1], [0, 0, 1, 1], [], []>, transpose_lhs_hint = false} : vector<1000x256xf32>, vector<256x256xf32>, vector<1000x256xf32> -> vector<1000x256xf32>
    %get3A_16 = arith.constant 0 : index
    %get3A_17 = arith.constant 0 : index
    %get3A_18 = vector.load %arg3[%get3A_16, %get3A_17] : memref<1x256xf32, #tpu.memory_space<vmem>>, vector<1x256xf32>
    %add3A_19 = vector.broadcast %get3A_18 : vector<1x256xf32> to vector<1000x256xf32>
    %add3A_20 = arith.addf %dot_general3A_15, %add3A_19 : vector<1000x256xf32>
    %mul3A = vector.broadcast %rsqrt3A : vector<1000x1xf32> to vector<1000x256xf32>
    %mul3A_21 = arith.mulf %add3A_20, %mul3A : vector<1000x256xf32>
    %slice3A_22 = vector.extract_strided_slice %mul3A_21 {offsets = [0, 0], sizes = [1000, 128], strides = [1, 1]} : vector<1000x256xf32> to vector<1000x128xf32>
    %swap3A = arith.constant 0 : index
    %swap3A_23 = arith.constant 0 : index
    %swap3A_24 = vector.load %arg6[%swap3A, %swap3A_23] : memref<1000x128xf32, #tpu.memory_space<vmem>>, vector<1000x128xf32>
    tpu.vector_store %arg6[%swap3A, %swap3A_23], %slice3A_22 {strides = array<i32>} : memref<1000x128xf32, #tpu.memory_space<vmem>>, vector<1000x128xf32>,
    %slice3A_25 = vector.extract_strided_slice %mul3A_21 {offsets = [0, 128], sizes = [1000, 128], strides = [1, 1]} : vector<1000x256xf32> to vector<1000x128xf32>
    %swap3A_26 = arith.constant 0 : index
    %swap3A_27 = arith.constant 0 : index
    %swap3A_28 = vector.load %arg7[%swap3A_26, %swap3A_27] : memref<1000x128xf32, #tpu.memory_space<vmem>>, vector<1000x128xf32>
    tpu.vector_store %arg7[%swap3A_26, %swap3A_27], %slice3A_25 {strides = array<i32>} : memref<1000x128xf32, #tpu.memory_space<vmem>>, vector<1000x128xf32>,
    %broadcast_in_dim3A = vector.shape_cast %rsqrt3A : vector<1000x1xf32> to vector<1000x1xf32>
    %broadcast_in_dim3A_29 = vector.broadcast %broadcast_in_dim3A : vector<1000x1xf32> to vector<1000x16xf32>
    %swap3A_30 = arith.constant 0 : index
    %swap3A_31 = arith.constant 0 : index
    %swap3A_32 = vector.load %arg8[%swap3A_30, %swap3A_31] : memref<1000x16xf32, #tpu.memory_space<vmem>>, vector<1000x16xf32>
    tpu.vector_store %arg8[%swap3A_30, %swap3A_31], %broadcast_in_dim3A_29 {strides = array<i32>} : memref<1000x16xf32, #tpu.memory_space<vmem>>, vector<1000x16xf32>,
    return
  }
  func.func @transform_0(%arg0: i32) -> (i32, i32) {
    %c0_i32 = arith.constant 0 : i32
    %c0_i32_0 = arith.constant 0 : i32
    return %arg0, %c0_i32 : i32, i32
  }
  func.func @transform_1(%arg0: i32) -> (i32, i32) {
    %c0_i32 = arith.constant 0 : i32
    %c0_i32_0 = arith.constant 0 : i32
    %c0_i32_1 = arith.constant 0 : i32
    return %c0_i32, %c0_i32_0 : i32, i32
  }
  func.func @transform_2(%arg0: i32) -> (i32, i32) {
    %c0_i32 = arith.constant 0 : i32
    %c0_i32_0 = arith.constant 0 : i32
    %c0_i32_1 = arith.constant 0 : i32
    return %c0_i32, %c0_i32_0 : i32, i32
  }
  func.func @transform_3(%arg0: i32) -> (i32, i32) {
    %c0_i32 = arith.constant 0 : i32
    %c0_i32_0 = arith.constant 0 : i32
    return %arg0, %c0_i32 : i32, i32
  }
  func.func @transform_4(%arg0: i32) -> (i32, i32) {
    %c0_i32 = arith.constant 0 : i32
    %c0_i32_0 = arith.constant 0 : i32
    return %arg0, %c0_i32 : i32, i32
  }
  func.func @transform_5(%arg0: i32) -> (i32, i32) {
    %c0_i32 = arith.constant 0 : i32
    %c0_i32_0 = arith.constant 0 : i32
    return %arg0, %c0_i32 : i32, i32
  }
  func.func @transform_6(%arg0: i32) -> (i32, i32) {
    %c0_i32 = arith.constant 0 : i32
    %c0_i32_0 = arith.constant 0 : i32
    return %arg0, %c0_i32 : i32, i32
  }
  func.func @transform_7(%arg0: i32) -> (i32, i32) {
    %c0_i32 = arith.constant 0 : i32
    %c0_i32_0 = arith.constant 0 : i32
    return %arg0, %c0_i32 : i32, i32
  }
}

module attributes {stable_mosaic.version = 14 : i64} {
  func.func @_mm_add_body(%arg0: i32, %arg1: memref<1000x128xf32, #tpu.memory_space<vmem>>, %arg2: memref<1000x128xf32, #tpu.memory_space<vmem>>, %arg3: memref<128x128xf32, #tpu.memory_space<vmem>>, %arg4: memref<1x128xf32, #tpu.memory_space<vmem>>, %arg5: memref<1000x16xf32, #tpu.memory_space<vmem>>, %arg6: memref<1000x128xf32, #tpu.memory_space<vmem>>) attributes {dimension_semantics = [#tpu.dimension_semantics<arbitrary>], iteration_bounds = array<i64: 10>, scalar_prefetch = 0 : i64, scratch_operands = 0 : i64, tpu.core_type = #tpu.core_type<tc>, window_params = [{transform_indices = @transform_0, window_bounds = array<i64: 1000, 128>}, {transform_indices = @transform_1, window_bounds = array<i64: 1000, 128>}, {pipeline_mode = #tpu.pipeline_mode<synchronous>, transform_indices = @transform_2, window_bounds = array<i64: 128, 128>}, {pipeline_mode = #tpu.pipeline_mode<synchronous>, transform_indices = @transform_3, window_bounds = array<i64: 1, 128>}, {transform_indices = @transform_4, window_bounds = array<i64: 1000, 16>}, {transform_indices = @transform_5, window_bounds = array<i64: 1000, 128>}]} {
    %get3A = arith.constant 0 : index
    %get3A_0 = arith.constant 0 : index
    %get3A_1 = vector.load %arg5[%get3A, %get3A_0] : memref<1000x16xf32, #tpu.memory_space<vmem>>, vector<1000x1xf32>
    %get3A_2 = arith.constant 0 : index
    %get3A_3 = arith.constant 0 : index
    %get3A_4 = vector.load %arg1[%get3A_2, %get3A_3] : memref<1000x128xf32, #tpu.memory_space<vmem>>, vector<1000x128xf32>
    %get3A_5 = arith.constant 0 : index
    %get3A_6 = arith.constant 0 : index
    %get3A_7 = vector.load %arg2[%get3A_5, %get3A_6] : memref<1000x128xf32, #tpu.memory_space<vmem>>, vector<1000x128xf32>
    %add3A = arith.addf %get3A_4, %get3A_7 : vector<1000x128xf32>
    %mul3A = vector.broadcast %get3A_1 : vector<1000x1xf32> to vector<1000x128xf32>
    %mul3A_8 = arith.mulf %add3A, %mul3A : vector<1000x128xf32>
    %max3A = arith.constant 0.000000e+00 : f32
    %max3A_9 = vector.broadcast %max3A : f32 to vector<1000x128xf32>
    %max3A_10 = arith.maximumf %mul3A_8, %max3A_9 : vector<1000x128xf32>
    %get3A_11 = arith.constant 0 : index
    %get3A_12 = arith.constant 0 : index
    %get3A_13 = vector.load %arg3[%get3A_11, %get3A_12] : memref<128x128xf32, #tpu.memory_space<vmem>>, vector<128x128xf32>
    %dot_general3A = arith.constant dense<0.000000e+00> : vector<1000x128xf32>
    %dot_general3A_14 = tpu.matmul %max3A_10, %get3A_13, %dot_general3A {dimension_numbers = #tpu.dot_dimension_numbers<[1], [0], [0], [1], [0, 0, 1, 1], [], []>, transpose_lhs_hint = false} : vector<1000x128xf32>, vector<128x128xf32>, vector<1000x128xf32> -> vector<1000x128xf32>
    %get3A_15 = arith.constant 0 : index
    %get3A_16 = arith.constant 0 : index
    %get3A_17 = vector.load %arg4[%get3A_15, %get3A_16] : memref<1x128xf32, #tpu.memory_space<vmem>>, vector<1x128xf32>
    %add3A_18 = vector.broadcast %get3A_17 : vector<1x128xf32> to vector<1000x128xf32>
    %add3A_19 = arith.addf %dot_general3A_14, %add3A_18 : vector<1000x128xf32>
    %mul3A_20 = vector.broadcast %get3A_1 : vector<1000x1xf32> to vector<1000x128xf32>
    %mul3A_21 = arith.mulf %add3A_19, %mul3A_20 : vector<1000x128xf32>
    %swap3A = arith.constant 0 : index
    %swap3A_22 = arith.constant 0 : index
    %swap3A_23 = vector.load %arg6[%swap3A, %swap3A_22] : memref<1000x128xf32, #tpu.memory_space<vmem>>, vector<1000x128xf32>
    tpu.vector_store %arg6[%swap3A, %swap3A_22], %mul3A_21 {strides = array<i32>} : memref<1000x128xf32, #tpu.memory_space<vmem>>, vector<1000x128xf32>,
    return
  }
  func.func @transform_0(%arg0: i32) -> (i32, i32) {
    %c0_i32 = arith.constant 0 : i32
    %c0_i32_0 = arith.constant 0 : i32
    return %arg0, %c0_i32 : i32, i32
  }
  func.func @transform_1(%arg0: i32) -> (i32, i32) {
    %c0_i32 = arith.constant 0 : i32
    %c0_i32_0 = arith.constant 0 : i32
    return %arg0, %c0_i32 : i32, i32
  }
  func.func @transform_2(%arg0: i32) -> (i32, i32) {
    %c0_i32 = arith.constant 0 : i32
    %c0_i32_0 = arith.constant 0 : i32
    %c0_i32_1 = arith.constant 0 : i32
    return %c0_i32, %c0_i32_0 : i32, i32
  }
  func.func @transform_3(%arg0: i32) -> (i32, i32) {
    %c0_i32 = arith.constant 0 : i32
    %c0_i32_0 = arith.constant 0 : i32
    %c0_i32_1 = arith.constant 0 : i32
    return %c0_i32, %c0_i32_0 : i32, i32
  }
  func.func @transform_4(%arg0: i32) -> (i32, i32) {
    %c0_i32 = arith.constant 0 : i32
    %c0_i32_0 = arith.constant 0 : i32
    return %arg0, %c0_i32 : i32, i32
  }
  func.func @transform_5(%arg0: i32) -> (i32, i32) {
    %c0_i32 = arith.constant 0 : i32
    %c0_i32_0 = arith.constant 0 : i32
    return %arg0, %c0_i32 : i32, i32
  }
}

module attributes {stable_mosaic.version = 14 : i64} {
  func.func @_z_body(%arg0: i32, %arg1: memref<1000x128xf32, #tpu.memory_space<vmem>>, %arg2: memref<1000x128xf32, #tpu.memory_space<vmem>>, %arg3: memref<1000x16xf32, #tpu.memory_space<vmem>>, %arg4: memref<1000x64xf32, #tpu.memory_space<vmem>>, %arg5: memref<1000x64xf32, #tpu.memory_space<vmem>>) attributes {dimension_semantics = [#tpu.dimension_semantics<arbitrary>], iteration_bounds = array<i64: 10>, scalar_prefetch = 0 : i64, scratch_operands = 0 : i64, tpu.core_type = #tpu.core_type<tc>, window_params = [{transform_indices = @transform_0, window_bounds = array<i64: 1000, 128>}, {transform_indices = @transform_1, window_bounds = array<i64: 1000, 128>}, {transform_indices = @transform_2, window_bounds = array<i64: 1000, 16>}, {transform_indices = @transform_3, window_bounds = array<i64: 1000, 64>}, {transform_indices = @transform_4, window_bounds = array<i64: 1000, 64>}]} {
    %get3A = arith.constant 0 : index
    %get3A_0 = arith.constant 0 : index
    %get3A_1 = vector.load %arg3[%get3A, %get3A_0] : memref<1000x16xf32, #tpu.memory_space<vmem>>, vector<1000x1xf32>
    %get3A_2 = arith.constant 0 : index
    %get3A_3 = arith.constant 0 : index
    %get3A_4 = vector.load %arg1[%get3A_2, %get3A_3] : memref<1000x128xf32, #tpu.memory_space<vmem>>, vector<1000x128xf32>
    %get3A_5 = arith.constant 0 : index
    %get3A_6 = arith.constant 0 : index
    %get3A_7 = vector.load %arg2[%get3A_5, %get3A_6] : memref<1000x128xf32, #tpu.memory_space<vmem>>, vector<1000x128xf32>
    %add3A = arith.addf %get3A_4, %get3A_7 : vector<1000x128xf32>
    %mul3A = vector.broadcast %get3A_1 : vector<1000x1xf32> to vector<1000x128xf32>
    %mul3A_8 = arith.mulf %add3A, %mul3A : vector<1000x128xf32>
    %slice3A = vector.extract_strided_slice %mul3A_8 {offsets = [0, 0], sizes = [1000, 64], strides = [1, 1]} : vector<1000x128xf32> to vector<1000x64xf32>
    %slice3A_9 = vector.extract_strided_slice %mul3A_8 {offsets = [0, 64], sizes = [1000, 64], strides = [1, 1]} : vector<1000x128xf32> to vector<1000x64xf32>
    %min3A = arith.constant 1.000000e+01 : f32
    %min3A_10 = vector.broadcast %min3A : f32 to vector<1000x64xf32>
    %min3A_11 = arith.minimumf %slice3A_9, %min3A_10 : vector<1000x64xf32>
    %get3A_12 = arith.constant 0 : index
    %get3A_13 = arith.constant 0 : index
    %get3A_14 = vector.load %arg4[%get3A_12, %get3A_13] : memref<1000x64xf32, #tpu.memory_space<vmem>>, vector<1000x64xf32>
    %exp3A = math.exp %min3A_11 : vector<1000x64xf32>
    %mul3A_15 = arith.mulf %get3A_14, %exp3A : vector<1000x64xf32>
    %add3A_16 = arith.addf %slice3A, %mul3A_15 : vector<1000x64xf32>
    %swap3A = arith.constant 0 : index
    %swap3A_17 = arith.constant 0 : index
    %swap3A_18 = vector.load %arg5[%swap3A, %swap3A_17] : memref<1000x64xf32, #tpu.memory_space<vmem>>, vector<1000x64xf32>
    tpu.vector_store %arg5[%swap3A, %swap3A_17], %add3A_16 {strides = array<i32>} : memref<1000x64xf32, #tpu.memory_space<vmem>>, vector<1000x64xf32>,
    return
  }
  func.func @transform_0(%arg0: i32) -> (i32, i32) {
    %c0_i32 = arith.constant 0 : i32
    %c0_i32_0 = arith.constant 0 : i32
    return %arg0, %c0_i32 : i32, i32
  }
  func.func @transform_1(%arg0: i32) -> (i32, i32) {
    %c0_i32 = arith.constant 0 : i32
    %c0_i32_0 = arith.constant 0 : i32
    return %arg0, %c0_i32 : i32, i32
  }
  func.func @transform_2(%arg0: i32) -> (i32, i32) {
    %c0_i32 = arith.constant 0 : i32
    %c0_i32_0 = arith.constant 0 : i32
    return %arg0, %c0_i32 : i32, i32
  }
  func.func @transform_3(%arg0: i32) -> (i32, i32) {
    %c0_i32 = arith.constant 0 : i32
    %c0_i32_0 = arith.constant 0 : i32
    return %arg0, %c0_i32 : i32, i32
  }
  func.func @transform_4(%arg0: i32) -> (i32, i32) {
    %c0_i32 = arith.constant 0 : i32
    %c0_i32_0 = arith.constant 0 : i32
    return %arg0, %c0_i32 : i32, i32
  }
}

</mosaic_0001>

<sc_bundles>
// kernel: kernel.10.cloned.1.call-start
scs
__scs_entry_jumppad:
0x0: {  	(pc) =	sbr.rel $0x88, $3  }
0x1: {  	(tag) =	ssettag $0x0;
	lr =	simm.s32 $0x1  }
0x2: {  	[smem:$0x3F97] =	sst lr;
	_ =	strace $0xD0000000  }
0x3: {  	_ = 	snop  }
0x4: {  	_ = 	snop  }
0x5: {  	_ = 	snop  }
0x6: {  	_ = 	snop  }
0x7: {  	_ = 	snop  }
__scs_overlays_trampoline_lowered:
0x8: {  	[smem:$0x3FA6] =	sst s0  }
0x9: {  	[smem:$0x3FA7] =	sst s1  }
0xa: {  	[smem:$0x3FA8] =	sst s2  }
0xb: {  	[smem:$0x3FA9] =	sst s3  }
0xc: {  	[smem:$0x3FAA] =	sst s4  }
0xd: {  	[smem:$0x3FAB] =	sst s5  }
0xe: {  	[smem:$0x3FAC] =	sst s6  }
0xf: {  	[smem:$0x3FAD] =	sst s7  }
0x10: {  	[smem:$0x3FAE] =	sst s8  }
0x11: {  	[smem:$0x3FAF] =	sst s9;
	s0 =	simm.s32 @!p0 $0x0  }
0x12: {  	s1 =	sld [smem:$0x3F95];
	s0 =	simm.s32 @p0 $0x1  }
0x13: {  	[smem:$0x3FB0] =	sst s0;
	s0 =	simm.s32 @!p1 $0x0  }
0x14: {  	s2 =	sld [smem:$0x3F94];
	s0 =	simm.s32 @p1 $0x1  }
0x15: {  	[smem:$0x3FB1] =	sst s0;
	s0 =	simm.s32 @!p2 $0x0  }
0x16: {  	s3 =	sld [smem:$0x3FDB];
	s0 =	simm.s32 @p2 $0x1  }
0x17: {  	s4 =	simm.s32 $0x1BF5;
	[smem:$0x3FB3] =	sst s0  }
0x18: {  	s0 =	sld [smem:$0x3F96];
	_ =	swait.ge [sflag:s4], $0x0  }
0x19: {  	s7 =	sld [smem:$0x3F97]  }
0x1a: {  	s8 =	sadd.s32 $0xFFFFE003, lr  }
0x1b: {  	s9 =	sadd.s32 $0xFFFFFEF7, lr;
	s5 =	simm.s32 $0xFFFFFFFF;
	p2 =	slt.u32 s8, $0xFFFFF086  }
0x1c: {  	p1 =	slt.u32 s9, $0xF7A;
	s5 =	simm.s32 @!p2 $0x0  }
0x1d: {  	s5 =	simm.s32 @p1 $0x1;
	p0 =	seq.s32 s7, s2  }
0x1e: {  	s7 =	smul.u32 @!p0 $0xF7A, s2;
	p2 =	seq.s32 @!p0 s5, $0x0  }
0x1f: {  	s9 =	smul.u32 $0xF7A, s1;
	s8 =	simm.s32 @!p0 $0x1BF5;
	p2 =	por !p2, p0  }
0x20: {  	[sflag:s8] =	ssyncset.s32 @!p0 $0xFFFFF086;
	s6 =	sadd.s32 @!p0 s3, s7;
	s7 =	simm.s32 @!p0 $0x108  }
0x21: {  	s3 =	sadd.s32 s3, s9;
	s6 =	sadd.s32 @!p0 $0x88, s6;
	s7 =	simm.s32 @p2 $0x1082  }
0x22: {  	[simem:s7], [sflag:s8] =	dma.local @!p0 [hbm:s6], $0xF7A  }
0x23: {  	s9 =	sor.u32 $0xD0000000, s2;
	s6 =	simm.s32 $0x108;
	_ =	swait.ge @!p0 [sflag:s8], $0x0  }
0x24: {  	s3 =	sadd.s32 $0x88, s3;
	s6 =	simm.s32 @!p1 $0x1082;
	[sflag:s4] =	ssyncset.s32 $0xFFFFF086  }
0x25: {  	[simem:s6], [sflag:s4] =	dma.local [hbm:s3], $0xF7A  }
0x26: {  	[smem:$0x3F97] =	sst s1;
	(tag) =	ssettag s2;
	_ =	strace s9  }
0x27: {  	s1 =	sld [smem:$0x3FA7]  }
0x28: {  	s2 =	sld [smem:$0x3FA8]  }
0x29: {  	s4 =	sld [smem:$0x3FAA]  }
0x2a: {  	p0 =	seq.s32 s5, $0x0;
	s5 =	sld [smem:$0x3FAB]  }
0x2b: {  	s6 =	sld [smem:$0x3FAC]  }
0x2c: {  	s7 =	sld [smem:$0x3FAD]  }
0x2d: {  	s3 =	simm.s32 $0x108;
	s8 =	sld [smem:$0x3FAE]  }
0x2e: {  	s3 =	simm.s32 @!p0 $0x1082;
	s9 =	sld [smem:$0x3FAF]  }
0x2f: {  	lr =	sadd.s32 s0, s3;
	s0 =	sld [smem:$0x3FA6]  }
0x30: {  	s3 =	sld [smem:$0x3FA9]  }
0x31: {  	[smem:$0x3FB2] =	sst s10  }
0x32: {  	s10 =	sld [smem:$0x3FB0];
	_ =	sdelay $0x3  }
0x33: {  	p0 =	seq.s32 s10, $0x1;
	s10 =	sld [smem:$0x3FB2];
	_ =	sdelay $0x3  }
0x34: {  	[smem:$0x3FB2] =	sst s10  }
0x35: {  	s10 =	sld [smem:$0x3FB1];
	_ =	sdelay $0x3  }
0x36: {  	p1 =	seq.s32 s10, $0x1;
	s10 =	sld [smem:$0x3FB2];
	_ =	sdelay $0x3  }
0x37: {  	[smem:$0x3FB2] =	sst s10  }
0x38: {  	s10 =	sld [smem:$0x3FB3]  }
0x39: {  	_ = 	snop;
	(pc) =	sbr.ind lr, $3  }
0x3a: {  	_ = 	snop  }
0x3b: {  	_ = 	snop  }
0x3c: {  	p2 =	seq.s32 s10, $0x1;
	s10 =	sld [smem:$0x3FB2]  }
0x3d: {  	_ =	shalt  }
0x3e: {  	_ =	shalt  }
0x3f: {  	_ =	shalt  }
0x40: {  	_ =	shalt  }
0x41: {  	_ =	shalt  }
0x42: {  	_ =	shalt  }
0x43: {  	_ =	shalt  }
0x44: {  	_ =	shalt  }
0x45: {  	_ =	shalt  }
0x46: {  	_ =	shalt  }
0x47: {  	_ =	shalt  }
0x48: {  	_ =	shalt  }
0x49: {  	_ =	shalt  }
0x4a: {  	_ =	shalt  }
0x4b: {  	_ =	shalt  }
0x4c: {  	_ =	shalt  }
0x4d: {  	_ =	shalt  }
0x4e: {  	_ =	shalt  }
0x4f: {  	_ =	shalt  }
0x50: {  	_ =	shalt  }
0x51: {  	_ =	shalt  }
0x52: {  	_ =	shalt  }
0x53: {  	_ =	shalt  }
0x54: {  	_ =	shalt  }
0x55: {  	_ =	shalt  }
0x56: {  	_ =	shalt  }
0x57: {  	_ =	shalt  }
0x58: {  	_ =	shalt  }
0x59: {  	_ =	shalt  }
0x5a: {  	_ =	shalt  }
0x5b: {  	_ =	shalt  }
0x5c: {  	_ =	shalt  }
0x5d: {  	_ =	shalt  }
0x5e: {  	_ =	shalt  }
0x5f: {  	_ =	shalt  }
0x60: {  	_ =	shalt  }
0x61: {  	_ =	shalt  }
0x62: {  	_ =	shalt  }
0x63: {  	_ =	shalt  }
0x64: {  	_ =	shalt  }
0x65: {  	_ =	shalt  }
0x66: {  	_ =	shalt  }
0x67: {  	_ =	shalt  }
0x68: {  	_ =	shalt  }
0x69: {  	_ =	shalt  }
0x6a: {  	_ =	shalt  }
0x6b: {  	_ =	shalt  }
0x6c: {  	_ =	shalt  }
0x6d: {  	_ =	shalt  }
0x6e: {  	_ =	shalt  }
0x6f: {  	_ =	shalt  }
0x70: {  	_ =	shalt  }
0x71: {  	_ =	shalt  }
0x72: {  	_ =	shalt  }
0x73: {  	_ =	shalt  }
0x74: {  	_ =	shalt  }
0x75: {  	_ =	shalt  }
0x76: {  	_ =	shalt  }
0x77: {  	_ =	shalt  }
0x78: {  	_ =	shalt  }
0x79: {  	_ =	shalt  }
0x7a: {  	_ =	shalt  }
0x7b: {  	_ =	shalt  }
0x7c: {  	_ =	shalt  }
0x7d: {  	_ =	shalt  }
0x7e: {  	_ =	shalt  }
0x7f: {  	_ =	shalt  }
0x80: {  	_ =	shalt  }
0x81: {  	_ =	shalt  }
0x82: {  	_ =	shalt  }
0x83: {  	_ =	shalt  }
0x84: {  	_ =	shalt  }
0x85: {  	_ =	shalt  }
0x86: {  	_ =	shalt  }
0x87: {  	_ =	shalt  }
.Lfunc_end0:
.L_simem_size_0:
called_computation_lowered:
.L_overlay_start_0:
0x88: {  	s2 =	sld [smem:$0x3FD9]  }
0x89: {  	s3 =	sld [smem:$0x3FFE];
	_ =	sdelay $0x1  }
0x8a: {  	s1 =	srdreg.scid  }
0x8b: {  	s0 =	sand.u32 $0x1, s1  }
0x8c: {  	s17 =	sshll.u32 s0, $0xA;
	s2 =	sadd.s32 s3, s2  }
0x8d: {  	s2 =	sadd.s32 s2, s17  }
0x8e: {  	[smem:$0x3FBE] =	sst s2  }
0x8f: {  	_ = 	snop  }
0x90: {  	s2 =	sld [smem:$0x3FD0];
	(tm) =	ssettm $0x1  }
0x91: {  	s18 =	sld [smem:$0x3FFB];
	_ =	sdelay $0x3  }
0x92: {  	_ =	strace s18  }
0x93: {  	s3 =	sld [smem:$0x3FFC];
	_ =	sdelay $0x3  }
0x94: {  	_ =	strace s3  }
0x95: {  	s3 =	sld [smem:$0x3FFD];
	_ =	sdelay $0x3  }
0x96: {  	_ =	strace s3  }
0x97: {  	_ =	strace $0x8FFFFFFF  }
0x98: {  	s19 =	sld [smem:$0x3FDB];
	_ =	sdelay $0x1  }
0x99: {  	s4 =	simm.s32 $_scs_section_size  }
0x9a: {  	s5 =	simm.s32 $_size__tile_overlayer_lowered;
	s6 =	simm.s32 $_tile_overlayer_lowered  }
0x9b: {  	s22 =	simm.s32 $0x1BFF;
	s21 =	sshll.u32 s6, $0x1;
	s3 =	sadd.s32 s4, s19  }
0x9c: {  	s7 =	simm.s32 $0x0;
	s20 =	sshll.u32 s5, $0x1;
	s5 =	sadd.s32 s21, s3  }
0x9d: {  	[timem:s7], [sflag:s22] =	dma.local [hbm:s5], s20  }
0x9e: {  	_ =	swait.ge [sflag:s22], s20  }
0x9f: {  	s4 =	ssub.s32 $0x0, s20;
	[sflag:s22] =	ssyncset.done $0x0  }
0xa0: {  	[sflag:s22] =	ssyncadd.s32 s4;
	_ =	sdelay $0x1  }
0xa1: {  	s23 =	simm.s32 $0x1B8B  }
0xa2: {  	_ =	swait.ge [sflag:s23], $0x1  }
0xa3: {  	[sflag:s23] =	ssyncset.done $0x0  }
0xa4: {  	s25 =	simm.s32 $0x1B8E;
	s24 =	sld [smem:$0x3FFE];
	[sflag:s23] =	ssyncadd.s32 $0xFFFFFFFF  }
0xa5: {  	s26 =	simm.s32 $execute0_lowered;
	[smem:$0x3FD2] =	sst s25  }
0xa6: {  	s5 =	sshll.u32 s26, $0x1;
	_ =	strace $0x80000046;
	[dreg:$0x1] =	wrdreg $0xFFFFFFFF  }
0xa7: {  	s28 =	simm.s32 $_size_execute0_lowered;
	s3 =	sadd.s32 s3, s5;
	[dreg:$0x0] =	wrdreg $0x0  }
0xa8: {  	s5 =	sshll.u32 s28, $0x1;
	[dreg:$0x2] =	wrdreg s3  }
0xa9: {  	[dreg:$0x3] =	wrdreg s5  }
0xaa: {  	[dreg:$0x4] =	wrdreg $0xC0  }
0xab: {  	_ =	task [dreg:s7], $0x5FFFF  }
0xac: {  	[dreg:$0x1] =	wrdreg $0xFFFFFFFF  }
0xad: {  	[dreg:$0x0] =	wrdreg $0x60  }
0xae: {  	[dreg:$0x2] =	wrdreg s2  }
0xaf: {  	[dreg:$0x3] =	wrdreg s24  }
0xb0: {  	[dreg:$0x4] =	wrdreg $0x54000  }
0xb1: {  	[dreg:$0x5] =	wrdreg $0x9  }
0xb2: {  	_ =	task.clear_ibuf [dreg:s7], $0x6FFFF;
	_ =	strace $0x90000046  }
0xb3: {  	s29 =	simm.s32 $0x9;
	_ =	strace $0x80000048  }
0xb4: {  	_ =	swait.ge [sflag:s29], $0x1  }
0xb5: {  	[sflag:s29] =	ssyncadd.s32 $0xFFFFFFFF  }
0xb6: {  	_ =	strace $0x90000048  }
0xb7: {  	_ =	sfence  }
0xb8: {  	s30 =	sld [smem:$0x0];
	_ =	sdelay $0x2  }
0xb9: {  	s31 =	sshll.u32 s1, $0xD;
	s1 =	sshrl.u32 s1, $0x2  }
0xba: {  	s3 =	sand.u32 $0x4000, s31;
	s1 =	sadd.s32 s1, s30  }
0xbb: {  	s0 =	sor.u32 s3, s0;
	s1 =	sshll.u32 s1, $0x11  }
0xbc: {  	s0 =	sor.u32 s1, s0  }
0xbd: {  	s0 =	sadd.s32 $0x8F2B, s0  }
0xbe: {  	[sflag:s0] =	ssyncadd.remote.s32 $0x1  }
0xbf: {  	_ =	sfence.sel $0xFFFF  }
0xc0: {  	[dreg:$0x0] =	wrdreg $0xFFFFFFFF;
	(pc) =	sbr.abs _section_cstart, $3  }
0xc1: {  	[dreg:$0x1] =	wrdreg $0xFFFFFFFF  }
0xc2: {  	_ =	task.clear_ibuf [dreg:s7], $0x2FFFF;
	_ =	strace $0x9FFFFFFF  }
0xc3: {  	(tm) =	ssettm $0x7FFFFFFF  }
tec
execute0_lowered:
.L_overlay_start_1:
0x0: {  	(tag) =	ssettag $0x1  }
0x1: {  	s5 =	rddreg [dreg:$0x0]  }
0x2: {  	s6 =	rddreg [dreg:$0x1]  }
0x3: {  	s0 =	srdreg.scid;
	s2 =	rddreg [dreg:$0x2]  }
0x4: {  	s1 =	stileid.u32;
	s3 =	simm.s32 $0x0;
	s13 =	simm.s32 $0x1  }
0x5: {  	s14 =	simm.s32 $0x7D;
	s15 =	simm.s32 $0x2;
	s16 =	simm.s32 $0x3  }
0x6: {  	s7 =	sand.u32 $0x1, s0;
	s0 =	rddreg [dreg:$0x3];
	s8 =	smul.u32 $0x2800, s1  }
0x7: {  	s18 =	simm.s32 $0x0;
	[smem:$0x7FF] =	sst s3;
	s11 =	smul.u32 $0x50000, s1  }
0x8: {  	s17 =	sshll.u32 s1, $0x6;
	s4 =	sshll.u32 s7, $0x4;
	_ =	strace $0x80000047  }
0x9: {  	s10 =	ssub.s32 $0x2, s7;
	p0 =	seq.s32 s7, $0x1;
	s4 =	sor.u32 s1, s4  }
0xa: {  	s8 =	sadd.s32 s8, s6;
	s30 =	sshrl.u32 s10, $0x1;
	s31 =	sshrl.u32 s11, $0x2  }
0xb: {  	s11 =	sor.u32 $0x1C01, s17;
	s17 =	sor.u32 $0x1C04, s17;
	s9 =	smul.u32 $0x280, s4  }
0xc: {  	s4 =	sadd.s32 $0x2CE00, s6;
	s10 =	ssub.s32 s10, s30;
	s12 =	sadd.s32 s31, s2  }
0xd: {  	s6 =	sadd.s32 $0x4E00, s8;
	s5 =	sadd.s32 s5, s9;
	s9 =	simm.s32 $0x55600  }
0xe: {  	s7 =	smax.u32 s10, $0x1;
	s10 =	simm.s32 $0x1400;
	s9 =	simm.s32 @!p0 $0x2D600  }
0xf: {  	s12 =	sshrl.u32 s12, $0x3;
	s8 =	sadd.s32 s9, s8;
	s9 =	simm.s32 $0x4  }
.LBB2_1:
0x10: {  	[tilespmem:s3], [sflag:$0x4] =	stream.linear.gather [hbm4b:s5+s3], $0x1400, $0x38;
	[tilespmem:$0x19400] =	vst v63  }
0x11: {  	_ =	swait.ge [sflag:s9], $0x1400  }
0x12: {  	[sflag:s9] =	ssyncset.done $0x0  }
0x13: {  	[sflag:s9] =	ssyncadd.s32 $0xFFFFEC00  }
0x14: {  	[tilespmem:s10], [sflag:$0x4] =	stream.linear.gather [hbm4b:s4+s3], $0x3E80, $0x38;
	[tilespmem:$0x19400] =	vst v63  }
0x15: {  	_ =	swait.ge [sflag:s9], $0x3E80  }
0x16: {  	[sflag:s9] =	ssyncset.done $0x0  }
0x17: {  	[sflag:s9] =	ssyncadd.s32 $0xFFFFC180  }
0x18: {  	[spmem:s12], [sflag:s11] =	dma.local [hbm:s6], $0x2800  }
0x19: {  	_ =	swait.ge [sflag:s13], $0x2800  }
0x1a: {  	[sflag:s13] =	ssyncset.done $0x0  }
0x1b: {  	[sflag:s13] =	ssyncadd.s32 $0xFFFFD800  }
0x1c: {  	s19 =	simm.s32 $0x0;
	[bflag:$0x0] =	sbarrier.arrive $0xFFFF  }
0x1d: {  	[spmem:s2] =	stream.indirect.scatter.add.f32 [tilespmem:s10], [sflag:$0x2], $0x80, s19, s14, $0xb8;
	[tilespmem:$0x19400] =	vst v63  }
0x1e: {  	s31 =	simm.s32 $0x80  }
0x1f: {  	[spmem:s2] =	stream.indirect.scatter.add.f32 [tilespmem:s10], [sflag:$0x3], $0x80, s31, s14, $0xb8;
	[tilespmem:$0x19400] =	vst v63  }
0x20: {  	_ =	swait.ge [sflag:s15], $0x3E80  }
0x21: {  	[sflag:s15] =	ssyncset.done $0x0  }
0x22: {  	[sflag:s15] =	ssyncadd.s32 $0xFFFFC180  }
0x23: {  	_ =	swait.ge [sflag:s16], $0x3E80  }
0x24: {  	s20 =	simm.s32 $0x800;
	s19 =	simm.s32 $0x400;
	[sflag:s16] =	ssyncset.done $0x0  }
.LBB2_2:
0x25: {  	s21 =	sshra.s32 s19, $0x2  }
0x26: {  	[sflag:s16] =	ssyncadd.s32 $0xFFFFC180;
	s19 =	smov.u32 s20;
	s22 =	sadd.s32 $0x400, s20  }
0x27: {  	[spmem:s2] =	stream.indirect.scatter.add.f32 [tilespmem:s10], [sflag:$0x2], $0x80, s21, s14, $0xb8;
	[tilespmem:$0x19400] =	vst v63  }
0x28: {  	p0 =	sne.s32 s20, $0x4C00;
	s20 =	sadd.s32 $0x80, s21  }
0x29: {  	[spmem:s2] =	stream.indirect.scatter.add.f32 [tilespmem:s10], [sflag:$0x3], $0x80, s20, s14, $0xb8;
	[tilespmem:$0x19400] =	vst v63  }
.Ltmp0:
0x2a: {  	_ =	swait.ge [sflag:s15], $0x3E80;
	(pc) =	sbr.rel @p0 .LBB2_2-.Ltmp0, $4  }
0x2b: {  	[sflag:s15] =	ssyncset.done $0x0  }
0x2c: {  	[sflag:s15] =	ssyncadd.s32 $0xFFFFC180  }
0x2d: {  	_ =	swait.ge [sflag:s16], $0x3E80  }
0x2e: {  	s20 =	smov.u32 s22;
	[sflag:s16] =	ssyncset.done $0x0  }
0x2f: {  	s19 =	sshra.s32 s19, $0x2;
	[sflag:s16] =	ssyncadd.s32 $0xFFFFC180  }
0x30: {  	[spmem:s2] =	stream.indirect.scatter.add.f32 [tilespmem:s10], [sflag:$0x2], $0x80, s19, s14, $0xb8;
	[tilespmem:$0x19400] =	vst v63  }
0x31: {  	s19 =	sadd.s32 $0x80, s19  }
0x32: {  	[spmem:s2] =	stream.indirect.scatter.add.f32 [tilespmem:s10], [sflag:$0x3], $0x80, s19, s14, $0xb8;
	[tilespmem:$0x19400] =	vst v63  }
0x33: {  	_ =	swait.ge [sflag:s15], $0x3E80  }
0x34: {  	[sflag:s15] =	ssyncset.done $0x0  }
0x35: {  	[sflag:s15] =	ssyncadd.s32 $0xFFFFC180  }
0x36: {  	_ =	swait.ge [sflag:s16], $0x3E80  }
0x37: {  	s18 =	sadd.s32 $0x1, s18;
	[sflag:s16] =	ssyncset.done $0x0  }
0x38: {  	p0 =	sne.s32 s18, s7;
	[sflag:s16] =	ssyncadd.s32 $0xFFFFC180  }
.Ltmp1:
0x39: {  	[bflag:$0x0] =	sbarrier.arrive $0xFFFF;
	(pc) =	sbr.rel @p0 .LBB2_1-.Ltmp1, $4  }
0x3a: {  	[hbm:s8], [sflag:s17] =	dma.local [spmem:s12], $0x2800  }
0x3b: {  	_ =	swait.ge [sflag:s9], $0x2800  }
0x3c: {  	[sflag:s9] =	ssyncset.done $0x0  }
0x3d: {  	[sflag:s9] =	ssyncadd.s32 $0xFFFFD800  }
0x3e: {  	_ =	sfence.sel $0x180000  }
0x3f: {  	[bflag:$0x0] =	sbarrier.arrive $0xFFFF  }
0x40: {  	p0 =	sne.s32 s1, $0x0;
	_ =	strace $0x90000047  }
0x41: {  	s0 =	sadd.s32 @!p0 $0x100000, s0;
	[bflag:$0x2] =	sbarrier.arrive $0xFFFF  }
0x42: {  	[sflag:s0] =	ssyncadd.tile.s32 @!p0 $0x1;
	_ =	shalt  }
.Lfunc_end2:
_tile_overlayer_lowered:
.L_overlay_start_2:
0x43: {  	(tag) =	ssettag $0x2  }
0x44: {  	s0 =	rddreg [dreg:$0x0];
	s2 =	stileid.u32  }
0x45: {  	s1 =	rddreg [dreg:$0x1];
	p0 =	sne.s32 s2, $0x0  }
0x46: {  	s3 =	rddreg [dreg:$0x2];
	[bflag:$0x3] =	sbarrier.arrive $0xFFFF;
	s2 =	simm.s32 @!p0 $0x1C04  }
0x47: {  	[timem:s3], [sflag:s2] =	dma.local @!p0 [hbm:s0], s1  }
0x48: {  	s0 =	simm.s32 @!p0 $0x4  }
0x49: {  	_ =	swait.ge @!p0 [sflag:s0], s1  }
0x4a: {  	s1 =	ssub.s32 @!p0 $0x0, s1;
	[sflag:s0] =	ssyncset.done @!p0 $0x0  }
0x4b: {  	[sflag:s0] =	ssyncadd.s32 @!p0 s1  }
0x4c: {  	[bflag:$0x3] =	sbarrier.arrive $0xFFFF  }
0x4d: {  	_ =	shalt  }

// kernel: kernel.13.cloned.1.call-start
scs
__scs_entry_jumppad:
0x0: {  	(pc) =	sbr.rel $0x88, $3  }
0x1: {  	(tag) =	ssettag $0x0;
	lr =	simm.s32 $0x1  }
0x2: {  	[smem:$0x3F97] =	sst lr;
	_ =	strace $0xD0000000  }
0x3: {  	_ = 	snop  }
0x4: {  	_ = 	snop  }
0x5: {  	_ = 	snop  }
0x6: {  	_ = 	snop  }
0x7: {  	_ = 	snop  }
__scs_overlays_trampoline_lowered:
0x8: {  	[smem:$0x3FA6] =	sst s0  }
0x9: {  	[smem:$0x3FA7] =	sst s1  }
0xa: {  	[smem:$0x3FA8] =	sst s2  }
0xb: {  	[smem:$0x3FA9] =	sst s3  }
0xc: {  	[smem:$0x3FAA] =	sst s4  }
0xd: {  	[smem:$0x3FAB] =	sst s5  }
0xe: {  	[smem:$0x3FAC] =	sst s6  }
0xf: {  	[smem:$0x3FAD] =	sst s7  }
0x10: {  	[smem:$0x3FAE] =	sst s8  }
0x11: {  	[smem:$0x3FAF] =	sst s9;
	s0 =	simm.s32 @!p0 $0x0  }
0x12: {  	s1 =	sld [smem:$0x3F95];
	s0 =	simm.s32 @p0 $0x1  }
0x13: {  	[smem:$0x3FB0] =	sst s0;
	s0 =	simm.s32 @!p1 $0x0  }
0x14: {  	s2 =	sld [smem:$0x3F94];
	s0 =	simm.s32 @p1 $0x1  }
0x15: {  	[smem:$0x3FB1] =	sst s0;
	s0 =	simm.s32 @!p2 $0x0  }
0x16: {  	s3 =	sld [smem:$0x3FDB];
	s0 =	simm.s32 @p2 $0x1  }
0x17: {  	s4 =	simm.s32 $0x1BF5;
	[smem:$0x3FB3] =	sst s0  }
0x18: {  	s0 =	sld [smem:$0x3F96];
	_ =	swait.ge [sflag:s4], $0x0  }
0x19: {  	s7 =	sld [smem:$0x3F97]  }
0x1a: {  	s8 =	sadd.s32 $0xFFFFE003, lr  }
0x1b: {  	s9 =	sadd.s32 $0xFFFFFEF7, lr;
	s5 =	simm.s32 $0xFFFFFFFF;
	p2 =	slt.u32 s8, $0xFFFFF086  }
0x1c: {  	p1 =	slt.u32 s9, $0xF7A;
	s5 =	simm.s32 @!p2 $0x0  }
0x1d: {  	s5 =	simm.s32 @p1 $0x1;
	p0 =	seq.s32 s7, s2  }
0x1e: {  	s7 =	smul.u32 @!p0 $0xF7A, s2;
	p2 =	seq.s32 @!p0 s5, $0x0  }
0x1f: {  	s9 =	smul.u32 $0xF7A, s1;
	s8 =	simm.s32 @!p0 $0x1BF5;
	p2 =	por !p2, p0  }
0x20: {  	[sflag:s8] =	ssyncset.s32 @!p0 $0xFFFFF086;
	s6 =	sadd.s32 @!p0 s3, s7;
	s7 =	simm.s32 @!p0 $0x108  }
0x21: {  	s3 =	sadd.s32 s3, s9;
	s6 =	sadd.s32 @!p0 $0x88, s6;
	s7 =	simm.s32 @p2 $0x1082  }
0x22: {  	[simem:s7], [sflag:s8] =	dma.local @!p0 [hbm:s6], $0xF7A  }
0x23: {  	s9 =	sor.u32 $0xD0000000, s2;
	s6 =	simm.s32 $0x108;
	_ =	swait.ge @!p0 [sflag:s8], $0x0  }
0x24: {  	s3 =	sadd.s32 $0x88, s3;
	s6 =	simm.s32 @!p1 $0x1082;
	[sflag:s4] =	ssyncset.s32 $0xFFFFF086  }
0x25: {  	[simem:s6], [sflag:s4] =	dma.local [hbm:s3], $0xF7A  }
0x26: {  	[smem:$0x3F97] =	sst s1;
	(tag) =	ssettag s2;
	_ =	strace s9  }
0x27: {  	s1 =	sld [smem:$0x3FA7]  }
0x28: {  	s2 =	sld [smem:$0x3FA8]  }
0x29: {  	s4 =	sld [smem:$0x3FAA]  }
0x2a: {  	p0 =	seq.s32 s5, $0x0;
	s5 =	sld [smem:$0x3FAB]  }
0x2b: {  	s6 =	sld [smem:$0x3FAC]  }
0x2c: {  	s7 =	sld [smem:$0x3FAD]  }
0x2d: {  	s3 =	simm.s32 $0x108;
	s8 =	sld [smem:$0x3FAE]  }
0x2e: {  	s3 =	simm.s32 @!p0 $0x1082;
	s9 =	sld [smem:$0x3FAF]  }
0x2f: {  	lr =	sadd.s32 s0, s3;
	s0 =	sld [smem:$0x3FA6]  }
0x30: {  	s3 =	sld [smem:$0x3FA9]  }
0x31: {  	[smem:$0x3FB2] =	sst s10  }
0x32: {  	s10 =	sld [smem:$0x3FB0];
	_ =	sdelay $0x3  }
0x33: {  	p0 =	seq.s32 s10, $0x1;
	s10 =	sld [smem:$0x3FB2];
	_ =	sdelay $0x3  }
0x34: {  	[smem:$0x3FB2] =	sst s10  }
0x35: {  	s10 =	sld [smem:$0x3FB1];
	_ =	sdelay $0x3  }
0x36: {  	p1 =	seq.s32 s10, $0x1;
	s10 =	sld [smem:$0x3FB2];
	_ =	sdelay $0x3  }
0x37: {  	[smem:$0x3FB2] =	sst s10  }
0x38: {  	s10 =	sld [smem:$0x3FB3]  }
0x39: {  	_ = 	snop;
	(pc) =	sbr.ind lr, $3  }
0x3a: {  	_ = 	snop  }
0x3b: {  	_ = 	snop  }
0x3c: {  	p2 =	seq.s32 s10, $0x1;
	s10 =	sld [smem:$0x3FB2]  }
0x3d: {  	_ =	shalt  }
0x3e: {  	_ =	shalt  }
0x3f: {  	_ =	shalt  }
0x40: {  	_ =	shalt  }
0x41: {  	_ =	shalt  }
0x42: {  	_ =	shalt  }
0x43: {  	_ =	shalt  }
0x44: {  	_ =	shalt  }
0x45: {  	_ =	shalt  }
0x46: {  	_ =	shalt  }
0x47: {  	_ =	shalt  }
0x48: {  	_ =	shalt  }
0x49: {  	_ =	shalt  }
0x4a: {  	_ =	shalt  }
0x4b: {  	_ =	shalt  }
0x4c: {  	_ =	shalt  }
0x4d: {  	_ =	shalt  }
0x4e: {  	_ =	shalt  }
0x4f: {  	_ =	shalt  }
0x50: {  	_ =	shalt  }
0x51: {  	_ =	shalt  }
0x52: {  	_ =	shalt  }
0x53: {  	_ =	shalt  }
0x54: {  	_ =	shalt  }
0x55: {  	_ =	shalt  }
0x56: {  	_ =	shalt  }
0x57: {  	_ =	shalt  }
0x58: {  	_ =	shalt  }
0x59: {  	_ =	shalt  }
0x5a: {  	_ =	shalt  }
0x5b: {  	_ =	shalt  }
0x5c: {  	_ =	shalt  }
0x5d: {  	_ =	shalt  }
0x5e: {  	_ =	shalt  }
0x5f: {  	_ =	shalt  }
0x60: {  	_ =	shalt  }
0x61: {  	_ =	shalt  }
0x62: {  	_ =	shalt  }
0x63: {  	_ =	shalt  }
0x64: {  	_ =	shalt  }
0x65: {  	_ =	shalt  }
0x66: {  	_ =	shalt  }
0x67: {  	_ =	shalt  }
0x68: {  	_ =	shalt  }
0x69: {  	_ =	shalt  }
0x6a: {  	_ =	shalt  }
0x6b: {  	_ =	shalt  }
0x6c: {  	_ =	shalt  }
0x6d: {  	_ =	shalt  }
0x6e: {  	_ =	shalt  }
0x6f: {  	_ =	shalt  }
0x70: {  	_ =	shalt  }
0x71: {  	_ =	shalt  }
0x72: {  	_ =	shalt  }
0x73: {  	_ =	shalt  }
0x74: {  	_ =	shalt  }
0x75: {  	_ =	shalt  }
0x76: {  	_ =	shalt  }
0x77: {  	_ =	shalt  }
0x78: {  	_ =	shalt  }
0x79: {  	_ =	shalt  }
0x7a: {  	_ =	shalt  }
0x7b: {  	_ =	shalt  }
0x7c: {  	_ =	shalt  }
0x7d: {  	_ =	shalt  }
0x7e: {  	_ =	shalt  }
0x7f: {  	_ =	shalt  }
0x80: {  	_ =	shalt  }
0x81: {  	_ =	shalt  }
0x82: {  	_ =	shalt  }
0x83: {  	_ =	shalt  }
0x84: {  	_ =	shalt  }
0x85: {  	_ =	shalt  }
0x86: {  	_ =	shalt  }
0x87: {  	_ =	shalt  }
.Lfunc_end0:
.L_simem_size_0:
called_computation.1_lowered:
.L_overlay_start_0:
0x88: {  	s2 =	sld [smem:$0x3FD9]  }
0x89: {  	s3 =	sld [smem:$0x3FFE];
	_ =	sdelay $0x1  }
0x8a: {  	s1 =	srdreg.scid  }
0x8b: {  	s0 =	sand.u32 $0x1, s1  }
0x8c: {  	s17 =	sshll.u32 s0, $0xA;
	s2 =	sadd.s32 s3, s2  }
0x8d: {  	s2 =	sadd.s32 s2, s17  }
0x8e: {  	[smem:$0x3FBE] =	sst s2  }
0x8f: {  	_ = 	snop  }
0x90: {  	s2 =	sld [smem:$0x3FD0];
	(tm) =	ssettm $0x1  }
0x91: {  	s18 =	sld [smem:$0x3FFB];
	_ =	sdelay $0x3  }
0x92: {  	_ =	strace s18  }
0x93: {  	s3 =	sld [smem:$0x3FFC];
	_ =	sdelay $0x3  }
0x94: {  	_ =	strace s3  }
0x95: {  	s3 =	sld [smem:$0x3FFD];
	_ =	sdelay $0x3  }
0x96: {  	_ =	strace s3  }
0x97: {  	_ =	strace $0x8FFFFFFF  }
0x98: {  	s19 =	sld [smem:$0x3FDB];
	_ =	sdelay $0x1  }
0x99: {  	s4 =	simm.s32 $_scs_section_size  }
0x9a: {  	s5 =	simm.s32 $_size__tile_overlayer_lowered;
	s6 =	simm.s32 $_tile_overlayer_lowered  }
0x9b: {  	s22 =	simm.s32 $0x1BFF;
	s21 =	sshll.u32 s6, $0x1;
	s3 =	sadd.s32 s4, s19  }
0x9c: {  	s7 =	simm.s32 $0x0;
	s20 =	sshll.u32 s5, $0x1;
	s5 =	sadd.s32 s21, s3  }
0x9d: {  	[timem:s7], [sflag:s22] =	dma.local [hbm:s5], s20  }
0x9e: {  	_ =	swait.ge [sflag:s22], s20  }
0x9f: {  	s4 =	ssub.s32 $0x0, s20;
	[sflag:s22] =	ssyncset.done $0x0  }
0xa0: {  	[sflag:s22] =	ssyncadd.s32 s4;
	_ =	sdelay $0x1  }
0xa1: {  	s23 =	simm.s32 $0x1B8B  }
0xa2: {  	_ =	swait.ge [sflag:s23], $0x1  }
0xa3: {  	[sflag:s23] =	ssyncset.done $0x0  }
0xa4: {  	s25 =	simm.s32 $0x1B8E;
	s24 =	sld [smem:$0x3FFE];
	[sflag:s23] =	ssyncadd.s32 $0xFFFFFFFF  }
0xa5: {  	s26 =	simm.s32 $execute0_lowered;
	[smem:$0x3FD2] =	sst s25  }
0xa6: {  	s5 =	sshll.u32 s26, $0x1;
	_ =	strace $0x80000049;
	[dreg:$0x1] =	wrdreg $0xFFFFFFFF  }
0xa7: {  	s28 =	simm.s32 $_size_execute0_lowered;
	s3 =	sadd.s32 s3, s5;
	[dreg:$0x0] =	wrdreg $0x0  }
0xa8: {  	s5 =	sshll.u32 s28, $0x1;
	[dreg:$0x2] =	wrdreg s3  }
0xa9: {  	[dreg:$0x3] =	wrdreg s5  }
0xaa: {  	[dreg:$0x4] =	wrdreg $0xC0  }
0xab: {  	_ =	task [dreg:s7], $0x5FFFF  }
0xac: {  	[dreg:$0x1] =	wrdreg $0xFFFFFFFF  }
0xad: {  	[dreg:$0x0] =	wrdreg $0x60  }
0xae: {  	[dreg:$0x2] =	wrdreg s24  }
0xaf: {  	[dreg:$0x3] =	wrdreg s2  }
0xb0: {  	[dreg:$0x4] =	wrdreg $0xA8000  }
0xb1: {  	[dreg:$0x5] =	wrdreg $0x9  }
0xb2: {  	_ =	task.clear_ibuf [dreg:s7], $0x6FFFF;
	_ =	strace $0x90000049  }
0xb3: {  	s29 =	simm.s32 $0x9;
	_ =	strace $0x8000004B  }
0xb4: {  	_ =	swait.ge [sflag:s29], $0x1  }
0xb5: {  	[sflag:s29] =	ssyncadd.s32 $0xFFFFFFFF  }
0xb6: {  	_ =	strace $0x9000004B  }
0xb7: {  	_ =	sfence  }
0xb8: {  	s30 =	sld [smem:$0x0];
	_ =	sdelay $0x2  }
0xb9: {  	s31 =	sshll.u32 s1, $0xD;
	s1 =	sshrl.u32 s1, $0x2  }
0xba: {  	s3 =	sand.u32 $0x4000, s31;
	s1 =	sadd.s32 s1, s30  }
0xbb: {  	s0 =	sor.u32 s3, s0;
	s1 =	sshll.u32 s1, $0x11  }
0xbc: {  	s0 =	sor.u32 s1, s0  }
0xbd: {  	s0 =	sadd.s32 $0x8F2B, s0  }
0xbe: {  	[sflag:s0] =	ssyncadd.remote.s32 $0x1  }
0xbf: {  	_ =	sfence.sel $0xFFFF  }
0xc0: {  	[dreg:$0x0] =	wrdreg $0xFFFFFFFF;
	(pc) =	sbr.abs _section_cstart, $3  }
0xc1: {  	[dreg:$0x1] =	wrdreg $0xFFFFFFFF  }
0xc2: {  	_ =	task.clear_ibuf [dreg:s7], $0x2FFFF;
	_ =	strace $0x9FFFFFFF  }
0xc3: {  	(tm) =	ssettm $0x7FFFFFFF  }
tec
execute0_lowered:
.L_overlay_start_1:
0x0: {  	(tag) =	ssettag $0x1  }
0x1: {  	s0 =	rddreg [dreg:$0x0]  }
0x2: {  	s2 =	rddreg [dreg:$0x1]  }
0x3: {  	s1 =	rddreg [dreg:$0x2];
	s3 =	srdreg.scid  }
0x4: {  	s17 =	stileid.u32;
	s21 =	simm.s32 $0x1;
	s22 =	simm.s32 $0x7D  }
0x5: {  	s23 =	simm.s32 $0x2800;
	s24 =	simm.s32 $0x6800;
	s25 =	simm.s32 $0x2  }
0x6: {  	s28 =	simm.s32 $0x4;
	s29 =	simm.s32 $0x5;
	s30 =	simm.s32 $0x0  }
0x7: {  	s16 =	sand.u32 $0x1, s3;
	s3 =	simm.s32 $0x0;
	s12 =	smul.u32 $0x2800, s17  }
0x8: {  	s5 =	sadd.s32 $0x54E00, s0;
	s9 =	smul.u32 $0x50000, s17;
	s4 =	sshll.u32 s16, $0x4  }
0x9: {  	[smem:$0x7FF] =	sst s3;
	s6 =	ssub.s32 $0x2, s16;
	p0 =	sne.s32 s16, $0x0  }
0xa: {  	s16 =	simm.s32 $0x6;
	s4 =	sor.u32 s17, s4;
	_ =	strace $0x8000004A  }
0xb: {  	s8 =	sshrl.u32 s6, $0x1;
	s26 =	sshrl.u32 s9, $0x2;
	s7 =	smul.u32 $0x280, s4  }
0xc: {  	s17 =	sshll.u32 s17, $0x6;
	s4 =	sadd.s32 $0x2CE00, s0;
	s15 =	ssub.s32 s6, s8  }
0xd: {  	s19 =	sor.u32 $0x1C01, s17;
	s15 =	smax.u32 s15, $0x1;
	s10 =	sadd.s32 s7, s0  }
.Ltmp0:
0xe: {  	s0 =	sadd.s32 s12, s0;
	s7 =	sadd.s32 s2, s7;
	(pc) =	sbr.rel .LBB2_1-.Ltmp0, $4  }
0xf: {  	s2 =	sadd.s32 s26, s1;
	s26 =	simm.s32 $0x3;
	s6 =	sadd.s32 $0x7D600, s10  }
0x10: {  	s8 =	sadd.s32 $0x4E00, s0;
	s31 =	sadd.s32 $0xD2600, s0;
	s10 =	sadd.s32 s4, s12  }
0x11: {  	s11 =	sadd.s32 $0xAA600, s0;
	s12 =	sadd.s32 s5, s12;
	s13 =	sadd.s32 $0xFA600, s0  }
0x12: {  	s14 =	sadd.s32 $0x122600, s0;
	s20 =	sshrl.u32 s2, $0x3;
	[dreg:$0x4] =	wrdreg s31  }
.LBB2_11:
0x13: {  	s0 =	sshra.s32 s0, $0x2;
	[sflag:s29] =	ssyncadd.s32 $0xFFFFC180  }
0x14: {  	[tilespmem:s23], [sflag:$0x2] =	stream.indirect.gather [hbm4b:s5+s22], $0x80, s0, s22, $0xb8;
	[tilespmem:$0x1E800] =	vst v63  }
0x15: {  	s2 =	sadd.s32 $0x80, s0  }
0x16: {  	[tilespmem:s24], [sflag:$0x3] =	stream.indirect.gather [hbm4b:s5+s22], $0x80, s2, s22, $0xb8;
	[tilespmem:$0x1E800] =	vst v63  }
0x17: {  	_ =	swait.ge [sflag:s25], $0x3E80  }
0x18: {  	[sflag:s25] =	ssyncset.done $0x0  }
0x19: {  	s18 =	sadd.s32 $0x1400, s0;
	[sflag:s25] =	ssyncadd.s32 $0xFFFFC180  }
0x1a: {  	[spmem:s1] =	stream.indirect.scatter.add.f32 [tilespmem:s23], [sflag:$0x4], $0x80, s18, s22, $0xb8;
	[tilespmem:$0x1E800] =	vst v63  }
0x1b: {  	_ =	swait.ge [sflag:s26], $0x3E80  }
0x1c: {  	[sflag:s26] =	ssyncset.done $0x0  }
0x1d: {  	s0 =	sadd.s32 $0x1480, s0;
	[sflag:s26] =	ssyncadd.s32 $0xFFFFC180  }
0x1e: {  	[spmem:s1] =	stream.indirect.scatter.add.f32 [tilespmem:s24], [sflag:$0x5], $0x80, s0, s22, $0xb8;
	[tilespmem:$0x1E800] =	vst v63  }
0x1f: {  	_ =	swait.ge [sflag:s28], $0x3E80  }
0x20: {  	[sflag:s28] =	ssyncset.done $0x0  }
0x21: {  	[sflag:s28] =	ssyncadd.s32 $0xFFFFC180  }
0x22: {  	_ =	swait.ge [sflag:s29], $0x3E80  }
0x23: {  	[sflag:s29] =	ssyncset.done $0x0  }
0x24: {  	[sflag:s29] =	ssyncadd.s32 $0xFFFFC180  }
0x25: {  	[bflag:$0x0] =	sbarrier.arrive $0xFFFF  }
0x26: {  	[hbm:s14], [sflag:s31] =	dma.local [spmem:s20], $0x2800  }
.LBB2_12:
0x27: {  	s30 =	sadd.s32 $0x1, s30  }
0x28: {  	p1 =	sne.s32 s30, s15  }
.Ltmp1:
0x29: {  	_ = 	snop;
	(pc) =	sbr.rel @!p1 .LBB2_13-.Ltmp1, $4  }
0x2a: {  	_ = 	snop  }
0x2b: {  	_ =	swait.ge [sflag:s16], $0x2800  }
0x2c: {  	[sflag:s16] =	ssyncset.done $0x0  }
0x2d: {  	[sflag:s16] =	ssyncadd.s32 $0xFFFFD800  }
.LBB2_1:
0x2e: {  	[tilespmem:s3], [sflag:$0x6] =	stream.linear.gather [hbm4b:s6+s3], $0x1400, $0x38;
	[tilespmem:$0x1E800] =	vst v63  }
0x2f: {  	_ =	swait.ge [sflag:s16], $0x1400  }
0x30: {  	[sflag:s16] =	ssyncset.done $0x0  }
.Ltmp2:
0x31: {  	s0 =	simm.s32 $0x1400;
	[sflag:s16] =	ssyncadd.s32 $0xFFFFEC00;
	(pc) =	sbr.rel @p0 .LBB2_7-.Ltmp2, $4  }
0x32: {  	[tilespmem:s0], [sflag:$0x6] =	stream.linear.gather [hbm4b:s7+s3], $0x1400, $0x38;
	[tilespmem:$0x1E800] =	vst v63  }
0x33: {  	_ =	swait.ge [sflag:s16], $0x1400  }
0x34: {  	[sflag:s16] =	ssyncset.done $0x0  }
0x35: {  	[sflag:s16] =	ssyncadd.s32 $0xFFFFEC00  }
0x36: {  	[spmem:s20], [sflag:s19] =	dma.local [hbm:s10], $0x2800  }
0x37: {  	_ =	swait.ge [sflag:s21], $0x2800  }
0x38: {  	[sflag:s21] =	ssyncset.done $0x0  }
0x39: {  	[sflag:s21] =	ssyncadd.s32 $0xFFFFD800  }
0x3a: {  	s0 =	simm.s32 $0x0;
	[bflag:$0x0] =	sbarrier.arrive $0xFFFF  }
0x3b: {  	[tilespmem:s23], [sflag:$0x2] =	stream.indirect.gather [hbm4b:s4+s22], $0x80, s0, s22, $0xb8;
	[tilespmem:$0x1E800] =	vst v63  }
0x3c: {  	s2 =	simm.s32 $0x80  }
0x3d: {  	[tilespmem:s24], [sflag:$0x3] =	stream.indirect.gather [hbm4b:s4+s22], $0x80, s2, s22, $0xb8;
	[tilespmem:$0x1E800] =	vst v63  }
0x3e: {  	_ =	swait.ge [sflag:s25], $0x3E80  }
0x3f: {  	[sflag:s25] =	ssyncset.done $0x0  }
0x40: {  	s9 =	simm.s32 $0x1400;
	[sflag:s25] =	ssyncadd.s32 $0xFFFFC180  }
0x41: {  	[spmem:s1] =	stream.indirect.scatter.add.f32 [tilespmem:s23], [sflag:$0x4], $0x80, s9, s22, $0xb8;
	[tilespmem:$0x1E800] =	vst v63  }
0x42: {  	_ =	swait.ge [sflag:s26], $0x3E80  }
0x43: {  	[sflag:s26] =	ssyncset.done $0x0  }
0x44: {  	s18 =	simm.s32 $0x1480;
	[sflag:s26] =	ssyncadd.s32 $0xFFFFC180  }
0x45: {  	[spmem:s1] =	stream.indirect.scatter.add.f32 [tilespmem:s24], [sflag:$0x5], $0x80, s18, s22, $0xb8;
	[tilespmem:$0x1E800] =	vst v63  }
0x46: {  	_ =	swait.ge [sflag:s28], $0x3E80  }
0x47: {  	[sflag:s28] =	ssyncset.done $0x0  }
0x48: {  	[sflag:s28] =	ssyncadd.s32 $0xFFFFC180  }
0x49: {  	_ =	swait.ge [sflag:s29], $0x3E80  }
0x4a: {  	s31 =	simm.s32 $0x400;
	s0 =	simm.s32 $0x800;
	[sflag:s29] =	ssyncset.done $0x0  }
.LBB2_3:
0x4b: {  	s2 =	sshra.s32 s31, $0x2  }
0x4c: {  	[sflag:s29] =	ssyncadd.s32 $0xFFFFC180;
	s31 =	smov.u32 s0;
	s18 =	sadd.s32 $0x400, s0  }
0x4d: {  	[tilespmem:s23], [sflag:$0x2] =	stream.indirect.gather [hbm4b:s4+s22], $0x80, s2, s22, $0xb8;
	[tilespmem:$0x1E800] =	vst v63  }
0x4e: {  	p1 =	sne.s32 s0, $0x4C00;
	s0 =	sadd.s32 $0x80, s2  }
0x4f: {  	[tilespmem:s24], [sflag:$0x3] =	stream.indirect.gather [hbm4b:s4+s22], $0x80, s0, s22, $0xb8;
	[tilespmem:$0x1E800] =	vst v63  }
0x50: {  	_ =	swait.ge [sflag:s25], $0x3E80  }
0x51: {  	[sflag:s25] =	ssyncset.done $0x0  }
0x52: {  	s0 =	sadd.s32 $0x1400, s2;
	[sflag:s25] =	ssyncadd.s32 $0xFFFFC180  }
0x53: {  	[spmem:s1] =	stream.indirect.scatter.add.f32 [tilespmem:s23], [sflag:$0x4], $0x80, s0, s22, $0xb8;
	[tilespmem:$0x1E800] =	vst v63  }
0x54: {  	_ =	swait.ge [sflag:s26], $0x3E80  }
0x55: {  	[sflag:s26] =	ssyncset.done $0x0  }
0x56: {  	s0 =	sadd.s32 $0x1480, s2;
	[sflag:s26] =	ssyncadd.s32 $0xFFFFC180  }
0x57: {  	[spmem:s1] =	stream.indirect.scatter.add.f32 [tilespmem:s24], [sflag:$0x5], $0x80, s0, s22, $0xb8;
	[tilespmem:$0x1E800] =	vst v63  }
.Ltmp3:
0x58: {  	_ =	swait.ge [sflag:s28], $0x3E80;
	(pc) =	sbr.rel @p1 .LBB2_3-.Ltmp3, $4  }
0x59: {  	[sflag:s28] =	ssyncset.done $0x0  }
0x5a: {  	[sflag:s28] =	ssyncadd.s32 $0xFFFFC180  }
0x5b: {  	_ =	swait.ge [sflag:s29], $0x3E80  }
0x5c: {  	s0 =	smov.u32 s18;
	[sflag:s29] =	ssyncset.done $0x0  }
0x5d: {  	s0 =	sshra.s32 s31, $0x2;
	[sflag:s29] =	ssyncadd.s32 $0xFFFFC180  }
0x5e: {  	[tilespmem:s23], [sflag:$0x2] =	stream.indirect.gather [hbm4b:s4+s22], $0x80, s0, s22, $0xb8;
	[tilespmem:$0x1E800] =	vst v63  }
0x5f: {  	s2 =	sadd.s32 $0x80, s0  }
0x60: {  	[tilespmem:s24], [sflag:$0x3] =	stream.indirect.gather [hbm4b:s4+s22], $0x80, s2, s22, $0xb8;
	[tilespmem:$0x1E800] =	vst v63  }
0x61: {  	_ =	swait.ge [sflag:s25], $0x3E80  }
0x62: {  	[sflag:s25] =	ssyncset.done $0x0  }
0x63: {  	s9 =	sadd.s32 $0x1400, s0;
	[sflag:s25] =	ssyncadd.s32 $0xFFFFC180  }
0x64: {  	[spmem:s1] =	stream.indirect.scatter.add.f32 [tilespmem:s23], [sflag:$0x4], $0x80, s9, s22, $0xb8;
	[tilespmem:$0x1E800] =	vst v63  }
0x65: {  	_ =	swait.ge [sflag:s26], $0x3E80  }
0x66: {  	[sflag:s26] =	ssyncset.done $0x0  }
0x67: {  	s0 =	sadd.s32 $0x1480, s0;
	[sflag:s26] =	ssyncadd.s32 $0xFFFFC180  }
0x68: {  	[spmem:s1] =	stream.indirect.scatter.add.f32 [tilespmem:s24], [sflag:$0x5], $0x80, s0, s22, $0xb8;
	[tilespmem:$0x1E800] =	vst v63  }
0x69: {  	_ =	swait.ge [sflag:s28], $0x3E80  }
0x6a: {  	[sflag:s28] =	ssyncset.done $0x0  }
0x6b: {  	[sflag:s28] =	ssyncadd.s32 $0xFFFFC180  }
0x6c: {  	_ =	swait.ge [sflag:s29], $0x3E80  }
0x6d: {  	[sflag:s29] =	ssyncset.done $0x0  }
0x6e: {  	[sflag:s29] =	ssyncadd.s32 $0xFFFFC180  }
0x6f: {  	s31 =	sor.u32 $0x1C06, s17;
	[bflag:$0x0] =	sbarrier.arrive $0xFFFF  }
0x70: {  	[hbm:s11], [sflag:s31] =	dma.local [spmem:s20], $0x2800  }
0x71: {  	_ =	swait.ge [sflag:s16], $0x2800  }
0x72: {  	[sflag:s16] =	ssyncset.done $0x0  }
0x73: {  	[sflag:s16] =	ssyncadd.s32 $0xFFFFD800  }
0x74: {  	[bflag:$0x0] =	sbarrier.arrive $0xFFFF  }
0x75: {  	[spmem:s20], [sflag:s19] =	dma.local [hbm:s12], $0x2800  }
0x76: {  	_ =	swait.ge [sflag:s21], $0x2800  }
0x77: {  	[sflag:s21] =	ssyncset.done $0x0  }
0x78: {  	[sflag:s21] =	ssyncadd.s32 $0xFFFFD800  }
0x79: {  	s18 =	simm.s32 $0x0;
	[bflag:$0x0] =	sbarrier.arrive $0xFFFF  }
0x7a: {  	[tilespmem:s23], [sflag:$0x2] =	stream.indirect.gather [hbm4b:s5+s22], $0x80, s18, s22, $0xb8;
	[tilespmem:$0x1E800] =	vst v63  }
0x7b: {  	s2 =	simm.s32 $0x80  }
0x7c: {  	[tilespmem:s24], [sflag:$0x3] =	stream.indirect.gather [hbm4b:s5+s22], $0x80, s2, s22, $0xb8;
	[tilespmem:$0x1E800] =	vst v63  }
0x7d: {  	_ =	swait.ge [sflag:s25], $0x3E80  }
0x7e: {  	[sflag:s25] =	ssyncset.done $0x0  }
0x7f: {  	s9 =	simm.s32 $0x1400;
	[sflag:s25] =	ssyncadd.s32 $0xFFFFC180  }
0x80: {  	[spmem:s1] =	stream.indirect.scatter.add.f32 [tilespmem:s23], [sflag:$0x4], $0x80, s9, s22, $0xb8;
	[tilespmem:$0x1E800] =	vst v63  }
0x81: {  	_ =	swait.ge [sflag:s26], $0x3E80  }
0x82: {  	[sflag:s26] =	ssyncset.done $0x0  }
0x83: {  	s18 =	simm.s32 $0x1480;
	[sflag:s26] =	ssyncadd.s32 $0xFFFFC180  }
0x84: {  	[spmem:s1] =	stream.indirect.scatter.add.f32 [tilespmem:s24], [sflag:$0x5], $0x80, s18, s22, $0xb8;
	[tilespmem:$0x1E800] =	vst v63  }
0x85: {  	_ =	swait.ge [sflag:s28], $0x3E80  }
0x86: {  	[sflag:s28] =	ssyncset.done $0x0  }
0x87: {  	[sflag:s28] =	ssyncadd.s32 $0xFFFFC180  }
0x88: {  	_ =	swait.ge [sflag:s29], $0x3E80  }
0x89: {  	s0 =	simm.s32 $0x400;
	s2 =	simm.s32 $0x800;
	[sflag:s29] =	ssyncset.done $0x0  }
.LBB2_5:
0x8a: {  	s18 =	sshra.s32 s0, $0x2  }
0x8b: {  	[sflag:s29] =	ssyncadd.s32 $0xFFFFC180;
	s0 =	smov.u32 s2;
	s9 =	sadd.s32 $0x400, s2  }
0x8c: {  	[tilespmem:s23], [sflag:$0x2] =	stream.indirect.gather [hbm4b:s5+s22], $0x80, s18, s22, $0xb8;
	[tilespmem:$0x1E800] =	vst v63  }
0x8d: {  	p1 =	sne.s32 s2, $0x4C00;
	s2 =	sadd.s32 $0x80, s18  }
0x8e: {  	[tilespmem:s24], [sflag:$0x3] =	stream.indirect.gather [hbm4b:s5+s22], $0x80, s2, s22, $0xb8;
	[tilespmem:$0x1E800] =	vst v63  }
0x8f: {  	_ =	swait.ge [sflag:s25], $0x3E80  }
0x90: {  	[sflag:s25] =	ssyncset.done $0x0  }
0x91: {  	s2 =	sadd.s32 $0x1400, s18;
	[sflag:s25] =	ssyncadd.s32 $0xFFFFC180  }
0x92: {  	[spmem:s1] =	stream.indirect.scatter.add.f32 [tilespmem:s23], [sflag:$0x4], $0x80, s2, s22, $0xb8;
	[tilespmem:$0x1E800] =	vst v63  }
0x93: {  	_ =	swait.ge [sflag:s26], $0x3E80  }
0x94: {  	[sflag:s26] =	ssyncset.done $0x0  }
0x95: {  	s2 =	sadd.s32 $0x1480, s18;
	[sflag:s26] =	ssyncadd.s32 $0xFFFFC180  }
0x96: {  	[spmem:s1] =	stream.indirect.scatter.add.f32 [tilespmem:s24], [sflag:$0x5], $0x80, s2, s22, $0xb8;
	[tilespmem:$0x1E800] =	vst v63  }
.Ltmp4:
0x97: {  	_ =	swait.ge [sflag:s28], $0x3E80;
	(pc) =	sbr.rel @p1 .LBB2_5-.Ltmp4, $4  }
0x98: {  	[sflag:s28] =	ssyncset.done $0x0  }
0x99: {  	[sflag:s28] =	ssyncadd.s32 $0xFFFFC180  }
0x9a: {  	_ =	swait.ge [sflag:s29], $0x3E80  }
0x9b: {  	s2 =	smov.u32 s9;
	[sflag:s29] =	ssyncset.done $0x0  }
0x9c: {  	s0 =	sshra.s32 s0, $0x2;
	[sflag:s29] =	ssyncadd.s32 $0xFFFFC180  }
0x9d: {  	[tilespmem:s23], [sflag:$0x2] =	stream.indirect.gather [hbm4b:s5+s22], $0x80, s0, s22, $0xb8;
	[tilespmem:$0x1E800] =	vst v63  }
0x9e: {  	s2 =	sadd.s32 $0x80, s0  }
0x9f: {  	[tilespmem:s24], [sflag:$0x3] =	stream.indirect.gather [hbm4b:s5+s22], $0x80, s2, s22, $0xb8;
	[tilespmem:$0x1E800] =	vst v63  }
0xa0: {  	_ =	swait.ge [sflag:s25], $0x3E80  }
0xa1: {  	[sflag:s25] =	ssyncset.done $0x0  }
0xa2: {  	s18 =	sadd.s32 $0x1400, s0;
	[sflag:s25] =	ssyncadd.s32 $0xFFFFC180  }
0xa3: {  	[spmem:s1] =	stream.indirect.scatter.add.f32 [tilespmem:s23], [sflag:$0x4], $0x80, s18, s22, $0xb8;
	[tilespmem:$0x1E800] =	vst v63  }
0xa4: {  	_ =	swait.ge [sflag:s26], $0x3E80  }
0xa5: {  	[sflag:s26] =	ssyncset.done $0x0  }
0xa6: {  	s0 =	sadd.s32 $0x1480, s0;
	[sflag:s26] =	ssyncadd.s32 $0xFFFFC180  }
0xa7: {  	[spmem:s1] =	stream.indirect.scatter.add.f32 [tilespmem:s24], [sflag:$0x5], $0x80, s0, s22, $0xb8;
	[tilespmem:$0x1E800] =	vst v63  }
0xa8: {  	_ =	swait.ge [sflag:s28], $0x3E80  }
0xa9: {  	[sflag:s28] =	ssyncset.done $0x0  }
0xaa: {  	[sflag:s28] =	ssyncadd.s32 $0xFFFFC180  }
.Ltmp5:
0xab: {  	_ =	swait.ge [sflag:s29], $0x3E80;
	(pc) =	sbr.rel .LBB2_12-.Ltmp5, $4  }
0xac: {  	[sflag:s29] =	ssyncset.done $0x0  }
0xad: {  	[sflag:s29] =	ssyncadd.s32 $0xFFFFC180  }
0xae: {  	[bflag:$0x0] =	sbarrier.arrive $0xFFFF  }
0xaf: {  	[hbm:s13], [sflag:s31] =	dma.local [spmem:s20], $0x2800  }
.LBB2_7:
0xb0: {  	[spmem:s20], [sflag:s19] =	dma.local [hbm:s8], $0x2800  }
0xb1: {  	_ =	swait.ge [sflag:s21], $0x2800  }
0xb2: {  	[sflag:s21] =	ssyncset.done $0x0  }
0xb3: {  	[sflag:s21] =	ssyncadd.s32 $0xFFFFD800  }
0xb4: {  	s0 =	simm.s32 $0x0;
	[bflag:$0x0] =	sbarrier.arrive $0xFFFF  }
0xb5: {  	[tilespmem:s23], [sflag:$0x2] =	stream.indirect.gather [hbm4b:s4+s22], $0x80, s0, s22, $0xb8;
	[tilespmem:$0x1E800] =	vst v63  }
0xb6: {  	s2 =	simm.s32 $0x80  }
0xb7: {  	[tilespmem:s24], [sflag:$0x3] =	stream.indirect.gather [hbm4b:s4+s22], $0x80, s2, s22, $0xb8;
	[tilespmem:$0x1E800] =	vst v63  }
0xb8: {  	_ =	swait.ge [sflag:s25], $0x3E80  }
0xb9: {  	[sflag:s25] =	ssyncset.done $0x0  }
0xba: {  	s9 =	simm.s32 $0x1400;
	[sflag:s25] =	ssyncadd.s32 $0xFFFFC180  }
0xbb: {  	[spmem:s1] =	stream.indirect.scatter.add.f32 [tilespmem:s23], [sflag:$0x4], $0x80, s9, s22, $0xb8;
	[tilespmem:$0x1E800] =	vst v63  }
0xbc: {  	_ =	swait.ge [sflag:s26], $0x3E80  }
0xbd: {  	[sflag:s26] =	ssyncset.done $0x0  }
0xbe: {  	s18 =	simm.s32 $0x1480;
	[sflag:s26] =	ssyncadd.s32 $0xFFFFC180  }
0xbf: {  	[spmem:s1] =	stream.indirect.scatter.add.f32 [tilespmem:s24], [sflag:$0x5], $0x80, s18, s22, $0xb8;
	[tilespmem:$0x1E800] =	vst v63  }
0xc0: {  	_ =	swait.ge [sflag:s28], $0x3E80  }
0xc1: {  	[sflag:s28] =	ssyncset.done $0x0  }
0xc2: {  	[sflag:s28] =	ssyncadd.s32 $0xFFFFC180  }
0xc3: {  	_ =	swait.ge [sflag:s29], $0x3E80  }
0xc4: {  	s31 =	simm.s32 $0x400;
	s0 =	simm.s32 $0x800;
	[sflag:s29] =	ssyncset.done $0x0  }
.LBB2_8:
0xc5: {  	s2 =	sshra.s32 s31, $0x2  }
0xc6: {  	[sflag:s29] =	ssyncadd.s32 $0xFFFFC180;
	s31 =	smov.u32 s0;
	s18 =	sadd.s32 $0x400, s0  }
0xc7: {  	[tilespmem:s23], [sflag:$0x2] =	stream.indirect.gather [hbm4b:s4+s22], $0x80, s2, s22, $0xb8;
	[tilespmem:$0x1E800] =	vst v63  }
0xc8: {  	p1 =	seq.s32 s0, $0x4C00;
	s0 =	sadd.s32 $0x80, s2  }
0xc9: {  	[tilespmem:s24], [sflag:$0x3] =	stream.indirect.gather [hbm4b:s4+s22], $0x80, s0, s22, $0xb8;
	[tilespmem:$0x1E800] =	vst v63  }
0xca: {  	_ =	swait.ge [sflag:s25], $0x3E80  }
0xcb: {  	[sflag:s25] =	ssyncset.done $0x0  }
0xcc: {  	s0 =	sadd.s32 $0x1400, s2;
	[sflag:s25] =	ssyncadd.s32 $0xFFFFC180  }
0xcd: {  	[spmem:s1] =	stream.indirect.scatter.add.f32 [tilespmem:s23], [sflag:$0x4], $0x80, s0, s22, $0xb8;
	[tilespmem:$0x1E800] =	vst v63  }
0xce: {  	_ =	swait.ge [sflag:s26], $0x3E80  }
0xcf: {  	[sflag:s26] =	ssyncset.done $0x0  }
0xd0: {  	s0 =	sadd.s32 $0x1480, s2;
	[sflag:s26] =	ssyncadd.s32 $0xFFFFC180  }
0xd1: {  	[spmem:s1] =	stream.indirect.scatter.add.f32 [tilespmem:s24], [sflag:$0x5], $0x80, s0, s22, $0xb8;
	[tilespmem:$0x1E800] =	vst v63  }
.Ltmp6:
0xd2: {  	_ =	swait.ge [sflag:s28], $0x3E80;
	(pc) =	sbr.rel @!p1 .LBB2_8-.Ltmp6, $4  }
0xd3: {  	[sflag:s28] =	ssyncset.done $0x0  }
0xd4: {  	[sflag:s28] =	ssyncadd.s32 $0xFFFFC180  }
0xd5: {  	_ =	swait.ge [sflag:s29], $0x3E80  }
0xd6: {  	s0 =	smov.u32 s18;
	[sflag:s29] =	ssyncset.done $0x0  }
0xd7: {  	s0 =	sshra.s32 s31, $0x2;
	[sflag:s29] =	ssyncadd.s32 $0xFFFFC180  }
0xd8: {  	[tilespmem:s23], [sflag:$0x2] =	stream.indirect.gather [hbm4b:s4+s22], $0x80, s0, s22, $0xb8;
	[tilespmem:$0x1E800] =	vst v63  }
0xd9: {  	s2 =	sadd.s32 $0x80, s0  }
0xda: {  	[tilespmem:s24], [sflag:$0x3] =	stream.indirect.gather [hbm4b:s4+s22], $0x80, s2, s22, $0xb8;
	[tilespmem:$0x1E800] =	vst v63  }
0xdb: {  	_ =	swait.ge [sflag:s25], $0x3E80  }
0xdc: {  	[sflag:s25] =	ssyncset.done $0x0  }
0xdd: {  	s18 =	sadd.s32 $0x1400, s0;
	[sflag:s25] =	ssyncadd.s32 $0xFFFFC180  }
0xde: {  	[spmem:s1] =	stream.indirect.scatter.add.f32 [tilespmem:s23], [sflag:$0x4], $0x80, s18, s22, $0xb8;
	[tilespmem:$0x1E800] =	vst v63  }
0xdf: {  	_ =	swait.ge [sflag:s26], $0x3E80  }
0xe0: {  	[sflag:s26] =	ssyncset.done $0x0  }
0xe1: {  	s0 =	sadd.s32 $0x1480, s0;
	[sflag:s26] =	ssyncadd.s32 $0xFFFFC180  }
0xe2: {  	[spmem:s1] =	stream.indirect.scatter.add.f32 [tilespmem:s24], [sflag:$0x5], $0x80, s0, s22, $0xb8;
	[tilespmem:$0x1E800] =	vst v63  }
0xe3: {  	_ =	swait.ge [sflag:s28], $0x3E80  }
0xe4: {  	[sflag:s28] =	ssyncset.done $0x0  }
0xe5: {  	[sflag:s28] =	ssyncadd.s32 $0xFFFFC180  }
0xe6: {  	_ =	swait.ge [sflag:s29], $0x3E80  }
0xe7: {  	[sflag:s29] =	ssyncset.done $0x0  }
0xe8: {  	[sflag:s29] =	ssyncadd.s32 $0xFFFFC180  }
0xe9: {  	[bflag:$0x0] =	sbarrier.arrive $0xFFFF  }
0xea: {  	s31 =	sor.u32 $0x1C06, s17;
	s9 =	rddreg [dreg:$0x4]  }
0xeb: {  	[hbm:s9], [sflag:s31] =	dma.local [spmem:s20], $0x2800  }
0xec: {  	_ =	swait.ge [sflag:s16], $0x2800  }
0xed: {  	[sflag:s16] =	ssyncset.done $0x0  }
0xee: {  	[sflag:s16] =	ssyncadd.s32 $0xFFFFD800  }
0xef: {  	[bflag:$0x0] =	sbarrier.arrive $0xFFFF  }
0xf0: {  	[spmem:s20], [sflag:s19] =	dma.local [hbm:s8], $0x2800  }
0xf1: {  	_ =	swait.ge [sflag:s21], $0x2800  }
0xf2: {  	[sflag:s21] =	ssyncset.done $0x0  }
0xf3: {  	[sflag:s21] =	ssyncadd.s32 $0xFFFFD800  }
0xf4: {  	s18 =	simm.s32 $0x0;
	[bflag:$0x0] =	sbarrier.arrive $0xFFFF  }
0xf5: {  	[tilespmem:s23], [sflag:$0x2] =	stream.indirect.gather [hbm4b:s5+s22], $0x80, s18, s22, $0xb8;
	[tilespmem:$0x1E800] =	vst v63  }
0xf6: {  	s2 =	simm.s32 $0x80  }
0xf7: {  	[tilespmem:s24], [sflag:$0x3] =	stream.indirect.gather [hbm4b:s5+s22], $0x80, s2, s22, $0xb8;
	[tilespmem:$0x1E800] =	vst v63  }
0xf8: {  	_ =	swait.ge [sflag:s25], $0x3E80  }
0xf9: {  	[sflag:s25] =	ssyncset.done $0x0  }
0xfa: {  	s9 =	simm.s32 $0x1400;
	[sflag:s25] =	ssyncadd.s32 $0xFFFFC180  }
0xfb: {  	[spmem:s1] =	stream.indirect.scatter.add.f32 [tilespmem:s23], [sflag:$0x4], $0x80, s9, s22, $0xb8;
	[tilespmem:$0x1E800] =	vst v63  }
0xfc: {  	_ =	swait.ge [sflag:s26], $0x3E80  }
0xfd: {  	[sflag:s26] =	ssyncset.done $0x0  }
0xfe: {  	s18 =	simm.s32 $0x1480;
	[sflag:s26] =	ssyncadd.s32 $0xFFFFC180  }
0xff: {  	[spmem:s1] =	stream.indirect.scatter.add.f32 [tilespmem:s24], [sflag:$0x5], $0x80, s18, s22, $0xb8;
	[tilespmem:$0x1E800] =	vst v63  }
0x100: {  	_ =	swait.ge [sflag:s28], $0x3E80  }
0x101: {  	[sflag:s28] =	ssyncset.done $0x0  }
0x102: {  	[sflag:s28] =	ssyncadd.s32 $0xFFFFC180  }
0x103: {  	_ =	swait.ge [sflag:s29], $0x3E80  }
0x104: {  	s0 =	simm.s32 $0x400;
	s2 =	simm.s32 $0x800;
	[sflag:s29] =	ssyncset.done $0x0  }
.LBB2_10:
0x105: {  	s9 =	sshra.s32 s0, $0x2  }
0x106: {  	[sflag:s29] =	ssyncadd.s32 $0xFFFFC180;
	s0 =	smov.u32 s2;
	s18 =	sadd.s32 $0x400, s2  }
0x107: {  	[tilespmem:s23], [sflag:$0x2] =	stream.indirect.gather [hbm4b:s5+s22], $0x80, s9, s22, $0xb8;
	[tilespmem:$0x1E800] =	vst v63  }
0x108: {  	p1 =	sne.s32 s2, $0x4C00;
	s2 =	sadd.s32 $0x80, s9  }
0x109: {  	[tilespmem:s24], [sflag:$0x3] =	stream.indirect.gather [hbm4b:s5+s22], $0x80, s2, s22, $0xb8;
	[tilespmem:$0x1E800] =	vst v63  }
0x10a: {  	_ =	swait.ge [sflag:s25], $0x3E80  }
0x10b: {  	[sflag:s25] =	ssyncset.done $0x0  }
0x10c: {  	s2 =	sadd.s32 $0x1400, s9;
	[sflag:s25] =	ssyncadd.s32 $0xFFFFC180  }
0x10d: {  	[spmem:s1] =	stream.indirect.scatter.add.f32 [tilespmem:s23], [sflag:$0x4], $0x80, s2, s22, $0xb8;
	[tilespmem:$0x1E800] =	vst v63  }
0x10e: {  	_ =	swait.ge [sflag:s26], $0x3E80  }
0x10f: {  	[sflag:s26] =	ssyncset.done $0x0  }
0x110: {  	s2 =	sadd.s32 $0x1480, s9;
	[sflag:s26] =	ssyncadd.s32 $0xFFFFC180  }
0x111: {  	[spmem:s1] =	stream.indirect.scatter.add.f32 [tilespmem:s24], [sflag:$0x5], $0x80, s2, s22, $0xb8;
	[tilespmem:$0x1E800] =	vst v63  }
.Ltmp7:
0x112: {  	_ =	swait.ge [sflag:s28], $0x3E80;
	(pc) =	sbr.rel @p1 .LBB2_10-.Ltmp7, $4  }
0x113: {  	[sflag:s28] =	ssyncset.done $0x0  }
0x114: {  	[sflag:s28] =	ssyncadd.s32 $0xFFFFC180  }
0x115: {  	_ =	swait.ge [sflag:s29], $0x3E80  }
0x116: {  	s2 =	smov.u32 s18;
	[sflag:s29] =	ssyncset.done $0x0  }
.Ltmp8:
0x117: {  	_ = 	snop;
	(pc) =	sbr.rel .LBB2_11-.Ltmp8, $1  }
0x118: {  	_ =	sdelay $0x3  }
.LBB2_13:
0x119: {  	_ =	sfence.sel $0x180000  }
0x11a: {  	[bflag:$0x0] =	sbarrier.arrive $0xFFFF  }
0x11b: {  	_ =	strace $0x9000004A  }
0x11c: {  	s0 =	stileid.u32;
	[bflag:$0x2] =	sbarrier.arrive $0xFFFF  }
0x11d: {  	p0 =	sne.s32 s0, $0x0;
	s0 =	rddreg [dreg:$0x3]  }
0x11e: {  	s0 =	sadd.s32 @!p0 $0x100000, s0  }
0x11f: {  	[sflag:s0] =	ssyncadd.tile.s32 @!p0 $0x1;
	_ =	shalt  }
.Lfunc_end2:
_tile_overlayer_lowered:
.L_overlay_start_2:
0x120: {  	(tag) =	ssettag $0x2  }
0x121: {  	s0 =	rddreg [dreg:$0x0];
	s2 =	stileid.u32  }
0x122: {  	s1 =	rddreg [dreg:$0x1];
	p0 =	sne.s32 s2, $0x0  }
0x123: {  	s3 =	rddreg [dreg:$0x2];
	[bflag:$0x3] =	sbarrier.arrive $0xFFFF;
	s2 =	simm.s32 @!p0 $0x1C06  }
0x124: {  	[timem:s3], [sflag:s2] =	dma.local @!p0 [hbm:s0], s1  }
0x125: {  	s0 =	simm.s32 @!p0 $0x6  }
0x126: {  	_ =	swait.ge @!p0 [sflag:s0], s1  }
0x127: {  	s1 =	ssub.s32 @!p0 $0x0, s1;
	[sflag:s0] =	ssyncset.done @!p0 $0x0  }
0x128: {  	[sflag:s0] =	ssyncadd.s32 @!p0 s1  }
0x129: {  	[bflag:$0x3] =	sbarrier.arrive $0xFFFF  }
0x12a: {  	_ =	shalt  }

// kernel: kernel.16.cloned.1.call-start
scs
__scs_entry_jumppad:
0x0: {  	(pc) =	sbr.rel $0x88, $3  }
0x1: {  	(tag) =	ssettag $0x0;
	lr =	simm.s32 $0x1  }
0x2: {  	[smem:$0x3F97] =	sst lr;
	_ =	strace $0xD0000000  }
0x3: {  	_ = 	snop  }
0x4: {  	_ = 	snop  }
0x5: {  	_ = 	snop  }
0x6: {  	_ = 	snop  }
0x7: {  	_ = 	snop  }
__scs_overlays_trampoline_lowered:
0x8: {  	[smem:$0x3FA6] =	sst s0  }
0x9: {  	[smem:$0x3FA7] =	sst s1  }
0xa: {  	[smem:$0x3FA8] =	sst s2  }
0xb: {  	[smem:$0x3FA9] =	sst s3  }
0xc: {  	[smem:$0x3FAA] =	sst s4  }
0xd: {  	[smem:$0x3FAB] =	sst s5  }
0xe: {  	[smem:$0x3FAC] =	sst s6  }
0xf: {  	[smem:$0x3FAD] =	sst s7  }
0x10: {  	[smem:$0x3FAE] =	sst s8  }
0x11: {  	[smem:$0x3FAF] =	sst s9;
	s0 =	simm.s32 @!p0 $0x0  }
0x12: {  	s1 =	sld [smem:$0x3F95];
	s0 =	simm.s32 @p0 $0x1  }
0x13: {  	[smem:$0x3FB0] =	sst s0;
	s0 =	simm.s32 @!p1 $0x0  }
0x14: {  	s2 =	sld [smem:$0x3F94];
	s0 =	simm.s32 @p1 $0x1  }
0x15: {  	[smem:$0x3FB1] =	sst s0;
	s0 =	simm.s32 @!p2 $0x0  }
0x16: {  	s3 =	sld [smem:$0x3FDB];
	s0 =	simm.s32 @p2 $0x1  }
0x17: {  	s4 =	simm.s32 $0x1BF5;
	[smem:$0x3FB3] =	sst s0  }
0x18: {  	s0 =	sld [smem:$0x3F96];
	_ =	swait.ge [sflag:s4], $0x0  }
0x19: {  	s7 =	sld [smem:$0x3F97]  }
0x1a: {  	s8 =	sadd.s32 $0xFFFFE003, lr  }
0x1b: {  	s9 =	sadd.s32 $0xFFFFFEF7, lr;
	s5 =	simm.s32 $0xFFFFFFFF;
	p2 =	slt.u32 s8, $0xFFFFF086  }
0x1c: {  	p1 =	slt.u32 s9, $0xF7A;
	s5 =	simm.s32 @!p2 $0x0  }
0x1d: {  	s5 =	simm.s32 @p1 $0x1;
	p0 =	seq.s32 s7, s2  }
0x1e: {  	s7 =	smul.u32 @!p0 $0xF7A, s2;
	p2 =	seq.s32 @!p0 s5, $0x0  }
0x1f: {  	s9 =	smul.u32 $0xF7A, s1;
	s8 =	simm.s32 @!p0 $0x1BF5;
	p2 =	por !p2, p0  }
0x20: {  	[sflag:s8] =	ssyncset.s32 @!p0 $0xFFFFF086;
	s6 =	sadd.s32 @!p0 s3, s7;
	s7 =	simm.s32 @!p0 $0x108  }
0x21: {  	s3 =	sadd.s32 s3, s9;
	s6 =	sadd.s32 @!p0 $0x88, s6;
	s7 =	simm.s32 @p2 $0x1082  }
0x22: {  	[simem:s7], [sflag:s8] =	dma.local @!p0 [hbm:s6], $0xF7A  }
0x23: {  	s9 =	sor.u32 $0xD0000000, s2;
	s6 =	simm.s32 $0x108;
	_ =	swait.ge @!p0 [sflag:s8], $0x0  }
0x24: {  	s3 =	sadd.s32 $0x88, s3;
	s6 =	simm.s32 @!p1 $0x1082;
	[sflag:s4] =	ssyncset.s32 $0xFFFFF086  }
0x25: {  	[simem:s6], [sflag:s4] =	dma.local [hbm:s3], $0xF7A  }
0x26: {  	[smem:$0x3F97] =	sst s1;
	(tag) =	ssettag s2;
	_ =	strace s9  }
0x27: {  	s1 =	sld [smem:$0x3FA7]  }
0x28: {  	s2 =	sld [smem:$0x3FA8]  }
0x29: {  	s4 =	sld [smem:$0x3FAA]  }
0x2a: {  	p0 =	seq.s32 s5, $0x0;
	s5 =	sld [smem:$0x3FAB]  }
0x2b: {  	s6 =	sld [smem:$0x3FAC]  }
0x2c: {  	s7 =	sld [smem:$0x3FAD]  }
0x2d: {  	s3 =	simm.s32 $0x108;
	s8 =	sld [smem:$0x3FAE]  }
0x2e: {  	s3 =	simm.s32 @!p0 $0x1082;
	s9 =	sld [smem:$0x3FAF]  }
0x2f: {  	lr =	sadd.s32 s0, s3;
	s0 =	sld [smem:$0x3FA6]  }
0x30: {  	s3 =	sld [smem:$0x3FA9]  }
0x31: {  	[smem:$0x3FB2] =	sst s10  }
0x32: {  	s10 =	sld [smem:$0x3FB0];
	_ =	sdelay $0x3  }
0x33: {  	p0 =	seq.s32 s10, $0x1;
	s10 =	sld [smem:$0x3FB2];
	_ =	sdelay $0x3  }
0x34: {  	[smem:$0x3FB2] =	sst s10  }
0x35: {  	s10 =	sld [smem:$0x3FB1];
	_ =	sdelay $0x3  }
0x36: {  	p1 =	seq.s32 s10, $0x1;
	s10 =	sld [smem:$0x3FB2];
	_ =	sdelay $0x3  }
0x37: {  	[smem:$0x3FB2] =	sst s10  }
0x38: {  	s10 =	sld [smem:$0x3FB3]  }
0x39: {  	_ = 	snop;
	(pc) =	sbr.ind lr, $3  }
0x3a: {  	_ = 	snop  }
0x3b: {  	_ = 	snop  }
0x3c: {  	p2 =	seq.s32 s10, $0x1;
	s10 =	sld [smem:$0x3FB2]  }
0x3d: {  	_ =	shalt  }
0x3e: {  	_ =	shalt  }
0x3f: {  	_ =	shalt  }
0x40: {  	_ =	shalt  }
0x41: {  	_ =	shalt  }
0x42: {  	_ =	shalt  }
0x43: {  	_ =	shalt  }
0x44: {  	_ =	shalt  }
0x45: {  	_ =	shalt  }
0x46: {  	_ =	shalt  }
0x47: {  	_ =	shalt  }
0x48: {  	_ =	shalt  }
0x49: {  	_ =	shalt  }
0x4a: {  	_ =	shalt  }
0x4b: {  	_ =	shalt  }
0x4c: {  	_ =	shalt  }
0x4d: {  	_ =	shalt  }
0x4e: {  	_ =	shalt  }
0x4f: {  	_ =	shalt  }
0x50: {  	_ =	shalt  }
0x51: {  	_ =	shalt  }
0x52: {  	_ =	shalt  }
0x53: {  	_ =	shalt  }
0x54: {  	_ =	shalt  }
0x55: {  	_ =	shalt  }
0x56: {  	_ =	shalt  }
0x57: {  	_ =	shalt  }
0x58: {  	_ =	shalt  }
0x59: {  	_ =	shalt  }
0x5a: {  	_ =	shalt  }
0x5b: {  	_ =	shalt  }
0x5c: {  	_ =	shalt  }
0x5d: {  	_ =	shalt  }
0x5e: {  	_ =	shalt  }
0x5f: {  	_ =	shalt  }
0x60: {  	_ =	shalt  }
0x61: {  	_ =	shalt  }
0x62: {  	_ =	shalt  }
0x63: {  	_ =	shalt  }
0x64: {  	_ =	shalt  }
0x65: {  	_ =	shalt  }
0x66: {  	_ =	shalt  }
0x67: {  	_ =	shalt  }
0x68: {  	_ =	shalt  }
0x69: {  	_ =	shalt  }
0x6a: {  	_ =	shalt  }
0x6b: {  	_ =	shalt  }
0x6c: {  	_ =	shalt  }
0x6d: {  	_ =	shalt  }
0x6e: {  	_ =	shalt  }
0x6f: {  	_ =	shalt  }
0x70: {  	_ =	shalt  }
0x71: {  	_ =	shalt  }
0x72: {  	_ =	shalt  }
0x73: {  	_ =	shalt  }
0x74: {  	_ =	shalt  }
0x75: {  	_ =	shalt  }
0x76: {  	_ =	shalt  }
0x77: {  	_ =	shalt  }
0x78: {  	_ =	shalt  }
0x79: {  	_ =	shalt  }
0x7a: {  	_ =	shalt  }
0x7b: {  	_ =	shalt  }
0x7c: {  	_ =	shalt  }
0x7d: {  	_ =	shalt  }
0x7e: {  	_ =	shalt  }
0x7f: {  	_ =	shalt  }
0x80: {  	_ =	shalt  }
0x81: {  	_ =	shalt  }
0x82: {  	_ =	shalt  }
0x83: {  	_ =	shalt  }
0x84: {  	_ =	shalt  }
0x85: {  	_ =	shalt  }
0x86: {  	_ =	shalt  }
0x87: {  	_ =	shalt  }
.Lfunc_end0:
.L_simem_size_0:
called_computation.2_lowered:
.L_overlay_start_0:
0x88: {  	s2 =	sld [smem:$0x3FD9]  }
0x89: {  	s3 =	sld [smem:$0x3FFE];
	_ =	sdelay $0x1  }
0x8a: {  	s1 =	srdreg.scid  }
0x8b: {  	s0 =	sand.u32 $0x1, s1  }
0x8c: {  	s17 =	sshll.u32 s0, $0xA;
	s2 =	sadd.s32 s3, s2  }
0x8d: {  	s2 =	sadd.s32 s2, s17  }
0x8e: {  	[smem:$0x3FBE] =	sst s2  }
0x8f: {  	_ = 	snop  }
0x90: {  	s2 =	sld [smem:$0x3FD0];
	(tm) =	ssettm $0x1  }
0x91: {  	s18 =	sld [smem:$0x3FFB];
	_ =	sdelay $0x3  }
0x92: {  	_ =	strace s18  }
0x93: {  	s3 =	sld [smem:$0x3FFC];
	_ =	sdelay $0x3  }
0x94: {  	_ =	strace s3  }
0x95: {  	s3 =	sld [smem:$0x3FFD];
	_ =	sdelay $0x3  }
0x96: {  	_ =	strace s3  }
0x97: {  	_ =	strace $0x8FFFFFFF  }
0x98: {  	s19 =	sld [smem:$0x3FDB];
	_ =	sdelay $0x1  }
0x99: {  	s4 =	simm.s32 $_scs_section_size  }
0x9a: {  	s5 =	simm.s32 $_size__tile_overlayer_lowered;
	s6 =	simm.s32 $_tile_overlayer_lowered  }
0x9b: {  	s22 =	simm.s32 $0x1BFF;
	s21 =	sshll.u32 s6, $0x1;
	s3 =	sadd.s32 s4, s19  }
0x9c: {  	s7 =	simm.s32 $0x0;
	s20 =	sshll.u32 s5, $0x1;
	s5 =	sadd.s32 s21, s3  }
0x9d: {  	[timem:s7], [sflag:s22] =	dma.local [hbm:s5], s20  }
0x9e: {  	_ =	swait.ge [sflag:s22], s20  }
0x9f: {  	s4 =	ssub.s32 $0x0, s20;
	[sflag:s22] =	ssyncset.done $0x0  }
0xa0: {  	[sflag:s22] =	ssyncadd.s32 s4;
	_ =	sdelay $0x1  }
0xa1: {  	s23 =	simm.s32 $0x1B8B  }
0xa2: {  	_ =	swait.ge [sflag:s23], $0x1  }
0xa3: {  	[sflag:s23] =	ssyncset.done $0x0  }
0xa4: {  	s25 =	simm.s32 $0x1B8E;
	s24 =	sld [smem:$0x3FFE];
	[sflag:s23] =	ssyncadd.s32 $0xFFFFFFFF  }
0xa5: {  	s26 =	simm.s32 $execute0_lowered;
	[smem:$0x3FD2] =	sst s25  }
0xa6: {  	s5 =	sshll.u32 s26, $0x1;
	_ =	strace $0x8000004C;
	[dreg:$0x1] =	wrdreg $0xFFFFFFFF  }
0xa7: {  	s28 =	simm.s32 $_size_execute0_lowered;
	s3 =	sadd.s32 s3, s5;
	[dreg:$0x0] =	wrdreg $0x0  }
0xa8: {  	s5 =	sshll.u32 s28, $0x1;
	[dreg:$0x2] =	wrdreg s3  }
0xa9: {  	[dreg:$0x3] =	wrdreg s5  }
0xaa: {  	[dreg:$0x4] =	wrdreg $0xC0  }
0xab: {  	_ =	task [dreg:s7], $0x5FFFF  }
0xac: {  	[dreg:$0x1] =	wrdreg $0xFFFFFFFF  }
0xad: {  	[dreg:$0x0] =	wrdreg $0x60  }
0xae: {  	[dreg:$0x2] =	wrdreg s24  }
0xaf: {  	[dreg:$0x3] =	wrdreg s2  }
0xb0: {  	[dreg:$0x4] =	wrdreg $0xA8000  }
0xb1: {  	[dreg:$0x5] =	wrdreg $0x9  }
0xb2: {  	_ =	task.clear_ibuf [dreg:s7], $0x6FFFF;
	_ =	strace $0x9000004C  }
0xb3: {  	s29 =	simm.s32 $0x9;
	_ =	strace $0x8000004E  }
0xb4: {  	_ =	swait.ge [sflag:s29], $0x1  }
0xb5: {  	[sflag:s29] =	ssyncadd.s32 $0xFFFFFFFF  }
0xb6: {  	_ =	strace $0x9000004E  }
0xb7: {  	_ =	sfence  }
0xb8: {  	s30 =	sld [smem:$0x0];
	_ =	sdelay $0x2  }
0xb9: {  	s31 =	sshll.u32 s1, $0xD;
	s1 =	sshrl.u32 s1, $0x2  }
0xba: {  	s3 =	sand.u32 $0x4000, s31;
	s1 =	sadd.s32 s1, s30  }
0xbb: {  	s0 =	sor.u32 s3, s0;
	s1 =	sshll.u32 s1, $0x11  }
0xbc: {  	s0 =	sor.u32 s1, s0  }
0xbd: {  	s0 =	sadd.s32 $0x8F2B, s0  }
0xbe: {  	[sflag:s0] =	ssyncadd.remote.s32 $0x1  }
0xbf: {  	_ =	sfence.sel $0xFFFF  }
0xc0: {  	[dreg:$0x0] =	wrdreg $0xFFFFFFFF;
	(pc) =	sbr.abs _section_cstart, $3  }
0xc1: {  	[dreg:$0x1] =	wrdreg $0xFFFFFFFF  }
0xc2: {  	_ =	task.clear_ibuf [dreg:s7], $0x2FFFF;
	_ =	strace $0x9FFFFFFF  }
0xc3: {  	(tm) =	ssettm $0x7FFFFFFF  }
tec
execute0_lowered:
.L_overlay_start_1:
0x0: {  	(tag) =	ssettag $0x1  }
0x1: {  	s7 =	rddreg [dreg:$0x0]  }
0x2: {  	s9 =	rddreg [dreg:$0x1]  }
0x3: {  	s0 =	srdreg.scid;
	s2 =	rddreg [dreg:$0x2]  }
0x4: {  	s1 =	stileid.u32;
	s3 =	simm.s32 $0x0;
	s18 =	simm.s32 $0x1  }
0x5: {  	s19 =	simm.s32 $0x7D;
	s20 =	simm.s32 $0x2800;
	s21 =	simm.s32 $0x6800  }
0x6: {  	s22 =	simm.s32 $0x2;
	s23 =	simm.s32 $0x3;
	s24 =	simm.s32 $0x4  }
0x7: {  	s25 =	simm.s32 $0x5;
	s10 =	sand.u32 $0x1, s0;
	s0 =	rddreg [dreg:$0x3]  }
0x8: {  	s26 =	simm.s32 $0x0;
	s4 =	smul.u32 $0x2800, s1;
	[smem:$0x7FF] =	sst s3  }
0x9: {  	s6 =	sadd.s32 $0x54E00, s7;
	s15 =	smul.u32 $0x50000, s1;
	s5 =	sshll.u32 s10, $0x4  }
0xa: {  	_ =	strace $0x8000004D;
	s13 =	ssub.s32 $0x2, s10;
	p0 =	seq.s32 s10, $0x1  }
0xb: {  	s5 =	sor.u32 s1, s5;
	s12 =	sadd.s32 s4, s7;
	s14 =	sshrl.u32 s13, $0x1  }
0xc: {  	s31 =	sshrl.u32 s15, $0x2;
	s15 =	simm.s32 $0x1400;
	s11 =	smul.u32 $0x280, s5  }
.Ltmp0:
0xd: {  	s5 =	sadd.s32 $0x2CE00, s7;
	s13 =	ssub.s32 s13, s14;
	(pc) =	sbr.rel .LBB2_1-.Ltmp0, $4  }
0xe: {  	s17 =	sadd.s32 s31, s2;
	s14 =	sshll.u32 s1, $0x6;
	s10 =	sadd.s32 s5, s4  }
0xf: {  	s16 =	sor.u32 $0x1C01, s14;
	s17 =	sshrl.u32 s17, $0x3;
	s8 =	sadd.s32 s11, s7  }
0x10: {  	s7 =	sadd.s32 $0xAA600, s7;
	s9 =	sadd.s32 s9, s11;
	s11 =	sadd.s32 $0x4E00, s12  }
0x11: {  	s12 =	smax.u32 s13, $0x1;
	s13 =	simm.s32 $0x6;
	s8 =	sadd.s32 $0x7D600, s8  }
.LBB2_7:
0x12: {  	s28 =	sshra.s32 s28, $0x2;
	[sflag:s25] =	ssyncadd.s32 $0xFFFFC180  }
0x13: {  	[tilespmem:s20], [sflag:$0x2] =	stream.indirect.gather [hbm4b:s5+s19], $0x80, s28, s19, $0xb8;
	[tilespmem:$0x1E800] =	vst v63  }
0x14: {  	s29 =	sadd.s32 $0x80, s28  }
0x15: {  	[tilespmem:s21], [sflag:$0x3] =	stream.indirect.gather [hbm4b:s5+s19], $0x80, s29, s19, $0xb8;
	[tilespmem:$0x1E800] =	vst v63  }
0x16: {  	_ =	swait.ge [sflag:s22], $0x3E80  }
0x17: {  	[sflag:s22] =	ssyncset.done $0x0  }
0x18: {  	s31 =	sadd.s32 $0x1400, s28;
	[sflag:s22] =	ssyncadd.s32 $0xFFFFC180  }
0x19: {  	[spmem:s2] =	stream.indirect.scatter.add.f32 [tilespmem:s20], [sflag:$0x4], $0x80, s31, s19, $0xb8;
	[tilespmem:$0x1E800] =	vst v63  }
0x1a: {  	_ =	swait.ge [sflag:s23], $0x3E80  }
0x1b: {  	[sflag:s23] =	ssyncset.done $0x0  }
0x1c: {  	s28 =	sadd.s32 $0x1480, s28;
	[sflag:s23] =	ssyncadd.s32 $0xFFFFC180  }
0x1d: {  	[spmem:s2] =	stream.indirect.scatter.add.f32 [tilespmem:s21], [sflag:$0x5], $0x80, s28, s19, $0xb8;
	[tilespmem:$0x1E800] =	vst v63  }
0x1e: {  	_ =	swait.ge [sflag:s24], $0x3E80  }
0x1f: {  	[sflag:s24] =	ssyncset.done $0x0  }
0x20: {  	[sflag:s24] =	ssyncadd.s32 $0xFFFFC180  }
0x21: {  	_ =	swait.ge [sflag:s25], $0x3E80  }
0x22: {  	[sflag:s25] =	ssyncset.done $0x0  }
0x23: {  	s28 =	smov.u32 s7;
	[sflag:s25] =	ssyncadd.s32 $0xFFFFC180  }
.LBB2_8:
0x24: {  	s26 =	sadd.s32 $0x1, s26  }
0x25: {  	s28 =	sadd.s32 s28, s4;
	p1 =	sne.s32 s26, s12  }
.Ltmp1:
0x26: {  	[bflag:$0x0] =	sbarrier.arrive $0xFFFF;
	s29 =	sor.u32 $0x1C06, s14;
	(pc) =	sbr.rel @!p1 .LBB2_9-.Ltmp1, $4  }
0x27: {  	[hbm:s28], [sflag:s29] =	dma.local [spmem:s17], $0x2800  }
0x28: {  	_ =	swait.ge [sflag:s13], $0x2800  }
0x29: {  	[sflag:s13] =	ssyncset.done $0x0  }
0x2a: {  	[sflag:s13] =	ssyncadd.s32 $0xFFFFD800  }
.LBB2_1:
0x2b: {  	[tilespmem:s3], [sflag:$0x6] =	stream.linear.gather [hbm4b:s8+s3], $0x1400, $0x38;
	[tilespmem:$0x1E800] =	vst v63  }
0x2c: {  	_ =	swait.ge [sflag:s13], $0x1400  }
0x2d: {  	[sflag:s13] =	ssyncset.done $0x0  }
.Ltmp2:
0x2e: {  	[sflag:s13] =	ssyncadd.s32 $0xFFFFEC00;
	(pc) =	sbr.rel @!p0 .LBB2_2-.Ltmp2, $4  }
0x2f: {  	[tilespmem:s15], [sflag:$0x6] =	stream.linear.gather [hbm4b:s9+s3], $0x1400, $0x38;
	[tilespmem:$0x1E800] =	vst v63  }
0x30: {  	_ =	swait.ge [sflag:s13], $0x1400  }
0x31: {  	[sflag:s13] =	ssyncset.done $0x0  }
0x32: {  	[sflag:s13] =	ssyncadd.s32 $0xFFFFEC00  }
0x33: {  	[spmem:s17], [sflag:s16] =	dma.local [hbm:s11], $0x2800  }
0x34: {  	_ =	swait.ge [sflag:s18], $0x2800  }
0x35: {  	[sflag:s18] =	ssyncset.done $0x0  }
0x36: {  	[sflag:s18] =	ssyncadd.s32 $0xFFFFD800  }
0x37: {  	s28 =	simm.s32 $0x0;
	[bflag:$0x0] =	sbarrier.arrive $0xFFFF  }
0x38: {  	[tilespmem:s20], [sflag:$0x2] =	stream.indirect.gather [hbm4b:s5+s19], $0x80, s28, s19, $0xb8;
	[tilespmem:$0x1E800] =	vst v63  }
0x39: {  	s28 =	simm.s32 $0x80  }
0x3a: {  	[tilespmem:s21], [sflag:$0x3] =	stream.indirect.gather [hbm4b:s5+s19], $0x80, s28, s19, $0xb8;
	[tilespmem:$0x1E800] =	vst v63  }
0x3b: {  	_ =	swait.ge [sflag:s22], $0x3E80  }
0x3c: {  	[sflag:s22] =	ssyncset.done $0x0  }
0x3d: {  	s28 =	simm.s32 $0x1400;
	[sflag:s22] =	ssyncadd.s32 $0xFFFFC180  }
0x3e: {  	[spmem:s2] =	stream.indirect.scatter.add.f32 [tilespmem:s20], [sflag:$0x4], $0x80, s28, s19, $0xb8;
	[tilespmem:$0x1E800] =	vst v63  }
0x3f: {  	_ =	swait.ge [sflag:s23], $0x3E80  }
0x40: {  	[sflag:s23] =	ssyncset.done $0x0  }
0x41: {  	s28 =	simm.s32 $0x1480;
	[sflag:s23] =	ssyncadd.s32 $0xFFFFC180  }
0x42: {  	[spmem:s2] =	stream.indirect.scatter.add.f32 [tilespmem:s21], [sflag:$0x5], $0x80, s28, s19, $0xb8;
	[tilespmem:$0x1E800] =	vst v63  }
0x43: {  	_ =	swait.ge [sflag:s24], $0x3E80  }
0x44: {  	[sflag:s24] =	ssyncset.done $0x0  }
0x45: {  	[sflag:s24] =	ssyncadd.s32 $0xFFFFC180  }
0x46: {  	_ =	swait.ge [sflag:s25], $0x3E80  }
0x47: {  	s29 =	simm.s32 $0x800;
	s28 =	simm.s32 $0x400;
	[sflag:s25] =	ssyncset.done $0x0  }
.LBB2_6:
0x48: {  	s30 =	sshra.s32 s28, $0x2  }
0x49: {  	[sflag:s25] =	ssyncadd.s32 $0xFFFFC180;
	s28 =	smov.u32 s29;
	s31 =	sadd.s32 $0x400, s29  }
0x4a: {  	[tilespmem:s20], [sflag:$0x2] =	stream.indirect.gather [hbm4b:s5+s19], $0x80, s30, s19, $0xb8;
	[tilespmem:$0x1E800] =	vst v63  }
0x4b: {  	p1 =	sne.s32 s29, $0x4C00;
	s29 =	sadd.s32 $0x80, s30  }
0x4c: {  	[tilespmem:s21], [sflag:$0x3] =	stream.indirect.gather [hbm4b:s5+s19], $0x80, s29, s19, $0xb8;
	[tilespmem:$0x1E800] =	vst v63  }
0x4d: {  	_ =	swait.ge [sflag:s22], $0x3E80  }
0x4e: {  	[sflag:s22] =	ssyncset.done $0x0  }
0x4f: {  	s29 =	sadd.s32 $0x1400, s30;
	[sflag:s22] =	ssyncadd.s32 $0xFFFFC180  }
0x50: {  	[spmem:s2] =	stream.indirect.scatter.add.f32 [tilespmem:s20], [sflag:$0x4], $0x80, s29, s19, $0xb8;
	[tilespmem:$0x1E800] =	vst v63  }
0x51: {  	_ =	swait.ge [sflag:s23], $0x3E80  }
0x52: {  	[sflag:s23] =	ssyncset.done $0x0  }
0x53: {  	s29 =	sadd.s32 $0x1480, s30;
	[sflag:s23] =	ssyncadd.s32 $0xFFFFC180  }
0x54: {  	[spmem:s2] =	stream.indirect.scatter.add.f32 [tilespmem:s21], [sflag:$0x5], $0x80, s29, s19, $0xb8;
	[tilespmem:$0x1E800] =	vst v63  }
.Ltmp3:
0x55: {  	_ =	swait.ge [sflag:s24], $0x3E80;
	(pc) =	sbr.rel @p1 .LBB2_6-.Ltmp3, $4  }
0x56: {  	[sflag:s24] =	ssyncset.done $0x0  }
0x57: {  	[sflag:s24] =	ssyncadd.s32 $0xFFFFC180  }
0x58: {  	_ =	swait.ge [sflag:s25], $0x3E80  }
0x59: {  	s29 =	smov.u32 s31;
	[sflag:s25] =	ssyncset.done $0x0  }
.Ltmp4:
0x5a: {  	_ = 	snop;
	(pc) =	sbr.rel .LBB2_7-.Ltmp4, $1  }
0x5b: {  	_ =	sdelay $0x3  }
.LBB2_2:
0x5c: {  	[spmem:s17], [sflag:s16] =	dma.local [hbm:s10], $0x2800  }
0x5d: {  	_ =	swait.ge [sflag:s18], $0x2800  }
0x5e: {  	[sflag:s18] =	ssyncset.done $0x0  }
0x5f: {  	[sflag:s18] =	ssyncadd.s32 $0xFFFFD800  }
0x60: {  	s28 =	simm.s32 $0x0;
	[bflag:$0x0] =	sbarrier.arrive $0xFFFF  }
0x61: {  	[tilespmem:s20], [sflag:$0x2] =	stream.indirect.gather [hbm4b:s5+s19], $0x80, s28, s19, $0xb8;
	[tilespmem:$0x1E800] =	vst v63  }
0x62: {  	s28 =	simm.s32 $0x80  }
0x63: {  	[tilespmem:s21], [sflag:$0x3] =	stream.indirect.gather [hbm4b:s5+s19], $0x80, s28, s19, $0xb8;
	[tilespmem:$0x1E800] =	vst v63  }
0x64: {  	_ =	swait.ge [sflag:s22], $0x3E80  }
0x65: {  	[sflag:s22] =	ssyncset.done $0x0  }
0x66: {  	s28 =	simm.s32 $0x1400;
	[sflag:s22] =	ssyncadd.s32 $0xFFFFC180  }
0x67: {  	[spmem:s2] =	stream.indirect.scatter.add.f32 [tilespmem:s20], [sflag:$0x4], $0x80, s28, s19, $0xb8;
	[tilespmem:$0x1E800] =	vst v63  }
0x68: {  	_ =	swait.ge [sflag:s23], $0x3E80  }
0x69: {  	[sflag:s23] =	ssyncset.done $0x0  }
0x6a: {  	s28 =	simm.s32 $0x1480;
	[sflag:s23] =	ssyncadd.s32 $0xFFFFC180  }
0x6b: {  	[spmem:s2] =	stream.indirect.scatter.add.f32 [tilespmem:s21], [sflag:$0x5], $0x80, s28, s19, $0xb8;
	[tilespmem:$0x1E800] =	vst v63  }
0x6c: {  	_ =	swait.ge [sflag:s24], $0x3E80  }
0x6d: {  	[sflag:s24] =	ssyncset.done $0x0  }
0x6e: {  	[sflag:s24] =	ssyncadd.s32 $0xFFFFC180  }
0x6f: {  	_ =	swait.ge [sflag:s25], $0x3E80  }
0x70: {  	s29 =	simm.s32 $0x800;
	s28 =	simm.s32 $0x400;
	[sflag:s25] =	ssyncset.done $0x0  }
.LBB2_3:
0x71: {  	s30 =	sshra.s32 s28, $0x2  }
0x72: {  	[sflag:s25] =	ssyncadd.s32 $0xFFFFC180;
	s28 =	smov.u32 s29;
	s31 =	sadd.s32 $0x400, s29  }
0x73: {  	[tilespmem:s20], [sflag:$0x2] =	stream.indirect.gather [hbm4b:s5+s19], $0x80, s30, s19, $0xb8;
	[tilespmem:$0x1E800] =	vst v63  }
0x74: {  	p1 =	seq.s32 s29, $0x4C00;
	s29 =	sadd.s32 $0x80, s30  }
0x75: {  	[tilespmem:s21], [sflag:$0x3] =	stream.indirect.gather [hbm4b:s5+s19], $0x80, s29, s19, $0xb8;
	[tilespmem:$0x1E800] =	vst v63  }
0x76: {  	_ =	swait.ge [sflag:s22], $0x3E80  }
0x77: {  	[sflag:s22] =	ssyncset.done $0x0  }
0x78: {  	s29 =	sadd.s32 $0x1400, s30;
	[sflag:s22] =	ssyncadd.s32 $0xFFFFC180  }
0x79: {  	[spmem:s2] =	stream.indirect.scatter.add.f32 [tilespmem:s20], [sflag:$0x4], $0x80, s29, s19, $0xb8;
	[tilespmem:$0x1E800] =	vst v63  }
0x7a: {  	_ =	swait.ge [sflag:s23], $0x3E80  }
0x7b: {  	[sflag:s23] =	ssyncset.done $0x0  }
0x7c: {  	s29 =	sadd.s32 $0x1480, s30;
	[sflag:s23] =	ssyncadd.s32 $0xFFFFC180  }
0x7d: {  	[spmem:s2] =	stream.indirect.scatter.add.f32 [tilespmem:s21], [sflag:$0x5], $0x80, s29, s19, $0xb8;
	[tilespmem:$0x1E800] =	vst v63  }
.Ltmp5:
0x7e: {  	_ =	swait.ge [sflag:s24], $0x3E80;
	(pc) =	sbr.rel @!p1 .LBB2_3-.Ltmp5, $4  }
0x7f: {  	[sflag:s24] =	ssyncset.done $0x0  }
0x80: {  	[sflag:s24] =	ssyncadd.s32 $0xFFFFC180  }
0x81: {  	_ =	swait.ge [sflag:s25], $0x3E80  }
0x82: {  	s29 =	smov.u32 s31;
	[sflag:s25] =	ssyncset.done $0x0  }
0x83: {  	s28 =	sshra.s32 s28, $0x2;
	[sflag:s25] =	ssyncadd.s32 $0xFFFFC180  }
0x84: {  	[tilespmem:s20], [sflag:$0x2] =	stream.indirect.gather [hbm4b:s5+s19], $0x80, s28, s19, $0xb8;
	[tilespmem:$0x1E800] =	vst v63  }
0x85: {  	s29 =	sadd.s32 $0x80, s28  }
0x86: {  	[tilespmem:s21], [sflag:$0x3] =	stream.indirect.gather [hbm4b:s5+s19], $0x80, s29, s19, $0xb8;
	[tilespmem:$0x1E800] =	vst v63  }
0x87: {  	_ =	swait.ge [sflag:s22], $0x3E80  }
0x88: {  	[sflag:s22] =	ssyncset.done $0x0  }
0x89: {  	s31 =	sadd.s32 $0x1400, s28;
	[sflag:s22] =	ssyncadd.s32 $0xFFFFC180  }
0x8a: {  	[spmem:s2] =	stream.indirect.scatter.add.f32 [tilespmem:s20], [sflag:$0x4], $0x80, s31, s19, $0xb8;
	[tilespmem:$0x1E800] =	vst v63  }
0x8b: {  	_ =	swait.ge [sflag:s23], $0x3E80  }
0x8c: {  	[sflag:s23] =	ssyncset.done $0x0  }
0x8d: {  	s28 =	sadd.s32 $0x1480, s28;
	[sflag:s23] =	ssyncadd.s32 $0xFFFFC180  }
0x8e: {  	[spmem:s2] =	stream.indirect.scatter.add.f32 [tilespmem:s21], [sflag:$0x5], $0x80, s28, s19, $0xb8;
	[tilespmem:$0x1E800] =	vst v63  }
0x8f: {  	_ =	swait.ge [sflag:s24], $0x3E80  }
.Ltmp6:
0x90: {  	[sflag:s24] =	ssyncset.done $0x0;
	(pc) =	sbr.rel .LBB2_8-.Ltmp6, $4  }
0x91: {  	[sflag:s24] =	ssyncadd.s32 $0xFFFFC180  }
0x92: {  	_ =	swait.ge [sflag:s25], $0x3E80  }
0x93: {  	[sflag:s25] =	ssyncset.done $0x0  }
0x94: {  	s28 =	smov.u32 s6;
	[sflag:s25] =	ssyncadd.s32 $0xFFFFC180  }
.LBB2_9:
0x95: {  	_ =	sfence.sel $0x180000  }
0x96: {  	[bflag:$0x0] =	sbarrier.arrive $0xFFFF  }
0x97: {  	p0 =	sne.s32 s1, $0x0;
	_ =	strace $0x9000004D  }
0x98: {  	s0 =	sadd.s32 @!p0 $0x100000, s0;
	[bflag:$0x2] =	sbarrier.arrive $0xFFFF  }
0x99: {  	[sflag:s0] =	ssyncadd.tile.s32 @!p0 $0x1;
	_ =	shalt  }
.Lfunc_end2:
_tile_overlayer_lowered:
.L_overlay_start_2:
0x9a: {  	(tag) =	ssettag $0x2  }
0x9b: {  	s0 =	rddreg [dreg:$0x0];
	s2 =	stileid.u32  }
0x9c: {  	s1 =	rddreg [dreg:$0x1];
	p0 =	sne.s32 s2, $0x0  }
0x9d: {  	s3 =	rddreg [dreg:$0x2];
	[bflag:$0x3] =	sbarrier.arrive $0xFFFF;
	s2 =	simm.s32 @!p0 $0x1C06  }
0x9e: {  	[timem:s3], [sflag:s2] =	dma.local @!p0 [hbm:s0], s1  }
0x9f: {  	s0 =	simm.s32 @!p0 $0x6  }
0xa0: {  	_ =	swait.ge @!p0 [sflag:s0], s1  }
0xa1: {  	s1 =	ssub.s32 @!p0 $0x0, s1;
	[sflag:s0] =	ssyncset.done @!p0 $0x0  }
0xa2: {  	[sflag:s0] =	ssyncadd.s32 @!p0 s1  }
0xa3: {  	[bflag:$0x3] =	sbarrier.arrive $0xFFFF  }
0xa4: {  	_ =	shalt  }

// kernel: kernel.19.cloned.1.call-start
scs
__scs_entry_jumppad:
0x0: {  	(pc) =	sbr.rel $0x88, $3  }
0x1: {  	(tag) =	ssettag $0x0;
	lr =	simm.s32 $0x1  }
0x2: {  	[smem:$0x3F97] =	sst lr;
	_ =	strace $0xD0000000  }
0x3: {  	_ = 	snop  }
0x4: {  	_ = 	snop  }
0x5: {  	_ = 	snop  }
0x6: {  	_ = 	snop  }
0x7: {  	_ = 	snop  }
__scs_overlays_trampoline_lowered:
0x8: {  	[smem:$0x3FA6] =	sst s0  }
0x9: {  	[smem:$0x3FA7] =	sst s1  }
0xa: {  	[smem:$0x3FA8] =	sst s2  }
0xb: {  	[smem:$0x3FA9] =	sst s3  }
0xc: {  	[smem:$0x3FAA] =	sst s4  }
0xd: {  	[smem:$0x3FAB] =	sst s5  }
0xe: {  	[smem:$0x3FAC] =	sst s6  }
0xf: {  	[smem:$0x3FAD] =	sst s7  }
0x10: {  	[smem:$0x3FAE] =	sst s8  }
0x11: {  	[smem:$0x3FAF] =	sst s9;
	s0 =	simm.s32 @!p0 $0x0  }
0x12: {  	s1 =	sld [smem:$0x3F95];
	s0 =	simm.s32 @p0 $0x1  }
0x13: {  	[smem:$0x3FB0] =	sst s0;
	s0 =	simm.s32 @!p1 $0x0  }
0x14: {  	s2 =	sld [smem:$0x3F94];
	s0 =	simm.s32 @p1 $0x1  }
0x15: {  	[smem:$0x3FB1] =	sst s0;
	s0 =	simm.s32 @!p2 $0x0  }
0x16: {  	s3 =	sld [smem:$0x3FDB];
	s0 =	simm.s32 @p2 $0x1  }
0x17: {  	s4 =	simm.s32 $0x1BF5;
	[smem:$0x3FB3] =	sst s0  }
0x18: {  	s0 =	sld [smem:$0x3F96];
	_ =	swait.ge [sflag:s4], $0x0  }
0x19: {  	s7 =	sld [smem:$0x3F97]  }
0x1a: {  	s8 =	sadd.s32 $0xFFFFE003, lr  }
0x1b: {  	s9 =	sadd.s32 $0xFFFFFEF7, lr;
	s5 =	simm.s32 $0xFFFFFFFF;
	p2 =	slt.u32 s8, $0xFFFFF086  }
0x1c: {  	p1 =	slt.u32 s9, $0xF7A;
	s5 =	simm.s32 @!p2 $0x0  }
0x1d: {  	s5 =	simm.s32 @p1 $0x1;
	p0 =	seq.s32 s7, s2  }
0x1e: {  	s7 =	smul.u32 @!p0 $0xF7A, s2;
	p2 =	seq.s32 @!p0 s5, $0x0  }
0x1f: {  	s9 =	smul.u32 $0xF7A, s1;
	s8 =	simm.s32 @!p0 $0x1BF5;
	p2 =	por !p2, p0  }
0x20: {  	[sflag:s8] =	ssyncset.s32 @!p0 $0xFFFFF086;
	s6 =	sadd.s32 @!p0 s3, s7;
	s7 =	simm.s32 @!p0 $0x108  }
0x21: {  	s3 =	sadd.s32 s3, s9;
	s6 =	sadd.s32 @!p0 $0x88, s6;
	s7 =	simm.s32 @p2 $0x1082  }
0x22: {  	[simem:s7], [sflag:s8] =	dma.local @!p0 [hbm:s6], $0xF7A  }
0x23: {  	s9 =	sor.u32 $0xD0000000, s2;
	s6 =	simm.s32 $0x108;
	_ =	swait.ge @!p0 [sflag:s8], $0x0  }
0x24: {  	s3 =	sadd.s32 $0x88, s3;
	s6 =	simm.s32 @!p1 $0x1082;
	[sflag:s4] =	ssyncset.s32 $0xFFFFF086  }
0x25: {  	[simem:s6], [sflag:s4] =	dma.local [hbm:s3], $0xF7A  }
0x26: {  	[smem:$0x3F97] =	sst s1;
	(tag) =	ssettag s2;
	_ =	strace s9  }
0x27: {  	s1 =	sld [smem:$0x3FA7]  }
0x28: {  	s2 =	sld [smem:$0x3FA8]  }
0x29: {  	s4 =	sld [smem:$0x3FAA]  }
0x2a: {  	p0 =	seq.s32 s5, $0x0;
	s5 =	sld [smem:$0x3FAB]  }
0x2b: {  	s6 =	sld [smem:$0x3FAC]  }
0x2c: {  	s7 =	sld [smem:$0x3FAD]  }
0x2d: {  	s3 =	simm.s32 $0x108;
	s8 =	sld [smem:$0x3FAE]  }
0x2e: {  	s3 =	simm.s32 @!p0 $0x1082;
	s9 =	sld [smem:$0x3FAF]  }
0x2f: {  	lr =	sadd.s32 s0, s3;
	s0 =	sld [smem:$0x3FA6]  }
0x30: {  	s3 =	sld [smem:$0x3FA9]  }
0x31: {  	[smem:$0x3FB2] =	sst s10  }
0x32: {  	s10 =	sld [smem:$0x3FB0];
	_ =	sdelay $0x3  }
0x33: {  	p0 =	seq.s32 s10, $0x1;
	s10 =	sld [smem:$0x3FB2];
	_ =	sdelay $0x3  }
0x34: {  	[smem:$0x3FB2] =	sst s10  }
0x35: {  	s10 =	sld [smem:$0x3FB1];
	_ =	sdelay $0x3  }
0x36: {  	p1 =	seq.s32 s10, $0x1;
	s10 =	sld [smem:$0x3FB2];
	_ =	sdelay $0x3  }
0x37: {  	[smem:$0x3FB2] =	sst s10  }
0x38: {  	s10 =	sld [smem:$0x3FB3]  }
0x39: {  	_ = 	snop;
	(pc) =	sbr.ind lr, $3  }
0x3a: {  	_ = 	snop  }
0x3b: {  	_ = 	snop  }
0x3c: {  	p2 =	seq.s32 s10, $0x1;
	s10 =	sld [smem:$0x3FB2]  }
0x3d: {  	_ =	shalt  }
0x3e: {  	_ =	shalt  }
0x3f: {  	_ =	shalt  }
0x40: {  	_ =	shalt  }
0x41: {  	_ =	shalt  }
0x42: {  	_ =	shalt  }
0x43: {  	_ =	shalt  }
0x44: {  	_ =	shalt  }
0x45: {  	_ =	shalt  }
0x46: {  	_ =	shalt  }
0x47: {  	_ =	shalt  }
0x48: {  	_ =	shalt  }
0x49: {  	_ =	shalt  }
0x4a: {  	_ =	shalt  }
0x4b: {  	_ =	shalt  }
0x4c: {  	_ =	shalt  }
0x4d: {  	_ =	shalt  }
0x4e: {  	_ =	shalt  }
0x4f: {  	_ =	shalt  }
0x50: {  	_ =	shalt  }
0x51: {  	_ =	shalt  }
0x52: {  	_ =	shalt  }
0x53: {  	_ =	shalt  }
0x54: {  	_ =	shalt  }
0x55: {  	_ =	shalt  }
0x56: {  	_ =	shalt  }
0x57: {  	_ =	shalt  }
0x58: {  	_ =	shalt  }
0x59: {  	_ =	shalt  }
0x5a: {  	_ =	shalt  }
0x5b: {  	_ =	shalt  }
0x5c: {  	_ =	shalt  }
0x5d: {  	_ =	shalt  }
0x5e: {  	_ =	shalt  }
0x5f: {  	_ =	shalt  }
0x60: {  	_ =	shalt  }
0x61: {  	_ =	shalt  }
0x62: {  	_ =	shalt  }
0x63: {  	_ =	shalt  }
0x64: {  	_ =	shalt  }
0x65: {  	_ =	shalt  }
0x66: {  	_ =	shalt  }
0x67: {  	_ =	shalt  }
0x68: {  	_ =	shalt  }
0x69: {  	_ =	shalt  }
0x6a: {  	_ =	shalt  }
0x6b: {  	_ =	shalt  }
0x6c: {  	_ =	shalt  }
0x6d: {  	_ =	shalt  }
0x6e: {  	_ =	shalt  }
0x6f: {  	_ =	shalt  }
0x70: {  	_ =	shalt  }
0x71: {  	_ =	shalt  }
0x72: {  	_ =	shalt  }
0x73: {  	_ =	shalt  }
0x74: {  	_ =	shalt  }
0x75: {  	_ =	shalt  }
0x76: {  	_ =	shalt  }
0x77: {  	_ =	shalt  }
0x78: {  	_ =	shalt  }
0x79: {  	_ =	shalt  }
0x7a: {  	_ =	shalt  }
0x7b: {  	_ =	shalt  }
0x7c: {  	_ =	shalt  }
0x7d: {  	_ =	shalt  }
0x7e: {  	_ =	shalt  }
0x7f: {  	_ =	shalt  }
0x80: {  	_ =	shalt  }
0x81: {  	_ =	shalt  }
0x82: {  	_ =	shalt  }
0x83: {  	_ =	shalt  }
0x84: {  	_ =	shalt  }
0x85: {  	_ =	shalt  }
0x86: {  	_ =	shalt  }
0x87: {  	_ =	shalt  }
.Lfunc_end0:
.L_simem_size_0:
called_computation.3_lowered:
.L_overlay_start_0:
0x88: {  	s2 =	sld [smem:$0x3FD9]  }
0x89: {  	s3 =	sld [smem:$0x3FFE];
	_ =	sdelay $0x1  }
0x8a: {  	s1 =	srdreg.scid  }
0x8b: {  	s0 =	sand.u32 $0x1, s1  }
0x8c: {  	s17 =	sshll.u32 s0, $0xA;
	s2 =	sadd.s32 s3, s2  }
0x8d: {  	s2 =	sadd.s32 s2, s17  }
0x8e: {  	[smem:$0x3FBE] =	sst s2  }
0x8f: {  	_ = 	snop  }
0x90: {  	s2 =	sld [smem:$0x3FD0];
	(tm) =	ssettm $0x1  }
0x91: {  	s18 =	sld [smem:$0x3FFB];
	_ =	sdelay $0x3  }
0x92: {  	_ =	strace s18  }
0x93: {  	s3 =	sld [smem:$0x3FFC];
	_ =	sdelay $0x3  }
0x94: {  	_ =	strace s3  }
0x95: {  	s3 =	sld [smem:$0x3FFD];
	_ =	sdelay $0x3  }
0x96: {  	_ =	strace s3  }
0x97: {  	_ =	strace $0x8FFFFFFF  }
0x98: {  	s19 =	sld [smem:$0x3FDB];
	_ =	sdelay $0x1  }
0x99: {  	s4 =	simm.s32 $_scs_section_size  }
0x9a: {  	s5 =	simm.s32 $_size__tile_overlayer_lowered;
	s6 =	simm.s32 $_tile_overlayer_lowered  }
0x9b: {  	s22 =	simm.s32 $0x1BFF;
	s21 =	sshll.u32 s6, $0x1;
	s3 =	sadd.s32 s4, s19  }
0x9c: {  	s7 =	simm.s32 $0x0;
	s20 =	sshll.u32 s5, $0x1;
	s5 =	sadd.s32 s21, s3  }
0x9d: {  	[timem:s7], [sflag:s22] =	dma.local [hbm:s5], s20  }
0x9e: {  	_ =	swait.ge [sflag:s22], s20  }
0x9f: {  	s4 =	ssub.s32 $0x0, s20;
	[sflag:s22] =	ssyncset.done $0x0  }
0xa0: {  	[sflag:s22] =	ssyncadd.s32 s4;
	_ =	sdelay $0x1  }
0xa1: {  	s23 =	simm.s32 $0x1B8B  }
0xa2: {  	_ =	swait.ge [sflag:s23], $0x1  }
0xa3: {  	[sflag:s23] =	ssyncset.done $0x0  }
0xa4: {  	s25 =	simm.s32 $0x1B8E;
	s24 =	sld [smem:$0x3FFE];
	[sflag:s23] =	ssyncadd.s32 $0xFFFFFFFF  }
0xa5: {  	s26 =	simm.s32 $execute0_lowered;
	[smem:$0x3FD2] =	sst s25  }
0xa6: {  	s5 =	sshll.u32 s26, $0x1;
	_ =	strace $0x8000004F;
	[dreg:$0x1] =	wrdreg $0xFFFFFFFF  }
0xa7: {  	s28 =	simm.s32 $_size_execute0_lowered;
	s3 =	sadd.s32 s3, s5;
	[dreg:$0x0] =	wrdreg $0x0  }
0xa8: {  	s5 =	sshll.u32 s28, $0x1;
	[dreg:$0x2] =	wrdreg s3  }
0xa9: {  	[dreg:$0x3] =	wrdreg s5  }
0xaa: {  	[dreg:$0x4] =	wrdreg $0xC0  }
0xab: {  	_ =	task [dreg:s7], $0x5FFFF  }
0xac: {  	[dreg:$0x1] =	wrdreg $0xFFFFFFFF  }
0xad: {  	[dreg:$0x0] =	wrdreg $0x60  }
0xae: {  	[dreg:$0x2] =	wrdreg s24  }
0xaf: {  	[dreg:$0x3] =	wrdreg s2  }
0xb0: {  	[dreg:$0x4] =	wrdreg $0xA8000  }
0xb1: {  	[dreg:$0x5] =	wrdreg $0x9  }
0xb2: {  	_ =	task.clear_ibuf [dreg:s7], $0x6FFFF;
	_ =	strace $0x9000004F  }
0xb3: {  	s29 =	simm.s32 $0x9;
	_ =	strace $0x80000051  }
0xb4: {  	_ =	swait.ge [sflag:s29], $0x1  }
0xb5: {  	[sflag:s29] =	ssyncadd.s32 $0xFFFFFFFF  }
0xb6: {  	_ =	strace $0x90000051  }
0xb7: {  	_ =	sfence  }
0xb8: {  	s30 =	sld [smem:$0x0];
	_ =	sdelay $0x2  }
0xb9: {  	s31 =	sshll.u32 s1, $0xD;
	s1 =	sshrl.u32 s1, $0x2  }
0xba: {  	s3 =	sand.u32 $0x4000, s31;
	s1 =	sadd.s32 s1, s30  }
0xbb: {  	s0 =	sor.u32 s3, s0;
	s1 =	sshll.u32 s1, $0x11  }
0xbc: {  	s0 =	sor.u32 s1, s0  }
0xbd: {  	s0 =	sadd.s32 $0x8F2B, s0  }
0xbe: {  	[sflag:s0] =	ssyncadd.remote.s32 $0x1  }
0xbf: {  	_ =	sfence.sel $0xFFFF  }
0xc0: {  	[dreg:$0x0] =	wrdreg $0xFFFFFFFF;
	(pc) =	sbr.abs _section_cstart, $3  }
0xc1: {  	[dreg:$0x1] =	wrdreg $0xFFFFFFFF  }
0xc2: {  	_ =	task.clear_ibuf [dreg:s7], $0x2FFFF;
	_ =	strace $0x9FFFFFFF  }
0xc3: {  	(tm) =	ssettm $0x7FFFFFFF  }
tec
execute0_lowered:
.L_overlay_start_1:
0x0: {  	(tag) =	ssettag $0x1  }
0x1: {  	s7 =	rddreg [dreg:$0x0]  }
0x2: {  	s9 =	rddreg [dreg:$0x1]  }
0x3: {  	s0 =	srdreg.scid;
	s2 =	rddreg [dreg:$0x2]  }
0x4: {  	s1 =	stileid.u32;
	s3 =	simm.s32 $0x0;
	s18 =	simm.s32 $0x1  }
0x5: {  	s19 =	simm.s32 $0x7D;
	s20 =	simm.s32 $0x2800;
	s21 =	simm.s32 $0x6800  }
0x6: {  	s22 =	simm.s32 $0x2;
	s23 =	simm.s32 $0x3;
	s24 =	simm.s32 $0x4  }
0x7: {  	s25 =	simm.s32 $0x5;
	s10 =	sand.u32 $0x1, s0;
	s0 =	rddreg [dreg:$0x3]  }
0x8: {  	s26 =	simm.s32 $0x0;
	s4 =	smul.u32 $0x2800, s1;
	[smem:$0x7FF] =	sst s3  }
0x9: {  	s6 =	sadd.s32 $0x54E00, s7;
	s15 =	smul.u32 $0x50000, s1;
	s5 =	sshll.u32 s10, $0x4  }
0xa: {  	_ =	strace $0x80000050;
	s13 =	ssub.s32 $0x2, s10;
	p0 =	seq.s32 s10, $0x1  }
0xb: {  	s5 =	sor.u32 s1, s5;
	s12 =	sadd.s32 s4, s7;
	s14 =	sshrl.u32 s13, $0x1  }
0xc: {  	s31 =	sshrl.u32 s15, $0x2;
	s15 =	simm.s32 $0x1400;
	s11 =	smul.u32 $0x280, s5  }
.Ltmp0:
0xd: {  	s5 =	sadd.s32 $0x2CE00, s7;
	s13 =	ssub.s32 s13, s14;
	(pc) =	sbr.rel .LBB2_1-.Ltmp0, $4  }
0xe: {  	s17 =	sadd.s32 s31, s2;
	s14 =	sshll.u32 s1, $0x6;
	s10 =	sadd.s32 s5, s4  }
0xf: {  	s16 =	sor.u32 $0x1C01, s14;
	s17 =	sshrl.u32 s17, $0x3;
	s8 =	sadd.s32 s11, s7  }
0x10: {  	s7 =	sadd.s32 $0xAA600, s7;
	s9 =	sadd.s32 s9, s11;
	s11 =	sadd.s32 $0x4E00, s12  }
0x11: {  	s12 =	smax.u32 s13, $0x1;
	s13 =	simm.s32 $0x6;
	s8 =	sadd.s32 $0x7D600, s8  }
.LBB2_7:
0x12: {  	s28 =	sshra.s32 s28, $0x2;
	[sflag:s25] =	ssyncadd.s32 $0xFFFFC180  }
0x13: {  	[tilespmem:s20], [sflag:$0x2] =	stream.indirect.gather [hbm4b:s5+s19], $0x80, s28, s19, $0xb8;
	[tilespmem:$0x1E800] =	vst v63  }
0x14: {  	s29 =	sadd.s32 $0x80, s28  }
0x15: {  	[tilespmem:s21], [sflag:$0x3] =	stream.indirect.gather [hbm4b:s5+s19], $0x80, s29, s19, $0xb8;
	[tilespmem:$0x1E800] =	vst v63  }
0x16: {  	_ =	swait.ge [sflag:s22], $0x3E80  }
0x17: {  	[sflag:s22] =	ssyncset.done $0x0  }
0x18: {  	s31 =	sadd.s32 $0x1400, s28;
	[sflag:s22] =	ssyncadd.s32 $0xFFFFC180  }
0x19: {  	[spmem:s2] =	stream.indirect.scatter.add.f32 [tilespmem:s20], [sflag:$0x4], $0x80, s31, s19, $0xb8;
	[tilespmem:$0x1E800] =	vst v63  }
0x1a: {  	_ =	swait.ge [sflag:s23], $0x3E80  }
0x1b: {  	[sflag:s23] =	ssyncset.done $0x0  }
0x1c: {  	s28 =	sadd.s32 $0x1480, s28;
	[sflag:s23] =	ssyncadd.s32 $0xFFFFC180  }
0x1d: {  	[spmem:s2] =	stream.indirect.scatter.add.f32 [tilespmem:s21], [sflag:$0x5], $0x80, s28, s19, $0xb8;
	[tilespmem:$0x1E800] =	vst v63  }
0x1e: {  	_ =	swait.ge [sflag:s24], $0x3E80  }
0x1f: {  	[sflag:s24] =	ssyncset.done $0x0  }
0x20: {  	[sflag:s24] =	ssyncadd.s32 $0xFFFFC180  }
0x21: {  	_ =	swait.ge [sflag:s25], $0x3E80  }
0x22: {  	[sflag:s25] =	ssyncset.done $0x0  }
0x23: {  	s28 =	smov.u32 s7;
	[sflag:s25] =	ssyncadd.s32 $0xFFFFC180  }
.LBB2_8:
0x24: {  	s26 =	sadd.s32 $0x1, s26  }
0x25: {  	s28 =	sadd.s32 s28, s4;
	p1 =	sne.s32 s26, s12  }
.Ltmp1:
0x26: {  	[bflag:$0x0] =	sbarrier.arrive $0xFFFF;
	s29 =	sor.u32 $0x1C06, s14;
	(pc) =	sbr.rel @!p1 .LBB2_9-.Ltmp1, $4  }
0x27: {  	[hbm:s28], [sflag:s29] =	dma.local [spmem:s17], $0x2800  }
0x28: {  	_ =	swait.ge [sflag:s13], $0x2800  }
0x29: {  	[sflag:s13] =	ssyncset.done $0x0  }
0x2a: {  	[sflag:s13] =	ssyncadd.s32 $0xFFFFD800  }
.LBB2_1:
0x2b: {  	[tilespmem:s3], [sflag:$0x6] =	stream.linear.gather [hbm4b:s8+s3], $0x1400, $0x38;
	[tilespmem:$0x1E800] =	vst v63  }
0x2c: {  	_ =	swait.ge [sflag:s13], $0x1400  }
0x2d: {  	[sflag:s13] =	ssyncset.done $0x0  }
.Ltmp2:
0x2e: {  	[sflag:s13] =	ssyncadd.s32 $0xFFFFEC00;
	(pc) =	sbr.rel @!p0 .LBB2_2-.Ltmp2, $4  }
0x2f: {  	[tilespmem:s15], [sflag:$0x6] =	stream.linear.gather [hbm4b:s9+s3], $0x1400, $0x38;
	[tilespmem:$0x1E800] =	vst v63  }
0x30: {  	_ =	swait.ge [sflag:s13], $0x1400  }
0x31: {  	[sflag:s13] =	ssyncset.done $0x0  }
0x32: {  	[sflag:s13] =	ssyncadd.s32 $0xFFFFEC00  }
0x33: {  	[spmem:s17], [sflag:s16] =	dma.local [hbm:s11], $0x2800  }
0x34: {  	_ =	swait.ge [sflag:s18], $0x2800  }
0x35: {  	[sflag:s18] =	ssyncset.done $0x0  }
0x36: {  	[sflag:s18] =	ssyncadd.s32 $0xFFFFD800  }
0x37: {  	s28 =	simm.s32 $0x0;
	[bflag:$0x0] =	sbarrier.arrive $0xFFFF  }
0x38: {  	[tilespmem:s20], [sflag:$0x2] =	stream.indirect.gather [hbm4b:s5+s19], $0x80, s28, s19, $0xb8;
	[tilespmem:$0x1E800] =	vst v63  }
0x39: {  	s28 =	simm.s32 $0x80  }
0x3a: {  	[tilespmem:s21], [sflag:$0x3] =	stream.indirect.gather [hbm4b:s5+s19], $0x80, s28, s19, $0xb8;
	[tilespmem:$0x1E800] =	vst v63  }
0x3b: {  	_ =	swait.ge [sflag:s22], $0x3E80  }
0x3c: {  	[sflag:s22] =	ssyncset.done $0x0  }
0x3d: {  	s28 =	simm.s32 $0x1400;
	[sflag:s22] =	ssyncadd.s32 $0xFFFFC180  }
0x3e: {  	[spmem:s2] =	stream.indirect.scatter.add.f32 [tilespmem:s20], [sflag:$0x4], $0x80, s28, s19, $0xb8;
	[tilespmem:$0x1E800] =	vst v63  }
0x3f: {  	_ =	swait.ge [sflag:s23], $0x3E80  }
0x40: {  	[sflag:s23] =	ssyncset.done $0x0  }
0x41: {  	s28 =	simm.s32 $0x1480;
	[sflag:s23] =	ssyncadd.s32 $0xFFFFC180  }
0x42: {  	[spmem:s2] =	stream.indirect.scatter.add.f32 [tilespmem:s21], [sflag:$0x5], $0x80, s28, s19, $0xb8;
	[tilespmem:$0x1E800] =	vst v63  }
0x43: {  	_ =	swait.ge [sflag:s24], $0x3E80  }
0x44: {  	[sflag:s24] =	ssyncset.done $0x0  }
0x45: {  	[sflag:s24] =	ssyncadd.s32 $0xFFFFC180  }
0x46: {  	_ =	swait.ge [sflag:s25], $0x3E80  }
0x47: {  	s29 =	simm.s32 $0x800;
	s28 =	simm.s32 $0x400;
	[sflag:s25] =	ssyncset.done $0x0  }
.LBB2_6:
0x48: {  	s30 =	sshra.s32 s28, $0x2  }
0x49: {  	[sflag:s25] =	ssyncadd.s32 $0xFFFFC180;
	s28 =	smov.u32 s29;
	s31 =	sadd.s32 $0x400, s29  }
0x4a: {  	[tilespmem:s20], [sflag:$0x2] =	stream.indirect.gather [hbm4b:s5+s19], $0x80, s30, s19, $0xb8;
	[tilespmem:$0x1E800] =	vst v63  }
0x4b: {  	p1 =	sne.s32 s29, $0x4C00;
	s29 =	sadd.s32 $0x80, s30  }
0x4c: {  	[tilespmem:s21], [sflag:$0x3] =	stream.indirect.gather [hbm4b:s5+s19], $0x80, s29, s19, $0xb8;
	[tilespmem:$0x1E800] =	vst v63  }
0x4d: {  	_ =	swait.ge [sflag:s22], $0x3E80  }
0x4e: {  	[sflag:s22] =	ssyncset.done $0x0  }
0x4f: {  	s29 =	sadd.s32 $0x1400, s30;
	[sflag:s22] =	ssyncadd.s32 $0xFFFFC180  }
0x50: {  	[spmem:s2] =	stream.indirect.scatter.add.f32 [tilespmem:s20], [sflag:$0x4], $0x80, s29, s19, $0xb8;
	[tilespmem:$0x1E800] =	vst v63  }
0x51: {  	_ =	swait.ge [sflag:s23], $0x3E80  }
0x52: {  	[sflag:s23] =	ssyncset.done $0x0  }
0x53: {  	s29 =	sadd.s32 $0x1480, s30;
	[sflag:s23] =	ssyncadd.s32 $0xFFFFC180  }
0x54: {  	[spmem:s2] =	stream.indirect.scatter.add.f32 [tilespmem:s21], [sflag:$0x5], $0x80, s29, s19, $0xb8;
	[tilespmem:$0x1E800] =	vst v63  }
.Ltmp3:
0x55: {  	_ =	swait.ge [sflag:s24], $0x3E80;
	(pc) =	sbr.rel @p1 .LBB2_6-.Ltmp3, $4  }
0x56: {  	[sflag:s24] =	ssyncset.done $0x0  }
0x57: {  	[sflag:s24] =	ssyncadd.s32 $0xFFFFC180  }
0x58: {  	_ =	swait.ge [sflag:s25], $0x3E80  }
0x59: {  	s29 =	smov.u32 s31;
	[sflag:s25] =	ssyncset.done $0x0  }
.Ltmp4:
0x5a: {  	_ = 	snop;
	(pc) =	sbr.rel .LBB2_7-.Ltmp4, $1  }
0x5b: {  	_ =	sdelay $0x3  }
.LBB2_2:
0x5c: {  	[spmem:s17], [sflag:s16] =	dma.local [hbm:s10], $0x2800  }
0x5d: {  	_ =	swait.ge [sflag:s18], $0x2800  }
0x5e: {  	[sflag:s18] =	ssyncset.done $0x0  }
0x5f: {  	[sflag:s18] =	ssyncadd.s32 $0xFFFFD800  }
0x60: {  	s28 =	simm.s32 $0x0;
	[bflag:$0x0] =	sbarrier.arrive $0xFFFF  }
0x61: {  	[tilespmem:s20], [sflag:$0x2] =	stream.indirect.gather [hbm4b:s5+s19], $0x80, s28, s19, $0xb8;
	[tilespmem:$0x1E800] =	vst v63  }
0x62: {  	s28 =	simm.s32 $0x80  }
0x63: {  	[tilespmem:s21], [sflag:$0x3] =	stream.indirect.gather [hbm4b:s5+s19], $0x80, s28, s19, $0xb8;
	[tilespmem:$0x1E800] =	vst v63  }
0x64: {  	_ =	swait.ge [sflag:s22], $0x3E80  }
0x65: {  	[sflag:s22] =	ssyncset.done $0x0  }
0x66: {  	s28 =	simm.s32 $0x1400;
	[sflag:s22] =	ssyncadd.s32 $0xFFFFC180  }
0x67: {  	[spmem:s2] =	stream.indirect.scatter.add.f32 [tilespmem:s20], [sflag:$0x4], $0x80, s28, s19, $0xb8;
	[tilespmem:$0x1E800] =	vst v63  }
0x68: {  	_ =	swait.ge [sflag:s23], $0x3E80  }
0x69: {  	[sflag:s23] =	ssyncset.done $0x0  }
0x6a: {  	s28 =	simm.s32 $0x1480;
	[sflag:s23] =	ssyncadd.s32 $0xFFFFC180  }
0x6b: {  	[spmem:s2] =	stream.indirect.scatter.add.f32 [tilespmem:s21], [sflag:$0x5], $0x80, s28, s19, $0xb8;
	[tilespmem:$0x1E800] =	vst v63  }
0x6c: {  	_ =	swait.ge [sflag:s24], $0x3E80  }
0x6d: {  	[sflag:s24] =	ssyncset.done $0x0  }
0x6e: {  	[sflag:s24] =	ssyncadd.s32 $0xFFFFC180  }
0x6f: {  	_ =	swait.ge [sflag:s25], $0x3E80  }
0x70: {  	s29 =	simm.s32 $0x800;
	s28 =	simm.s32 $0x400;
	[sflag:s25] =	ssyncset.done $0x0  }
.LBB2_3:
0x71: {  	s30 =	sshra.s32 s28, $0x2  }
0x72: {  	[sflag:s25] =	ssyncadd.s32 $0xFFFFC180;
	s28 =	smov.u32 s29;
	s31 =	sadd.s32 $0x400, s29  }
0x73: {  	[tilespmem:s20], [sflag:$0x2] =	stream.indirect.gather [hbm4b:s5+s19], $0x80, s30, s19, $0xb8;
	[tilespmem:$0x1E800] =	vst v63  }
0x74: {  	p1 =	seq.s32 s29, $0x4C00;
	s29 =	sadd.s32 $0x80, s30  }
0x75: {  	[tilespmem:s21], [sflag:$0x3] =	stream.indirect.gather [hbm4b:s5+s19], $0x80, s29, s19, $0xb8;
	[tilespmem:$0x1E800] =	vst v63  }
0x76: {  	_ =	swait.ge [sflag:s22], $0x3E80  }
0x77: {  	[sflag:s22] =	ssyncset.done $0x0  }
0x78: {  	s29 =	sadd.s32 $0x1400, s30;
	[sflag:s22] =	ssyncadd.s32 $0xFFFFC180  }
0x79: {  	[spmem:s2] =	stream.indirect.scatter.add.f32 [tilespmem:s20], [sflag:$0x4], $0x80, s29, s19, $0xb8;
	[tilespmem:$0x1E800] =	vst v63  }
0x7a: {  	_ =	swait.ge [sflag:s23], $0x3E80  }
0x7b: {  	[sflag:s23] =	ssyncset.done $0x0  }
0x7c: {  	s29 =	sadd.s32 $0x1480, s30;
	[sflag:s23] =	ssyncadd.s32 $0xFFFFC180  }
0x7d: {  	[spmem:s2] =	stream.indirect.scatter.add.f32 [tilespmem:s21], [sflag:$0x5], $0x80, s29, s19, $0xb8;
	[tilespmem:$0x1E800] =	vst v63  }
.Ltmp5:
0x7e: {  	_ =	swait.ge [sflag:s24], $0x3E80;
	(pc) =	sbr.rel @!p1 .LBB2_3-.Ltmp5, $4  }
0x7f: {  	[sflag:s24] =	ssyncset.done $0x0  }
0x80: {  	[sflag:s24] =	ssyncadd.s32 $0xFFFFC180  }
0x81: {  	_ =	swait.ge [sflag:s25], $0x3E80  }
0x82: {  	s29 =	smov.u32 s31;
	[sflag:s25] =	ssyncset.done $0x0  }
0x83: {  	s28 =	sshra.s32 s28, $0x2;
	[sflag:s25] =	ssyncadd.s32 $0xFFFFC180  }
0x84: {  	[tilespmem:s20], [sflag:$0x2] =	stream.indirect.gather [hbm4b:s5+s19], $0x80, s28, s19, $0xb8;
	[tilespmem:$0x1E800] =	vst v63  }
0x85: {  	s29 =	sadd.s32 $0x80, s28  }
0x86: {  	[tilespmem:s21], [sflag:$0x3] =	stream.indirect.gather [hbm4b:s5+s19], $0x80, s29, s19, $0xb8;
	[tilespmem:$0x1E800] =	vst v63  }
0x87: {  	_ =	swait.ge [sflag:s22], $0x3E80  }
0x88: {  	[sflag:s22] =	ssyncset.done $0x0  }
0x89: {  	s31 =	sadd.s32 $0x1400, s28;
	[sflag:s22] =	ssyncadd.s32 $0xFFFFC180  }
0x8a: {  	[spmem:s2] =	stream.indirect.scatter.add.f32 [tilespmem:s20], [sflag:$0x4], $0x80, s31, s19, $0xb8;
	[tilespmem:$0x1E800] =	vst v63  }
0x8b: {  	_ =	swait.ge [sflag:s23], $0x3E80  }
0x8c: {  	[sflag:s23] =	ssyncset.done $0x0  }
0x8d: {  	s28 =	sadd.s32 $0x1480, s28;
	[sflag:s23] =	ssyncadd.s32 $0xFFFFC180  }
0x8e: {  	[spmem:s2] =	stream.indirect.scatter.add.f32 [tilespmem:s21], [sflag:$0x5], $0x80, s28, s19, $0xb8;
	[tilespmem:$0x1E800] =	vst v63  }
0x8f: {  	_ =	swait.ge [sflag:s24], $0x3E80  }
.Ltmp6:
0x90: {  	[sflag:s24] =	ssyncset.done $0x0;
	(pc) =	sbr.rel .LBB2_8-.Ltmp6, $4  }
0x91: {  	[sflag:s24] =	ssyncadd.s32 $0xFFFFC180  }
0x92: {  	_ =	swait.ge [sflag:s25], $0x3E80  }
0x93: {  	[sflag:s25] =	ssyncset.done $0x0  }
0x94: {  	s28 =	smov.u32 s6;
	[sflag:s25] =	ssyncadd.s32 $0xFFFFC180  }
.LBB2_9:
0x95: {  	_ =	sfence.sel $0x180000  }
0x96: {  	[bflag:$0x0] =	sbarrier.arrive $0xFFFF  }
0x97: {  	p0 =	sne.s32 s1, $0x0;
	_ =	strace $0x90000050  }
0x98: {  	s0 =	sadd.s32 @!p0 $0x100000, s0;
	[bflag:$0x2] =	sbarrier.arrive $0xFFFF  }
0x99: {  	[sflag:s0] =	ssyncadd.tile.s32 @!p0 $0x1;
	_ =	shalt  }
.Lfunc_end2:
_tile_overlayer_lowered:
.L_overlay_start_2:
0x9a: {  	(tag) =	ssettag $0x2  }
0x9b: {  	s0 =	rddreg [dreg:$0x0];
	s2 =	stileid.u32  }
0x9c: {  	s1 =	rddreg [dreg:$0x1];
	p0 =	sne.s32 s2, $0x0  }
0x9d: {  	s3 =	rddreg [dreg:$0x2];
	[bflag:$0x3] =	sbarrier.arrive $0xFFFF;
	s2 =	simm.s32 @!p0 $0x1C06  }
0x9e: {  	[timem:s3], [sflag:s2] =	dma.local @!p0 [hbm:s0], s1  }
0x9f: {  	s0 =	simm.s32 @!p0 $0x6  }
0xa0: {  	_ =	swait.ge @!p0 [sflag:s0], s1  }
0xa1: {  	s1 =	ssub.s32 @!p0 $0x0, s1;
	[sflag:s0] =	ssyncset.done @!p0 $0x0  }
0xa2: {  	[sflag:s0] =	ssyncadd.s32 @!p0 s1  }
0xa3: {  	[bflag:$0x3] =	sbarrier.arrive $0xFFFF  }
0xa4: {  	_ =	shalt  }

</sc_bundles>
